<compile_context>
chip_gen: v7x
topology: tpu7x:2x2x1
jax: 0.10.2.dev20260603
libtpu: 0.0.44.dev20260713+nightly
codegen_flags: <defaults>
</compile_context>

<pallas_src>
import functools

import jax
import jax.numpy as jnp
from jax import lax
from jax.experimental import pallas as pl
from jax.experimental.pallas import tpu as pltpu
from jax.experimental.pallas import tpu_sc as plsc

N = 20000
PADN = N + 16
NRUNS = 16
OUTROWS = 208
TOPK = 200
OVERLAP = 0.45
CLS_THRESH = 0.01
VAR0, VAR1 = 0.1, 0.2
NEG = float("-inf")
SENT = -1e37
BIGI = 2**31 - 1
EPS = 1e-12


def _tc_body(cls_ref, loc_ref, dflt_ref, work_ref, lo_ref, hi_ref):
    c0 = cls_ref[0]
    c1 = cls_ref[1]
    c2 = cls_ref[2]
    c3 = cls_ref[3]
    c4 = cls_ref[4]
    m = jnp.maximum(jnp.maximum(jnp.maximum(c0, c1), jnp.maximum(c2, c3)), c4)
    e0 = jnp.exp(c0 - m)
    e1 = jnp.exp(c1 - m)
    e2 = jnp.exp(c2 - m)
    e3 = jnp.exp(c3 - m)
    e4 = jnp.exp(c4 - m)
    s = e0 + e1 + e2 + e3 + e4
    for k, ek in enumerate((e1, e2, e3, e4)):
        p = ek / s
        work_ref[pl.ds(4 * k, 4), :] = jnp.where(p > CLS_THRESH, p, NEG)
    l0 = loc_ref[0]
    l1 = loc_ref[1]
    d0 = dflt_ref[0][None, :]
    d1 = dflt_ref[1][None, :]
    cx = d0 + l0 * VAR0 * d1
    w = d1 * jnp.exp(l1 * VAR1)
    lo_ref[...] = cx - w / 2.0
    hi_ref[...] = cx + w / 2.0


def _tc_stage(cls_t, loc_t, dflt_t):
    return pl.pallas_call(
        _tc_body,
        out_shape=(
            jax.ShapeDtypeStruct((NRUNS, N), jnp.float32),
            jax.ShapeDtypeStruct((4, N), jnp.float32),
            jax.ShapeDtypeStruct((4, N), jnp.float32),
        ),
    )(cls_t, loc_t, dflt_t)


def _pp_pass(src, dst, m_count, box_a, box_b=None):
    wsrc, lsrc, hsrc = src
    wdst, ldst, hdst = dst
    lane = lax.iota(jnp.int32, 16)
    nch = (m_count + 15) // 16
    ones = jnp.full((16,), 1, jnp.int32)
    blo_a, bhi_a, blen_a = box_a
    init = (
        jnp.full((16,), -1, jnp.int32),
        jnp.full((16,), NEG, jnp.float32),
        jnp.zeros((16,), jnp.int32),
        jnp.full((16,), NEG, jnp.float32),
        jnp.zeros((16,), jnp.int32),
    )

    def chunk(i, carry):
        woffv, am1, ap1, am2, ap2 = carry
        base = i * 16
        w = wsrc[pl.ds(base, 16)]
        l = lsrc[pl.ds(base, 16)]
        h = hsrc[pl.ds(base, 16)]
        ln = jnp.maximum(h - l, 0.0)
        inter = jnp.maximum(jnp.minimum(h, bhi_a) - jnp.maximum(l, blo_a), 0.0)
        union = ln + blen_a - inter
        iou = inter / jnp.maximum(union, EPS)
        keep = (iou <= OVERLAP) & (w > SENT)
        if box_b is not None:
            blo_b, bhi_b, blen_b = box_b
            inter_b = jnp.maximum(
                jnp.minimum(h, bhi_b) - jnp.maximum(l, blo_b), 0.0)
            union_b = ln + blen_b - inter_b
            iou_b = inter_b / jnp.maximum(union_b, EPS)
            keep = keep & (iou_b <= OVERLAP)
        cs = plsc.cumsum(ones, mask=keep)
        pos = woffv + cs
        plsc.store_scatter(wdst, [pos], w, mask=keep)
        plsc.store_scatter(ldst, [pos], l, mask=keep)
        plsc.store_scatter(hdst, [pos], h, mask=keep)
        wk = jnp.where(keep, w, NEG)
        gt1 = wk > am1
        sv = jnp.where(gt1, am1, wk)
        sp = jnp.where(gt1, ap1, pos)
        am1 = jnp.where(gt1, wk, am1)
        ap1 = jnp.where(gt1, pos, ap1)
        gt2 = sv > am2
        am2 = jnp.where(gt2, sv, am2)
        ap2 = jnp.where(gt2, sp, ap2)
        woffv = woffv + plsc.all_reduce_population_count(keep)
        return woffv, am1, ap1, am2, ap2

    woffv, am1, ap1, am2, ap2 = plsc.parallel_loop(
        0, nch, unroll=16, carry=init)(chunk)
    new_count = jnp.max(woffv) + 1
    plsc.store_scatter(
        wdst, [jnp.full((16,), new_count, jnp.int32) + lane],
        jnp.full((16,), NEG, jnp.float32))
    return new_count, am1, ap1, am2, ap2


def _step_with(t, carry, src, dst, out_v, lane):
    m_count, am1, ap1, am2, ap2 = carry
    wsrc, lsrc, hsrc = src
    ma = jnp.max(am1)
    valid_a = ma > 0.0

    def do_step(_):
        pa = jnp.min(jnp.where(am1 == ma, ap1, BIGI))
        pav = jnp.full((16,), pa, jnp.int32)
        blo_a = plsc.load_gather(lsrc, [pav])
        bhi_a = plsc.load_gather(hsrc, [pav])
        sva = jnp.full((16,), ma, jnp.float32)
        out_a = jnp.where(lane == 0, blo_a,
                          jnp.where(lane == 1, bhi_a,
                                    jnp.where(lane == 2, sva, 0.0)))
        plsc.store_scatter(out_v, [t * 16 + lane], out_a)
        blen_a = jnp.maximum(bhi_a - blo_a, 0.0)
        on_a = ap1 == pa
        bm = jnp.where(on_a, am2, am1)
        bp = jnp.where(on_a, ap2, ap1)
        mb = jnp.max(bm)
        pb = jnp.min(jnp.where(bm == mb, bp, BIGI))
        pbv = jnp.full((16,), pb, jnp.int32)
        blo_b = plsc.load_gather(lsrc, [pbv])
        bhi_b = plsc.load_gather(hsrc, [pbv])
        ln_b = jnp.maximum(bhi_b - blo_b, 0.0)
        inter_ab = jnp.maximum(
            jnp.minimum(bhi_b, bhi_a) - jnp.maximum(blo_b, blo_a), 0.0)
        union_ab = ln_b + blen_a - inter_ab
        iou_ab = inter_ab / jnp.maximum(union_ab, EPS)
        pairv = (iou_ab <= OVERLAP).astype(jnp.int32)
        pair_ok = (mb > 0.0) & (jnp.max(pairv) > 0)

        def paired(_):
            svb = jnp.full((16,), mb, jnp.float32)
            out_b = jnp.where(lane == 0, blo_b,
                              jnp.where(lane == 1, bhi_b,
                                        jnp.where(lane == 2, svb, 0.0)))
            plsc.store_scatter(out_v, [(t + 1) * 16 + lane], out_b)
            kill = jnp.where(lane == 0, pa, pb)
            plsc.store_scatter(wsrc, [kill],
                               jnp.full((16,), NEG, jnp.float32),
                               mask=lane < 2)
            st = _pp_pass(src, dst, m_count,
                          (blo_a, bhi_a, blen_a), (blo_b, bhi_b, ln_b))
            return (jnp.int32(2),) + st

        def single(_):
            plsc.store_scatter(wsrc, [pav],
                               jnp.full((16,), NEG, jnp.float32),
                               mask=lane == 0)
            st = _pp_pass(src, dst, m_count, (blo_a, bhi_a, blen_a))
            return (jnp.int32(1),) + st

        return lax.cond(pair_ok, paired, single, None)

    def no_step(_):
        plsc.store_scatter(out_v, [t * 16 + lane],
                           jnp.zeros((16,), jnp.float32))
        return jnp.int32(1), m_count, am1, ap1, am2, ap2

    return lax.cond(valid_a, do_step, no_step, None)


def _sc_body(work_hbm, lo_hbm, hi_hbm, out_hbm,
             wa, la, ha, wb, lb, hb, out_v):
    c = lax.axis_index("c")
    s = lax.axis_index("s")
    r = c * 8 + s
    lane = lax.iota(jnp.int32, 16)

    @pl.when(s < 8)
    def _run():
        b = r % 4
        pltpu.sync_copy(work_hbm.at[pl.ds(r * N, N)], wa.at[pl.ds(0, N)])
        pltpu.sync_copy(lo_hbm.at[pl.ds(b * N, N)], la.at[pl.ds(0, N)])
        pltpu.sync_copy(hi_hbm.at[pl.ds(b * N, N)], ha.at[pl.ds(0, N)])

        aset = (wa, la, ha)
        bset = (wb, lb, hb)
        far = jnp.full((16,), 2e30, jnp.float32)
        zero = jnp.zeros((16,), jnp.float32)
        state0 = _pp_pass(aset, bset, jnp.int32(N), (far, far, zero))

        def wcond(carry):
            return carry[0] < TOPK

        def wbody(carry):
            t, parity, m_count, am1, ap1, am2, ap2 = carry
            st = (m_count, am1, ap1, am2, ap2)

            def even(_):
                return _step_with(t, st, bset, aset, out_v, lane)

            def odd(_):
                return _step_with(t, st, aset, bset, out_v, lane)

            adv, mc, b1, b2, b3, b4 = lax.cond(parity == 0, even, odd, None)
            return t + adv, 1 - parity, mc, b1, b2, b3, b4

        lax.while_loop(wcond, wbody,
                       (jnp.int32(0), jnp.int32(0)) + state0)
        pltpu.sync_copy(out_v, out_hbm.at[pl.ds(r * OUTROWS * 16, OUTROWS * 16)])


@functools.partial(
    pl.kernel,
    out_type=jax.ShapeDtypeStruct((NRUNS * OUTROWS * 16,), jnp.float32),
    mesh=plsc.VectorSubcoreMesh(core_axis_name="c", subcore_axis_name="s"),
    scratch_types=[
        pltpu.VMEM((PADN,), jnp.float32),
        pltpu.VMEM((PADN,), jnp.float32),
        pltpu.VMEM((PADN,), jnp.float32),
        pltpu.VMEM((PADN,), jnp.float32),
        pltpu.VMEM((PADN,), jnp.float32),
        pltpu.VMEM((PADN,), jnp.float32),
        pltpu.VMEM((OUTROWS * 16,), jnp.float32),
    ],
    compiler_params=pltpu.CompilerParams(needs_layout_passes=False),
)
def _sc_nms(work_hbm, lo_hbm, hi_hbm, out_hbm,
            wa, la, ha, wb, lb, hb, out_v):
    _sc_body(work_hbm, lo_hbm, hi_hbm, out_hbm,
             wa, la, ha, wb, lb, hb, out_v)


@jax.jit
def kernel(localizations, classifications, detection_threshold,
           localizations_default):
    del detection_threshold
    cls_t = jnp.transpose(classifications, (2, 0, 1))
    loc_t = jnp.transpose(localizations, (2, 0, 1))
    dflt_t = jnp.transpose(localizations_default, (1, 0))
    work0, lo, hi = _tc_stage(cls_t, loc_t, dflt_t)
    out_flat = _sc_nms(work0.reshape(-1), lo.reshape(-1), hi.reshape(-1))
    out = out_flat.reshape(4, 4, OUTROWS, 16)[:, :, :TOPK, :3]
    return jnp.transpose(out, (1, 0, 2, 3))

# --- scband reference (transcript-rebuilt; emitter-appended) ---
"""Pipeline reference for scband-detection-53420803228400 (READ-ONLY COPY).

The authoritative reference and input builder live on the scoring server;
editing this copy changes nothing except your own understanding.
"""

import jax, jax.numpy as jnp
import numpy as np

NUM_CLASSES = 5
OVERLAP = 0.45
TOP_K = 200
CLS_THRESH = 0.01
VAR0, VAR1 = 0.1, 0.2


def decode(loc, defaults):
    # 1D SSD-style decode: defaults = [center, width]; loc = [d_center, d_width]
    cx = defaults[:, 0] + loc[:, 0] * VAR0 * defaults[:, 1]
    w = defaults[:, 1] * jnp.exp(loc[:, 1] * VAR1)
    return jnp.stack([cx - w / 2.0, cx + w / 2.0], axis=1)


def nms_1d(boxes, scores, overlap, top_k, cls_thresh):
    # Greedy NMS over 1D intervals, fixed-shape (top_k slots, zero-padded).
    lengths = jnp.clip(boxes[:, 1] - boxes[:, 0], 0.0)
    work0 = jnp.where(scores > cls_thresh, scores, -jnp.inf)

    def step(work, _):
        j = jnp.argmax(work)
        s = work[j]
        b = boxes[j]
        inter = jnp.clip(jnp.minimum(boxes[:, 1], b[1]) - jnp.maximum(boxes[:, 0], b[0]), 0.0)
        union = lengths + jnp.clip(b[1] - b[0], 0.0) - inter
        iou = inter / jnp.maximum(union, 1e-12)
        work = jnp.where(iou > overlap, -jnp.inf, work)
        work = work.at[j].set(-jnp.inf)
        valid = jnp.isfinite(s)
        s_out = jnp.where(valid, s, 0.0)
        b_out = jnp.where(valid, b, jnp.zeros_like(b))
        return work, (b_out, s_out)

    _, (kept_boxes, kept_scores) = jax.lax.scan(step, work0, None, length=top_k)
    return jnp.concatenate([kept_boxes, kept_scores[:, None]], axis=1)  # [top_k, 3]


def _forward(localizations, classifications, detection_threshold, localizations_default):
    batch = localizations.shape[0]
    scores_ground = jax.nn.softmax(classifications, axis=2)
    # len(detection_threshold) == 4 -> z1 == 2 branch (dead code in original: result unused)
    a1 = classifications[..., jnp.array([0, 1])]
    a2 = classifications[..., jnp.array([0, 2])]
    a3 = classifications[..., jnp.array([0, 3])]
    a4 = classifications[..., jnp.array([0, 4])]
    col1 = jax.nn.softmax(a1, axis=2)[..., 1:2]
    col2 = jax.nn.softmax(a2, axis=2)[..., 1:2]
    col3 = jax.nn.softmax(a3, axis=2)[..., 1:2]
    col4 = jax.nn.softmax(a4, axis=2)[..., 1:2]
    dt = detection_threshold
    scores122 = jnp.concatenate([col1 / dt[0], col2 / dt[1], col3 / dt[2], col4 / dt[3]], axis=2)
    scores122_actual = jnp.concatenate([col1, col2, col3, col4], axis=2)
    m = (scores122[0] == scores122[0].max(axis=1, keepdims=True)).astype(jnp.float32)
    _dead = scores122_actual[0] * m  # unused, as in original
    scores = scores_ground
    outs = []
    for i in range(batch):
        loc_dec = decode(localizations[i], localizations_default)
        per_class = []
        for class_index in range(1, NUM_CLASSES):
            per_class.append(nms_1d(loc_dec, scores[i, :, class_index], OVERLAP, TOP_K, CLS_THRESH))
        outs.append(jnp.stack(per_class, axis=0))
    return jnp.stack(outs, axis=0)  # [batch, NUM_CLASSES-1, TOP_K, 3]


def setup_inputs(seed: int = 0) -> dict:
    key = jax.random.key(seed)
    k1, k2, k3, k4, k5 = jax.random.split(key, 5)
    localizations = jax.random.normal(k1, (4, 20000, 2), dtype=jnp.float32)
    classifications = jax.random.normal(k2, (4, 20000, 5), dtype=jnp.float32)
    detection_threshold = jax.random.uniform(k3, (4,), dtype=jnp.float32, minval=0.25, maxval=0.75)
    cx = jax.random.uniform(k4, (20000,), dtype=jnp.float32, minval=0.0, maxval=1.0)
    w = jax.random.uniform(k5, (20000,), dtype=jnp.float32, minval=0.01, maxval=0.2)
    localizations_default = jnp.stack([cx, w], axis=1)
    return {
        "localizations": localizations,
        "classifications": classifications,
        "detection_threshold": detection_threshold,
        "localizations_default": localizations_default,
    }


def reference(localizations, classifications, detection_threshold, localizations_default):
    return _forward(localizations, classifications, detection_threshold, localizations_default)

if __name__ == "__main__":
    import jax
    _d = setup_inputs()
    print(jax.jit(kernel)(*tuple(_d.values())))

</pallas_src>

<mosaic_0001>
#map = affine_map<(d0, d1) -> (0)>
module attributes {stable_mosaic.version = 14 : i64} {
  func.func @_sc_nms(%arg0: i32, %arg1: i32, %arg2: memref<320000xf32, #tpu.memory_space<hbm>>, %arg3: memref<80000xf32, #tpu.memory_space<hbm>>, %arg4: memref<80000xf32, #tpu.memory_space<hbm>>, %arg5: memref<53248xf32, #tpu.memory_space<hbm>>, %arg6: memref<20016xf32, #tpu.memory_space<vmem>>, %arg7: memref<20016xf32, #tpu.memory_space<vmem>>, %arg8: memref<20016xf32, #tpu.memory_space<vmem>>, %arg9: memref<20016xf32, #tpu.memory_space<vmem>>, %arg10: memref<20016xf32, #tpu.memory_space<vmem>>, %arg11: memref<20016xf32, #tpu.memory_space<vmem>>, %arg12: memref<3328xf32, #tpu.memory_space<vmem>>) attributes {dimension_semantics = [#tpu.dimension_semantics<core_parallel>, #tpu.dimension_semantics<subcore_parallel>], iteration_bounds = array<i64: 2, 16>, scalar_prefetch = 0 : i64, scratch_operands = 7 : i64, tpu.core_type = #tpu.core_type<sc_vector_subcore>, window_params = [{transform_indices = #map}, {transform_indices = #map}, {transform_indices = #map}, {transform_indices = #map}]} {
    %mul3A = arith.constant 8 : i32
    %mul3A_0 = arith.muli %arg0, %mul3A : i32
    %add3A = arith.addi %mul3A_0, %arg1 : i32
    %iota3A = tpu.iota {dimensions = array<i32: 0>} : vector<16xi32>
    %lt3A = arith.constant 8 : i32
    %lt3A_1 = arith.cmpi slt, %arg1, %lt3A : i32
    %convert_element_type3A = arith.extui %lt3A_1 : i1 to i32
    %cond3A = arith.constant 0 : i32
    %cond3A_2 = arith.cmpi ne, %convert_element_type3A, %cond3A : i32
    scf.if %cond3A_2 {
      %jit3A = arith.constant 4 : i32
      %eq3A = arith.constant 0 : i32
      %eq3A_3 = arith.cmpi eq, %jit3A, %eq3A : i32
      %jit3A_4 = arith.constant 1 : i32
      %select_n3A = arith.select %eq3A_3, %jit3A_4, %jit3A : i32
      %rem3A = arith.remsi %add3A, %select_n3A : i32
      %ne3A = arith.constant 0 : i32
      %ne3A_5 = arith.cmpi ne, %rem3A, %ne3A : i32
      %lt3A_6 = arith.constant 0 : i32
      %lt3A_7 = arith.cmpi slt, %rem3A, %lt3A_6 : i32
      %lt3A_8 = arith.constant 0 : i32
      %lt3A_9 = arith.cmpi slt, %select_n3A, %lt3A_8 : i32
      %ne3A_10 = arith.xori %lt3A_7, %lt3A_9 : i1
      %and3A = arith.andi %ne3A_10, %ne3A_5 : i1
      %add3A_11 = arith.addi %rem3A, %select_n3A : i32
      %select_n3A_12 = arith.select %and3A, %add3A_11, %rem3A : i32
      %mul3A_13 = arith.constant 20000 : i32
      %mul3A_14 = arith.muli %add3A, %mul3A_13 : i32
      "tpu.region"() ({
        %run_scoped3A = tpu.sem_alloc : memref<!tpu.dma_semaphore, #tpu.memory_space<semaphore_mem>>
        %dma_start3A = arith.constant 0 : i32
        %dma_start3A_80 = tpu.memref_slice %arg6[%dma_start3A] : memref<20016xf32, #tpu.memory_space<vmem>> -> memref<20000xf32, #tpu.memory_space<vmem>>
        %dma_start3A_81 = tpu.memref_slice %arg2[%mul3A_14] : memref<320000xf32, #tpu.memory_space<hbm>> -> memref<20000xf32, #tpu.memory_space<hbm>>
        %dma_start3A_82 = arith.constant 0 : i32
        %dma_start3A_83 = tpu.memref_slice %arg6[%dma_start3A_82] : memref<20016xf32, #tpu.memory_space<vmem>> -> memref<20000xf32, #tpu.memory_space<vmem>>
        %dma_start3A_84 = tpu.memref_slice %arg2[%mul3A_14] : memref<320000xf32, #tpu.memory_space<hbm>> -> memref<20000xf32, #tpu.memory_space<hbm>>
        tpu.enqueue_dma source(%dma_start3A_84 : memref<20000xf32, #tpu.memory_space<hbm>>) target(%dma_start3A_83 : memref<20000xf32, #tpu.memory_space<vmem>>) target_semaphore(%run_scoped3A : memref<!tpu.dma_semaphore, #tpu.memory_space<semaphore_mem>>)
        %dma_wait3A = arith.constant 0 : i32
        %dma_wait3A_85 = tpu.memref_slice %arg6[%dma_wait3A] : memref<20016xf32, #tpu.memory_space<vmem>> -> memref<20000xf32, #tpu.memory_space<vmem>>
        %dma_wait3A_86 = tpu.memref_slice %arg2[%mul3A_14] : memref<320000xf32, #tpu.memory_space<hbm>> -> memref<20000xf32, #tpu.memory_space<hbm>>
        %dma_wait3A_87 = arith.constant 0 : i32
        %dma_wait3A_88 = tpu.memref_slice %arg6[%dma_wait3A_87] : memref<20016xf32, #tpu.memory_space<vmem>> -> memref<20000xf32, #tpu.memory_space<vmem>>
        %dma_wait3A_89 = tpu.memref_slice %arg2[%mul3A_14] : memref<320000xf32, #tpu.memory_space<hbm>> -> memref<20000xf32, #tpu.memory_space<hbm>>
        tpu.wait_dma2 semaphore(%run_scoped3A : memref<!tpu.dma_semaphore, #tpu.memory_space<semaphore_mem>>) src(%dma_wait3A_89 : memref<20000xf32, #tpu.memory_space<hbm>>) dst(%dma_wait3A_88 : memref<20000xf32, #tpu.memory_space<vmem>>)
        tpu.yield
      }) : () -> ()
      %mul3A_15 = arith.constant 20000 : i32
      %mul3A_16 = arith.muli %select_n3A_12, %mul3A_15 : i32
      "tpu.region"() ({
        %run_scoped3A = tpu.sem_alloc : memref<!tpu.dma_semaphore, #tpu.memory_space<semaphore_mem>>
        %dma_start3A = arith.constant 0 : i32
        %dma_start3A_80 = tpu.memref_slice %arg7[%dma_start3A] : memref<20016xf32, #tpu.memory_space<vmem>> -> memref<20000xf32, #tpu.memory_space<vmem>>
        %dma_start3A_81 = tpu.memref_slice %arg3[%mul3A_16] : memref<80000xf32, #tpu.memory_space<hbm>> -> memref<20000xf32, #tpu.memory_space<hbm>>
        %dma_start3A_82 = arith.constant 0 : i32
        %dma_start3A_83 = tpu.memref_slice %arg7[%dma_start3A_82] : memref<20016xf32, #tpu.memory_space<vmem>> -> memref<20000xf32, #tpu.memory_space<vmem>>
        %dma_start3A_84 = tpu.memref_slice %arg3[%mul3A_16] : memref<80000xf32, #tpu.memory_space<hbm>> -> memref<20000xf32, #tpu.memory_space<hbm>>
        tpu.enqueue_dma source(%dma_start3A_84 : memref<20000xf32, #tpu.memory_space<hbm>>) target(%dma_start3A_83 : memref<20000xf32, #tpu.memory_space<vmem>>) target_semaphore(%run_scoped3A : memref<!tpu.dma_semaphore, #tpu.memory_space<semaphore_mem>>)
        %dma_wait3A = arith.constant 0 : i32
        %dma_wait3A_85 = tpu.memref_slice %arg7[%dma_wait3A] : memref<20016xf32, #tpu.memory_space<vmem>> -> memref<20000xf32, #tpu.memory_space<vmem>>
        %dma_wait3A_86 = tpu.memref_slice %arg3[%mul3A_16] : memref<80000xf32, #tpu.memory_space<hbm>> -> memref<20000xf32, #tpu.memory_space<hbm>>
        %dma_wait3A_87 = arith.constant 0 : i32
        %dma_wait3A_88 = tpu.memref_slice %arg7[%dma_wait3A_87] : memref<20016xf32, #tpu.memory_space<vmem>> -> memref<20000xf32, #tpu.memory_space<vmem>>
        %dma_wait3A_89 = tpu.memref_slice %arg3[%mul3A_16] : memref<80000xf32, #tpu.memory_space<hbm>> -> memref<20000xf32, #tpu.memory_space<hbm>>
        tpu.wait_dma2 semaphore(%run_scoped3A : memref<!tpu.dma_semaphore, #tpu.memory_space<semaphore_mem>>) src(%dma_wait3A_89 : memref<20000xf32, #tpu.memory_space<hbm>>) dst(%dma_wait3A_88 : memref<20000xf32, #tpu.memory_space<vmem>>)
        tpu.yield
      }) : () -> ()
      %mul3A_17 = arith.constant 20000 : i32
      %mul3A_18 = arith.muli %select_n3A_12, %mul3A_17 : i32
      "tpu.region"() ({
        %run_scoped3A = tpu.sem_alloc : memref<!tpu.dma_semaphore, #tpu.memory_space<semaphore_mem>>
        %dma_start3A = arith.constant 0 : i32
        %dma_start3A_80 = tpu.memref_slice %arg8[%dma_start3A] : memref<20016xf32, #tpu.memory_space<vmem>> -> memref<20000xf32, #tpu.memory_space<vmem>>
        %dma_start3A_81 = tpu.memref_slice %arg4[%mul3A_18] : memref<80000xf32, #tpu.memory_space<hbm>> -> memref<20000xf32, #tpu.memory_space<hbm>>
        %dma_start3A_82 = arith.constant 0 : i32
        %dma_start3A_83 = tpu.memref_slice %arg8[%dma_start3A_82] : memref<20016xf32, #tpu.memory_space<vmem>> -> memref<20000xf32, #tpu.memory_space<vmem>>
        %dma_start3A_84 = tpu.memref_slice %arg4[%mul3A_18] : memref<80000xf32, #tpu.memory_space<hbm>> -> memref<20000xf32, #tpu.memory_space<hbm>>
        tpu.enqueue_dma source(%dma_start3A_84 : memref<20000xf32, #tpu.memory_space<hbm>>) target(%dma_start3A_83 : memref<20000xf32, #tpu.memory_space<vmem>>) target_semaphore(%run_scoped3A : memref<!tpu.dma_semaphore, #tpu.memory_space<semaphore_mem>>)
        %dma_wait3A = arith.constant 0 : i32
        %dma_wait3A_85 = tpu.memref_slice %arg8[%dma_wait3A] : memref<20016xf32, #tpu.memory_space<vmem>> -> memref<20000xf32, #tpu.memory_space<vmem>>
        %dma_wait3A_86 = tpu.memref_slice %arg4[%mul3A_18] : memref<80000xf32, #tpu.memory_space<hbm>> -> memref<20000xf32, #tpu.memory_space<hbm>>
        %dma_wait3A_87 = arith.constant 0 : i32
        %dma_wait3A_88 = tpu.memref_slice %arg8[%dma_wait3A_87] : memref<20016xf32, #tpu.memory_space<vmem>> -> memref<20000xf32, #tpu.memory_space<vmem>>
        %dma_wait3A_89 = tpu.memref_slice %arg4[%mul3A_18] : memref<80000xf32, #tpu.memory_space<hbm>> -> memref<20000xf32, #tpu.memory_space<hbm>>
        tpu.wait_dma2 semaphore(%run_scoped3A : memref<!tpu.dma_semaphore, #tpu.memory_space<semaphore_mem>>) src(%dma_wait3A_89 : memref<20000xf32, #tpu.memory_space<hbm>>) dst(%dma_wait3A_88 : memref<20000xf32, #tpu.memory_space<vmem>>)
        tpu.yield
      }) : () -> ()
      %broadcast_in_dim3A = arith.constant 2.000000e+30 : f32
      %broadcast_in_dim3A_19 = vector.broadcast %broadcast_in_dim3A : f32 to vector<16xf32>
      %broadcast_in_dim3A_20 = arith.constant 0.000000e+00 : f32
      %broadcast_in_dim3A_21 = vector.broadcast %broadcast_in_dim3A_20 : f32 to vector<16xf32>
      %iota3A_22 = tpu.iota {dimensions = array<i32: 0>} : vector<16xi32>
      %add3A_23 = arith.constant 20000 : i32
      %add3A_24 = arith.constant 15 : i32
      %add3A_25 = arith.addi %add3A_23, %add3A_24 : i32
      %jit3A_26 = arith.constant 16 : i32
      %div3A = arith.divsi %add3A_25, %jit3A_26 : i32
      %sign3A = arith.constant 0 : i32
      %sign3A_27 = arith.cmpi sgt, %add3A_25, %sign3A : i32
      %sign3A_28 = arith.extui %sign3A_27 : i1 to i32
      %sign3A_29 = arith.constant 0 : i32
      %sign3A_30 = arith.cmpi slt, %add3A_25, %sign3A_29 : i32
      %sign3A_31 = arith.extui %sign3A_30 : i1 to i32
      %sign3A_32 = arith.subi %sign3A_28, %sign3A_31 : i32
      %sign3A_33 = arith.constant 0 : i32
      %sign3A_34 = arith.cmpi sgt, %jit3A_26, %sign3A_33 : i32
      %sign3A_35 = arith.extui %sign3A_34 : i1 to i32
      %sign3A_36 = arith.constant 0 : i32
      %sign3A_37 = arith.cmpi slt, %jit3A_26, %sign3A_36 : i32
      %sign3A_38 = arith.extui %sign3A_37 : i1 to i32
      %sign3A_39 = arith.subi %sign3A_35, %sign3A_38 : i32
      %ne3A_40 = arith.cmpi ne, %sign3A_32, %sign3A_39 : i32
      %rem3A_41 = arith.remsi %add3A_25, %jit3A_26 : i32
      %ne3A_42 = arith.constant 0 : i32
      %ne3A_43 = arith.cmpi ne, %rem3A_41, %ne3A_42 : i32
      %and3A_44 = arith.andi %ne3A_40, %ne3A_43 : i1
      %sub3A = arith.constant 1 : i32
      %sub3A_45 = arith.subi %div3A, %sub3A : i32
      %select_n3A_46 = arith.select %and3A_44, %sub3A_45, %div3A : i32
      %broadcast_in_dim3A_47 = arith.constant 1 : i32
      %broadcast_in_dim3A_48 = vector.broadcast %broadcast_in_dim3A_47 : i32 to vector<16xi32>
      %broadcast_in_dim3A_49 = arith.constant -1 : i32
      %broadcast_in_dim3A_50 = vector.broadcast %broadcast_in_dim3A_49 : i32 to vector<16xi32>
      %broadcast_in_dim3A_51 = arith.constant 0xFF800000 : f32
      %broadcast_in_dim3A_52 = vector.broadcast %broadcast_in_dim3A_51 : f32 to vector<16xf32>
      %broadcast_in_dim3A_53 = arith.constant 0 : i32
      %broadcast_in_dim3A_54 = vector.broadcast %broadcast_in_dim3A_53 : i32 to vector<16xi32>
      %broadcast_in_dim3A_55 = arith.constant 0xFF800000 : f32
      %broadcast_in_dim3A_56 = vector.broadcast %broadcast_in_dim3A_55 : f32 to vector<16xf32>
      %broadcast_in_dim3A_57 = arith.constant 0 : i32
      %broadcast_in_dim3A_58 = vector.broadcast %broadcast_in_dim3A_57 : i32 to vector<16xi32>
      %parallel_loop3A = arith.constant 0 : i32
      %parallel_loop3A_59 = arith.constant 1 : i32
      %parallel_loop3A_60:5 = scf.for %parallel_loop3A_80 = %parallel_loop3A to %select_n3A_46 step %parallel_loop3A_59 iter_args(%parallel_loop3A_81 = %broadcast_in_dim3A_50, %parallel_loop3A_82 = %broadcast_in_dim3A_52, %parallel_loop3A_83 = %broadcast_in_dim3A_54, %parallel_loop3A_84 = %broadcast_in_dim3A_56, %parallel_loop3A_85 = %broadcast_in_dim3A_58) -> (vector<16xi32>, vector<16xf32>, vector<16xi32>, vector<16xf32>, vector<16xi32>)  : i32 {
        %parallel_loop3A_86 = arith.constant 16 : i32
        %parallel_loop3A_87 = arith.muli %parallel_loop3A_80, %parallel_loop3A_86 : i32
        %parallel_loop3A_88 = arith.index_cast %parallel_loop3A_87 : i32 to index
        %parallel_loop3A_89 = tpu.vector_load %arg6[%parallel_loop3A_88] {strides = array<i32>} : memref<20016xf32, #tpu.memory_space<vmem>>, vector<16xf32>,
        %parallel_loop3A_90 = arith.index_cast %parallel_loop3A_87 : i32 to index
        %parallel_loop3A_91 = tpu.vector_load %arg7[%parallel_loop3A_90] {strides = array<i32>} : memref<20016xf32, #tpu.memory_space<vmem>>, vector<16xf32>,
        %parallel_loop3A_92 = arith.index_cast %parallel_loop3A_87 : i32 to index
        %parallel_loop3A_93 = tpu.vector_load %arg8[%parallel_loop3A_92] {strides = array<i32>} : memref<20016xf32, #tpu.memory_space<vmem>>, vector<16xf32>,
        %parallel_loop3A_94 = arith.subf %parallel_loop3A_93, %parallel_loop3A_91 : vector<16xf32>
        %parallel_loop3A_95 = arith.constant 0.000000e+00 : f32
        %parallel_loop3A_96 = vector.broadcast %parallel_loop3A_95 : f32 to vector<16xf32>
        %parallel_loop3A_97 = arith.maximumf %parallel_loop3A_94, %parallel_loop3A_96 : vector<16xf32>
        %parallel_loop3A_98 = arith.minimumf %parallel_loop3A_93, %broadcast_in_dim3A_19 : vector<16xf32>
        %parallel_loop3A_99 = arith.maximumf %parallel_loop3A_91, %broadcast_in_dim3A_19 : vector<16xf32>
        %parallel_loop3A_100 = arith.subf %parallel_loop3A_98, %parallel_loop3A_99 : vector<16xf32>
        %parallel_loop3A_101 = arith.constant 0.000000e+00 : f32
        %parallel_loop3A_102 = vector.broadcast %parallel_loop3A_101 : f32 to vector<16xf32>
        %parallel_loop3A_103 = arith.maximumf %parallel_loop3A_100, %parallel_loop3A_102 : vector<16xf32>
        %parallel_loop3A_104 = arith.addf %parallel_loop3A_97, %broadcast_in_dim3A_21 : vector<16xf32>
        %parallel_loop3A_105 = arith.subf %parallel_loop3A_104, %parallel_loop3A_103 : vector<16xf32>
        %parallel_loop3A_106 = arith.constant 9.99999996E-13 : f32
        %parallel_loop3A_107 = vector.broadcast %parallel_loop3A_106 : f32 to vector<16xf32>
        %parallel_loop3A_108 = arith.maximumf %parallel_loop3A_105, %parallel_loop3A_107 : vector<16xf32>
        %parallel_loop3A_109 = arith.divf %parallel_loop3A_103, %parallel_loop3A_108 : vector<16xf32>
        %parallel_loop3A_110 = arith.constant 4.500000e-01 : f32
        %parallel_loop3A_111 = vector.broadcast %parallel_loop3A_110 : f32 to vector<16xf32>
        %parallel_loop3A_112 = arith.cmpf ole, %parallel_loop3A_109, %parallel_loop3A_111 : vector<16xf32>
        %parallel_loop3A_113 = arith.constant -9.99999993E+36 : f32
        %parallel_loop3A_114 = vector.broadcast %parallel_loop3A_113 : f32 to vector<16xf32>
        %parallel_loop3A_115 = arith.cmpf ogt, %parallel_loop3A_89, %parallel_loop3A_114 : vector<16xf32>
        %parallel_loop3A_116 = arith.andi %parallel_loop3A_112, %parallel_loop3A_115 : vector<16xi1>
        %parallel_loop3A_117 = tpu.scan <sum>, %broadcast_in_dim3A_48 masked %parallel_loop3A_116 : vector<16xi32>, vector<16xi1> -> vector<16xi32>
        %parallel_loop3A_118 = arith.addi %parallel_loop3A_81, %parallel_loop3A_117 : vector<16xi32>
        tpu.vector_store_idx %arg9[%parallel_loop3A_118], %parallel_loop3A_89 masked %parallel_loop3A_116 : memref<20016xf32, #tpu.memory_space<vmem>>[vector<16xi32>], vector<16xf32>, vector<16xi1>
        tpu.vector_store_idx %arg10[%parallel_loop3A_118], %parallel_loop3A_91 masked %parallel_loop3A_116 : memref<20016xf32, #tpu.memory_space<vmem>>[vector<16xi32>], vector<16xf32>, vector<16xi1>
        tpu.vector_store_idx %arg11[%parallel_loop3A_118], %parallel_loop3A_93 masked %parallel_loop3A_116 : memref<20016xf32, #tpu.memory_space<vmem>>[vector<16xi32>], vector<16xf32>, vector<16xi1>
        %parallel_loop3A_119 = arith.constant 0xFF800000 : f32
        %parallel_loop3A_120 = vector.broadcast %parallel_loop3A_119 : f32 to vector<16xf32>
        %parallel_loop3A_121 = arith.select %parallel_loop3A_116, %parallel_loop3A_89, %parallel_loop3A_120 : vector<16xi1>, vector<16xf32>
        %parallel_loop3A_122 = arith.cmpf ogt, %parallel_loop3A_121, %parallel_loop3A_82 : vector<16xf32>
        %parallel_loop3A_123 = arith.select %parallel_loop3A_122, %parallel_loop3A_82, %parallel_loop3A_121 : vector<16xi1>, vector<16xf32>
        %parallel_loop3A_124 = arith.select %parallel_loop3A_122, %parallel_loop3A_83, %parallel_loop3A_118 : vector<16xi1>, vector<16xi32>
        %parallel_loop3A_125 = arith.select %parallel_loop3A_122, %parallel_loop3A_121, %parallel_loop3A_82 : vector<16xi1>, vector<16xf32>
        %parallel_loop3A_126 = arith.select %parallel_loop3A_122, %parallel_loop3A_118, %parallel_loop3A_83 : vector<16xi1>, vector<16xi32>
        %parallel_loop3A_127 = arith.cmpf ogt, %parallel_loop3A_123, %parallel_loop3A_84 : vector<16xf32>
        %parallel_loop3A_128 = arith.select %parallel_loop3A_127, %parallel_loop3A_123, %parallel_loop3A_84 : vector<16xi1>, vector<16xf32>
        %parallel_loop3A_129 = arith.select %parallel_loop3A_127, %parallel_loop3A_124, %parallel_loop3A_85 : vector<16xi1>, vector<16xi32>
        %parallel_loop3A_130 = tpu.all_reduce %parallel_loop3A_116 {dim = 0 : i64, kind = #tpu.reduction_kind<sum>} : vector<16xi1> -> vector<16xi32>
        %parallel_loop3A_131 = arith.addi %parallel_loop3A_81, %parallel_loop3A_130 : vector<16xi32>
        scf.yield %parallel_loop3A_131, %parallel_loop3A_125, %parallel_loop3A_126, %parallel_loop3A_128, %parallel_loop3A_129 : vector<16xi32>, vector<16xf32>, vector<16xi32>, vector<16xf32>, vector<16xi32>
      } {sc.loop_unroll_factor = 16 : i64, sc.parallel_access}
      %reduce_max3A = arith.constant true
      %reduce_max3A_61 = vector.broadcast %reduce_max3A : i1 to vector<16xi1>
      %reduce_max3A_62 = arith.constant -2147483648 : i32
      %reduce_max3A_63 = vector.broadcast %reduce_max3A_62 : i32 to vector<16xi32>
      %reduce_max3A_64 = arith.xori %parallel_loop3A_60#0, %reduce_max3A_63 : vector<16xi32>
      %reduce_max3A_65 = tpu.scan <max>, %reduce_max3A_64 masked %reduce_max3A_61 : vector<16xi32>, vector<16xi1> -> vector<16xi32>
      %reduce_max3A_66 = arith.xori %reduce_max3A_65, %reduce_max3A_63 : vector<16xi32>
      %reduce_max3A_67 = vector.extract %reduce_max3A_66[15] : i32 from vector<16xi32>
      %add3A_68 = arith.constant 1 : i32
      %add3A_69 = arith.addi %reduce_max3A_67, %add3A_68 : i32
      %broadcast_in_dim3A_70 = vector.broadcast %add3A_69 : i32 to vector<16xi32>
      %add3A_71 = arith.addi %broadcast_in_dim3A_70, %iota3A_22 : vector<16xi32>
      %broadcast_in_dim3A_72 = arith.constant 0xFF800000 : f32
      %broadcast_in_dim3A_73 = vector.broadcast %broadcast_in_dim3A_72 : f32 to vector<16xf32>
      tpu.vector_store_idx %arg9[%add3A_71], %broadcast_in_dim3A_73 : memref<20016xf32, #tpu.memory_space<vmem>>[vector<16xi32>], vector<16xf32>,
      %while3A = arith.constant 0 : i32
      %while3A_74 = arith.constant 0 : i32
      %while3A_75:7 = scf.while (%while3A_80 = %while3A, %while3A_81 = %while3A_74, %while3A_82 = %add3A_69, %while3A_83 = %parallel_loop3A_60#1, %while3A_84 = %parallel_loop3A_60#2, %while3A_85 = %parallel_loop3A_60#3, %while3A_86 = %parallel_loop3A_60#4) : (i32, i32, i32, vector<16xf32>, vector<16xi32>, vector<16xf32>, vector<16xi32>) -> (i32, i32, i32, vector<16xf32>, vector<16xi32>, vector<16xf32>, vector<16xi32>) {
        %lt3A_87 = arith.constant 200 : i32
        %lt3A_88 = arith.cmpi slt, %while3A_80, %lt3A_87 : i32
        scf.condition(%lt3A_88) %while3A_80, %while3A_81, %while3A_82, %while3A_83, %while3A_84, %while3A_85, %while3A_86 : i32, i32, i32, vector<16xf32>, vector<16xi32>, vector<16xf32>, vector<16xi32>
      } do {
      ^bb0(%while3A_80: i32, %while3A_81: i32, %while3A_82: i32, %while3A_83: vector<16xf32>, %while3A_84: vector<16xi32>, %while3A_85: vector<16xf32>, %while3A_86: vector<16xi32>):
        %eq3A_87 = arith.constant 0 : i32
        %eq3A_88 = arith.cmpi eq, %while3A_81, %eq3A_87 : i32
        %convert_element_type3A_89 = arith.extui %eq3A_88 : i1 to i32
        %cond3A_90 = arith.constant 0 : i32
        %cond3A_91 = arith.cmpi ne, %convert_element_type3A_89, %cond3A_90 : i32
        %cond3A_92:6 = scf.if %cond3A_91 -> (i32, i32, vector<16xf32>, vector<16xi32>, vector<16xf32>, vector<16xi32>) {
          %reduce_max3A_96 = arith.constant true
          %reduce_max3A_97 = vector.broadcast %reduce_max3A_96 : i1 to vector<16xi1>
          %reduce_max3A_98 = tpu.scan <max>, %while3A_83 masked %reduce_max3A_97 : vector<16xf32>, vector<16xi1> -> vector<16xf32>
          %reduce_max3A_99 = vector.extract %reduce_max3A_98[15] : f32 from vector<16xf32>
          %gt3A = arith.constant 0.000000e+00 : f32
          %gt3A_100 = arith.cmpf ogt, %reduce_max3A_99, %gt3A : f32
          %convert_element_type3A_101 = arith.extui %gt3A_100 : i1 to i32
          %cond3A_102 = arith.constant 0 : i32
          %cond3A_103 = arith.cmpi ne, %convert_element_type3A_101, %cond3A_102 : i32
          %cond3A_104:6 = scf.if %cond3A_103 -> (i32, i32, vector<16xf32>, vector<16xi32>, vector<16xf32>, vector<16xi32>) {
            %eq3A_105 = vector.broadcast %reduce_max3A_99 : f32 to vector<16xf32>
            %eq3A_106 = arith.cmpf oeq, %while3A_83, %eq3A_105 : vector<16xf32>
            %jit3A_107 = arith.constant 2147483647 : i32
            %broadcast_in_dim3A_108 = vector.broadcast %jit3A_107 : i32 to vector<16xi32>
            %select_n3A_109 = arith.select %eq3A_106, %while3A_84, %broadcast_in_dim3A_108 : vector<16xi1>, vector<16xi32>
            %reduce_min3A = arith.constant true
            %reduce_min3A_110 = vector.broadcast %reduce_min3A : i1 to vector<16xi1>
            %reduce_min3A_111 = arith.constant -2147483648 : i32
            %reduce_min3A_112 = vector.broadcast %reduce_min3A_111 : i32 to vector<16xi32>
            %reduce_min3A_113 = arith.xori %select_n3A_109, %reduce_min3A_112 : vector<16xi32>
            %reduce_min3A_114 = tpu.scan <min>, %reduce_min3A_113 masked %reduce_min3A_110 : vector<16xi32>, vector<16xi1> -> vector<16xi32>
            %reduce_min3A_115 = arith.xori %reduce_min3A_114, %reduce_min3A_112 : vector<16xi32>
            %reduce_min3A_116 = vector.extract %reduce_min3A_115[15] : i32 from vector<16xi32>
            %broadcast_in_dim3A_117 = vector.broadcast %reduce_min3A_116 : i32 to vector<16xi32>
            %gather3A = tpu.vector_load_idx %arg10[%broadcast_in_dim3A_117] : memref<20016xf32, #tpu.memory_space<vmem>>[vector<16xi32>], vector<16xf32>,
            %gather3A_118 = tpu.vector_load_idx %arg11[%broadcast_in_dim3A_117] : memref<20016xf32, #tpu.memory_space<vmem>>[vector<16xi32>], vector<16xf32>,
            %broadcast_in_dim3A_119 = vector.broadcast %reduce_max3A_99 : f32 to vector<16xf32>
            %eq3A_120 = arith.constant 0 : i32
            %eq3A_121 = vector.broadcast %eq3A_120 : i32 to vector<16xi32>
            %eq3A_122 = arith.cmpi eq, %iota3A, %eq3A_121 : vector<16xi32>
            %eq3A_123 = arith.constant 1 : i32
            %eq3A_124 = vector.broadcast %eq3A_123 : i32 to vector<16xi32>
            %eq3A_125 = arith.cmpi eq, %iota3A, %eq3A_124 : vector<16xi32>
            %eq3A_126 = arith.constant 2 : i32
            %eq3A_127 = vector.broadcast %eq3A_126 : i32 to vector<16xi32>
            %eq3A_128 = arith.cmpi eq, %iota3A, %eq3A_127 : vector<16xi32>
            %jit3A_129 = arith.constant 0.000000e+00 : f32
            %broadcast_in_dim3A_130 = vector.broadcast %jit3A_129 : f32 to vector<16xf32>
            %select_n3A_131 = arith.select %eq3A_128, %broadcast_in_dim3A_119, %broadcast_in_dim3A_130 : vector<16xi1>, vector<16xf32>
            %select_n3A_132 = arith.select %eq3A_125, %gather3A_118, %select_n3A_131 : vector<16xi1>, vector<16xf32>
            %select_n3A_133 = arith.select %eq3A_122, %gather3A, %select_n3A_132 : vector<16xi1>, vector<16xf32>
            %mul3A_134 = arith.constant 16 : i32
            %mul3A_135 = arith.muli %while3A_80, %mul3A_134 : i32
            %add3A_136 = vector.broadcast %mul3A_135 : i32 to vector<16xi32>
            %add3A_137 = arith.addi %add3A_136, %iota3A : vector<16xi32>
            tpu.vector_store_idx %arg12[%add3A_137], %select_n3A_133 : memref<3328xf32, #tpu.memory_space<vmem>>[vector<16xi32>], vector<16xf32>,
            %sub3A_138 = arith.subf %gather3A_118, %gather3A : vector<16xf32>
            %max3A = arith.constant 0.000000e+00 : f32
            %max3A_139 = vector.broadcast %max3A : f32 to vector<16xf32>
            %max3A_140 = arith.maximumf %sub3A_138, %max3A_139 : vector<16xf32>
            %eq3A_141 = vector.broadcast %reduce_min3A_116 : i32 to vector<16xi32>
            %eq3A_142 = arith.cmpi eq, %while3A_84, %eq3A_141 : vector<16xi32>
            %select_n3A_143 = arith.select %eq3A_142, %while3A_85, %while3A_83 : vector<16xi1>, vector<16xf32>
            %select_n3A_144 = arith.select %eq3A_142, %while3A_86, %while3A_84 : vector<16xi1>, vector<16xi32>
            %reduce_max3A_145 = arith.constant true
            %reduce_max3A_146 = vector.broadcast %reduce_max3A_145 : i1 to vector<16xi1>
            %reduce_max3A_147 = tpu.scan <max>, %select_n3A_143 masked %reduce_max3A_146 : vector<16xf32>, vector<16xi1> -> vector<16xf32>
            %reduce_max3A_148 = vector.extract %reduce_max3A_147[15] : f32 from vector<16xf32>
            %eq3A_149 = vector.broadcast %reduce_max3A_148 : f32 to vector<16xf32>
            %eq3A_150 = arith.cmpf oeq, %select_n3A_143, %eq3A_149 : vector<16xf32>
            %jit3A_151 = arith.constant 2147483647 : i32
            %broadcast_in_dim3A_152 = vector.broadcast %jit3A_151 : i32 to vector<16xi32>
            %select_n3A_153 = arith.select %eq3A_150, %select_n3A_144, %broadcast_in_dim3A_152 : vector<16xi1>, vector<16xi32>
            %reduce_min3A_154 = arith.constant true
            %reduce_min3A_155 = vector.broadcast %reduce_min3A_154 : i1 to vector<16xi1>
            %reduce_min3A_156 = arith.constant -2147483648 : i32
            %reduce_min3A_157 = vector.broadcast %reduce_min3A_156 : i32 to vector<16xi32>
            %reduce_min3A_158 = arith.xori %select_n3A_153, %reduce_min3A_157 : vector<16xi32>
            %reduce_min3A_159 = tpu.scan <min>, %reduce_min3A_158 masked %reduce_min3A_155 : vector<16xi32>, vector<16xi1> -> vector<16xi32>
            %reduce_min3A_160 = arith.xori %reduce_min3A_159, %reduce_min3A_157 : vector<16xi32>
            %reduce_min3A_161 = vector.extract %reduce_min3A_160[15] : i32 from vector<16xi32>
            %broadcast_in_dim3A_162 = vector.broadcast %reduce_min3A_161 : i32 to vector<16xi32>
            %gather3A_163 = tpu.vector_load_idx %arg10[%broadcast_in_dim3A_162] : memref<20016xf32, #tpu.memory_space<vmem>>[vector<16xi32>], vector<16xf32>,
            %gather3A_164 = tpu.vector_load_idx %arg11[%broadcast_in_dim3A_162] : memref<20016xf32, #tpu.memory_space<vmem>>[vector<16xi32>], vector<16xf32>,
            %sub3A_165 = arith.subf %gather3A_164, %gather3A_163 : vector<16xf32>
            %max3A_166 = arith.constant 0.000000e+00 : f32
            %max3A_167 = vector.broadcast %max3A_166 : f32 to vector<16xf32>
            %max3A_168 = arith.maximumf %sub3A_165, %max3A_167 : vector<16xf32>
            %min3A = arith.minimumf %gather3A_164, %gather3A_118 : vector<16xf32>
            %max3A_169 = arith.maximumf %gather3A_163, %gather3A : vector<16xf32>
            %sub3A_170 = arith.subf %min3A, %max3A_169 : vector<16xf32>
            %max3A_171 = arith.constant 0.000000e+00 : f32
            %max3A_172 = vector.broadcast %max3A_171 : f32 to vector<16xf32>
            %max3A_173 = arith.maximumf %sub3A_170, %max3A_172 : vector<16xf32>
            %add3A_174 = arith.addf %max3A_168, %max3A_140 : vector<16xf32>
            %sub3A_175 = arith.subf %add3A_174, %max3A_173 : vector<16xf32>
            %max3A_176 = arith.constant 9.99999996E-13 : f32
            %max3A_177 = vector.broadcast %max3A_176 : f32 to vector<16xf32>
            %max3A_178 = arith.maximumf %sub3A_175, %max3A_177 : vector<16xf32>
            %div3A_179 = arith.divf %max3A_173, %max3A_178 : vector<16xf32>
            %le3A = arith.constant 4.500000e-01 : f32
            %le3A_180 = vector.broadcast %le3A : f32 to vector<16xf32>
            %le3A_181 = arith.cmpf ole, %div3A_179, %le3A_180 : vector<16xf32>
            %convert_element_type3A_182 = arith.extui %le3A_181 : vector<16xi1> to vector<16xi32>
            %gt3A_183 = arith.constant 0.000000e+00 : f32
            %gt3A_184 = arith.cmpf ogt, %reduce_max3A_148, %gt3A_183 : f32
            %reduce_max3A_185 = arith.constant true
            %reduce_max3A_186 = vector.broadcast %reduce_max3A_185 : i1 to vector<16xi1>
            %reduce_max3A_187 = arith.constant -2147483648 : i32
            %reduce_max3A_188 = vector.broadcast %reduce_max3A_187 : i32 to vector<16xi32>
            %reduce_max3A_189 = arith.xori %convert_element_type3A_182, %reduce_max3A_188 : vector<16xi32>
            %reduce_max3A_190 = tpu.scan <max>, %reduce_max3A_189 masked %reduce_max3A_186 : vector<16xi32>, vector<16xi1> -> vector<16xi32>
            %reduce_max3A_191 = arith.xori %reduce_max3A_190, %reduce_max3A_188 : vector<16xi32>
            %reduce_max3A_192 = vector.extract %reduce_max3A_191[15] : i32 from vector<16xi32>
            %gt3A_193 = arith.constant 0 : i32
            %gt3A_194 = arith.cmpi sgt, %reduce_max3A_192, %gt3A_193 : i32
            %and3A_195 = arith.andi %gt3A_184, %gt3A_194 : i1
            %convert_element_type3A_196 = arith.extui %and3A_195 : i1 to i32
            %cond3A_197 = arith.constant 0 : i32
            %cond3A_198 = arith.cmpi ne, %convert_element_type3A_196, %cond3A_197 : i32
            %cond3A_199:6 = scf.if %cond3A_198 -> (i32, i32, vector<16xf32>, vector<16xi32>, vector<16xf32>, vector<16xi32>) {
              %broadcast_in_dim3A_200 = vector.broadcast %reduce_max3A_148 : f32 to vector<16xf32>
              %eq3A_201 = arith.constant 0 : i32
              %eq3A_202 = vector.broadcast %eq3A_201 : i32 to vector<16xi32>
              %eq3A_203 = arith.cmpi eq, %iota3A, %eq3A_202 : vector<16xi32>
              %eq3A_204 = arith.constant 1 : i32
              %eq3A_205 = vector.broadcast %eq3A_204 : i32 to vector<16xi32>
              %eq3A_206 = arith.cmpi eq, %iota3A, %eq3A_205 : vector<16xi32>
              %eq3A_207 = arith.constant 2 : i32
              %eq3A_208 = vector.broadcast %eq3A_207 : i32 to vector<16xi32>
              %eq3A_209 = arith.cmpi eq, %iota3A, %eq3A_208 : vector<16xi32>
              %jit3A_210 = arith.constant 0.000000e+00 : f32
              %broadcast_in_dim3A_211 = vector.broadcast %jit3A_210 : f32 to vector<16xf32>
              %select_n3A_212 = arith.select %eq3A_209, %broadcast_in_dim3A_200, %broadcast_in_dim3A_211 : vector<16xi1>, vector<16xf32>
              %select_n3A_213 = arith.select %eq3A_206, %gather3A_164, %select_n3A_212 : vector<16xi1>, vector<16xf32>
              %select_n3A_214 = arith.select %eq3A_203, %gather3A_163, %select_n3A_213 : vector<16xi1>, vector<16xf32>
              %add3A_215 = arith.constant 1 : i32
              %add3A_216 = arith.addi %while3A_80, %add3A_215 : i32
              %mul3A_217 = arith.constant 16 : i32
              %mul3A_218 = arith.muli %add3A_216, %mul3A_217 : i32
              %add3A_219 = vector.broadcast %mul3A_218 : i32 to vector<16xi32>
              %add3A_220 = arith.addi %add3A_219, %iota3A : vector<16xi32>
              tpu.vector_store_idx %arg12[%add3A_220], %select_n3A_214 : memref<3328xf32, #tpu.memory_space<vmem>>[vector<16xi32>], vector<16xf32>,
              %eq3A_221 = arith.constant 0 : i32
              %eq3A_222 = vector.broadcast %eq3A_221 : i32 to vector<16xi32>
              %eq3A_223 = arith.cmpi eq, %iota3A, %eq3A_222 : vector<16xi32>
              %broadcast_in_dim3A_224 = vector.broadcast %reduce_min3A_116 : i32 to vector<16xi32>
              %broadcast_in_dim3A_225 = vector.broadcast %reduce_min3A_161 : i32 to vector<16xi32>
              %select_n3A_226 = arith.select %eq3A_223, %broadcast_in_dim3A_224, %broadcast_in_dim3A_225 : vector<16xi1>, vector<16xi32>
              %broadcast_in_dim3A_227 = arith.constant 0xFF800000 : f32
              %broadcast_in_dim3A_228 = vector.broadcast %broadcast_in_dim3A_227 : f32 to vector<16xf32>
              %lt3A_229 = arith.constant 2 : i32
              %lt3A_230 = vector.broadcast %lt3A_229 : i32 to vector<16xi32>
              %lt3A_231 = arith.cmpi slt, %iota3A, %lt3A_230 : vector<16xi32>
              tpu.vector_store_idx %arg9[%select_n3A_226], %broadcast_in_dim3A_228 masked %lt3A_231 : memref<20016xf32, #tpu.memory_space<vmem>>[vector<16xi32>], vector<16xf32>, vector<16xi1>
              %iota3A_232 = tpu.iota {dimensions = array<i32: 0>} : vector<16xi32>
              %add3A_233 = arith.constant 15 : i32
              %add3A_234 = arith.addi %while3A_82, %add3A_233 : i32
              %jit3A_235 = arith.constant 16 : i32
              %div3A_236 = arith.divsi %add3A_234, %jit3A_235 : i32
              %sign3A_237 = arith.constant 0 : i32
              %sign3A_238 = arith.cmpi sgt, %add3A_234, %sign3A_237 : i32
              %sign3A_239 = arith.extui %sign3A_238 : i1 to i32
              %sign3A_240 = arith.constant 0 : i32
              %sign3A_241 = arith.cmpi slt, %add3A_234, %sign3A_240 : i32
              %sign3A_242 = arith.extui %sign3A_241 : i1 to i32
              %sign3A_243 = arith.subi %sign3A_239, %sign3A_242 : i32
              %sign3A_244 = arith.constant 0 : i32
              %sign3A_245 = arith.cmpi sgt, %jit3A_235, %sign3A_244 : i32
              %sign3A_246 = arith.extui %sign3A_245 : i1 to i32
              %sign3A_247 = arith.constant 0 : i32
              %sign3A_248 = arith.cmpi slt, %jit3A_235, %sign3A_247 : i32
              %sign3A_249 = arith.extui %sign3A_248 : i1 to i32
              %sign3A_250 = arith.subi %sign3A_246, %sign3A_249 : i32
              %ne3A_251 = arith.cmpi ne, %sign3A_243, %sign3A_250 : i32
              %rem3A_252 = arith.remsi %add3A_234, %jit3A_235 : i32
              %ne3A_253 = arith.constant 0 : i32
              %ne3A_254 = arith.cmpi ne, %rem3A_252, %ne3A_253 : i32
              %and3A_255 = arith.andi %ne3A_251, %ne3A_254 : i1
              %sub3A_256 = arith.constant 1 : i32
              %sub3A_257 = arith.subi %div3A_236, %sub3A_256 : i32
              %select_n3A_258 = arith.select %and3A_255, %sub3A_257, %div3A_236 : i32
              %broadcast_in_dim3A_259 = arith.constant 1 : i32
              %broadcast_in_dim3A_260 = vector.broadcast %broadcast_in_dim3A_259 : i32 to vector<16xi32>
              %broadcast_in_dim3A_261 = arith.constant -1 : i32
              %broadcast_in_dim3A_262 = vector.broadcast %broadcast_in_dim3A_261 : i32 to vector<16xi32>
              %broadcast_in_dim3A_263 = arith.constant 0xFF800000 : f32
              %broadcast_in_dim3A_264 = vector.broadcast %broadcast_in_dim3A_263 : f32 to vector<16xf32>
              %broadcast_in_dim3A_265 = arith.constant 0 : i32
              %broadcast_in_dim3A_266 = vector.broadcast %broadcast_in_dim3A_265 : i32 to vector<16xi32>
              %broadcast_in_dim3A_267 = arith.constant 0xFF800000 : f32
              %broadcast_in_dim3A_268 = vector.broadcast %broadcast_in_dim3A_267 : f32 to vector<16xf32>
              %broadcast_in_dim3A_269 = arith.constant 0 : i32
              %broadcast_in_dim3A_270 = vector.broadcast %broadcast_in_dim3A_269 : i32 to vector<16xi32>
              %parallel_loop3A_271 = arith.constant 0 : i32
              %parallel_loop3A_272 = arith.constant 1 : i32
              %parallel_loop3A_273:5 = scf.for %parallel_loop3A_289 = %parallel_loop3A_271 to %select_n3A_258 step %parallel_loop3A_272 iter_args(%parallel_loop3A_290 = %broadcast_in_dim3A_262, %parallel_loop3A_291 = %broadcast_in_dim3A_264, %parallel_loop3A_292 = %broadcast_in_dim3A_266, %parallel_loop3A_293 = %broadcast_in_dim3A_268, %parallel_loop3A_294 = %broadcast_in_dim3A_270) -> (vector<16xi32>, vector<16xf32>, vector<16xi32>, vector<16xf32>, vector<16xi32>)  : i32 {
                %parallel_loop3A_295 = arith.constant 16 : i32
                %parallel_loop3A_296 = arith.muli %parallel_loop3A_289, %parallel_loop3A_295 : i32
                %parallel_loop3A_297 = arith.index_cast %parallel_loop3A_296 : i32 to index
                %parallel_loop3A_298 = tpu.vector_load %arg9[%parallel_loop3A_297] {strides = array<i32>} : memref<20016xf32, #tpu.memory_space<vmem>>, vector<16xf32>,
                %parallel_loop3A_299 = arith.index_cast %parallel_loop3A_296 : i32 to index
                %parallel_loop3A_300 = tpu.vector_load %arg10[%parallel_loop3A_299] {strides = array<i32>} : memref<20016xf32, #tpu.memory_space<vmem>>, vector<16xf32>,
                %parallel_loop3A_301 = arith.index_cast %parallel_loop3A_296 : i32 to index
                %parallel_loop3A_302 = tpu.vector_load %arg11[%parallel_loop3A_301] {strides = array<i32>} : memref<20016xf32, #tpu.memory_space<vmem>>, vector<16xf32>,
                %parallel_loop3A_303 = arith.subf %parallel_loop3A_302, %parallel_loop3A_300 : vector<16xf32>
                %parallel_loop3A_304 = arith.constant 0.000000e+00 : f32
                %parallel_loop3A_305 = vector.broadcast %parallel_loop3A_304 : f32 to vector<16xf32>
                %parallel_loop3A_306 = arith.maximumf %parallel_loop3A_303, %parallel_loop3A_305 : vector<16xf32>
                %parallel_loop3A_307 = arith.minimumf %parallel_loop3A_302, %gather3A_118 : vector<16xf32>
                %parallel_loop3A_308 = arith.maximumf %parallel_loop3A_300, %gather3A : vector<16xf32>
                %parallel_loop3A_309 = arith.subf %parallel_loop3A_307, %parallel_loop3A_308 : vector<16xf32>
                %parallel_loop3A_310 = arith.constant 0.000000e+00 : f32
                %parallel_loop3A_311 = vector.broadcast %parallel_loop3A_310 : f32 to vector<16xf32>
                %parallel_loop3A_312 = arith.maximumf %parallel_loop3A_309, %parallel_loop3A_311 : vector<16xf32>
                %parallel_loop3A_313 = arith.addf %parallel_loop3A_306, %max3A_140 : vector<16xf32>
                %parallel_loop3A_314 = arith.subf %parallel_loop3A_313, %parallel_loop3A_312 : vector<16xf32>
                %parallel_loop3A_315 = arith.constant 9.99999996E-13 : f32
                %parallel_loop3A_316 = vector.broadcast %parallel_loop3A_315 : f32 to vector<16xf32>
                %parallel_loop3A_317 = arith.maximumf %parallel_loop3A_314, %parallel_loop3A_316 : vector<16xf32>
                %parallel_loop3A_318 = arith.divf %parallel_loop3A_312, %parallel_loop3A_317 : vector<16xf32>
                %parallel_loop3A_319 = arith.constant 4.500000e-01 : f32
                %parallel_loop3A_320 = vector.broadcast %parallel_loop3A_319 : f32 to vector<16xf32>
                %parallel_loop3A_321 = arith.cmpf ole, %parallel_loop3A_318, %parallel_loop3A_320 : vector<16xf32>
                %parallel_loop3A_322 = arith.constant -9.99999993E+36 : f32
                %parallel_loop3A_323 = vector.broadcast %parallel_loop3A_322 : f32 to vector<16xf32>
                %parallel_loop3A_324 = arith.cmpf ogt, %parallel_loop3A_298, %parallel_loop3A_323 : vector<16xf32>
                %parallel_loop3A_325 = arith.andi %parallel_loop3A_321, %parallel_loop3A_324 : vector<16xi1>
                %parallel_loop3A_326 = arith.minimumf %parallel_loop3A_302, %gather3A_164 : vector<16xf32>
                %parallel_loop3A_327 = arith.maximumf %parallel_loop3A_300, %gather3A_163 : vector<16xf32>
                %parallel_loop3A_328 = arith.subf %parallel_loop3A_326, %parallel_loop3A_327 : vector<16xf32>
                %parallel_loop3A_329 = arith.constant 0.000000e+00 : f32
                %parallel_loop3A_330 = vector.broadcast %parallel_loop3A_329 : f32 to vector<16xf32>
                %parallel_loop3A_331 = arith.maximumf %parallel_loop3A_328, %parallel_loop3A_330 : vector<16xf32>
                %parallel_loop3A_332 = arith.addf %parallel_loop3A_306, %max3A_168 : vector<16xf32>
                %parallel_loop3A_333 = arith.subf %parallel_loop3A_332, %parallel_loop3A_331 : vector<16xf32>
                %parallel_loop3A_334 = arith.constant 9.99999996E-13 : f32
                %parallel_loop3A_335 = vector.broadcast %parallel_loop3A_334 : f32 to vector<16xf32>
                %parallel_loop3A_336 = arith.maximumf %parallel_loop3A_333, %parallel_loop3A_335 : vector<16xf32>
                %parallel_loop3A_337 = arith.divf %parallel_loop3A_331, %parallel_loop3A_336 : vector<16xf32>
                %parallel_loop3A_338 = arith.constant 4.500000e-01 : f32
                %parallel_loop3A_339 = vector.broadcast %parallel_loop3A_338 : f32 to vector<16xf32>
                %parallel_loop3A_340 = arith.cmpf ole, %parallel_loop3A_337, %parallel_loop3A_339 : vector<16xf32>
                %parallel_loop3A_341 = arith.andi %parallel_loop3A_325, %parallel_loop3A_340 : vector<16xi1>
                %parallel_loop3A_342 = tpu.scan <sum>, %broadcast_in_dim3A_260 masked %parallel_loop3A_341 : vector<16xi32>, vector<16xi1> -> vector<16xi32>
                %parallel_loop3A_343 = arith.addi %parallel_loop3A_290, %parallel_loop3A_342 : vector<16xi32>
                tpu.vector_store_idx %arg6[%parallel_loop3A_343], %parallel_loop3A_298 masked %parallel_loop3A_341 : memref<20016xf32, #tpu.memory_space<vmem>>[vector<16xi32>], vector<16xf32>, vector<16xi1>
                tpu.vector_store_idx %arg7[%parallel_loop3A_343], %parallel_loop3A_300 masked %parallel_loop3A_341 : memref<20016xf32, #tpu.memory_space<vmem>>[vector<16xi32>], vector<16xf32>, vector<16xi1>
                tpu.vector_store_idx %arg8[%parallel_loop3A_343], %parallel_loop3A_302 masked %parallel_loop3A_341 : memref<20016xf32, #tpu.memory_space<vmem>>[vector<16xi32>], vector<16xf32>, vector<16xi1>
                %parallel_loop3A_344 = arith.constant 0xFF800000 : f32
                %parallel_loop3A_345 = vector.broadcast %parallel_loop3A_344 : f32 to vector<16xf32>
                %parallel_loop3A_346 = arith.select %parallel_loop3A_341, %parallel_loop3A_298, %parallel_loop3A_345 : vector<16xi1>, vector<16xf32>
                %parallel_loop3A_347 = arith.cmpf ogt, %parallel_loop3A_346, %parallel_loop3A_291 : vector<16xf32>
                %parallel_loop3A_348 = arith.select %parallel_loop3A_347, %parallel_loop3A_291, %parallel_loop3A_346 : vector<16xi1>, vector<16xf32>
                %parallel_loop3A_349 = arith.select %parallel_loop3A_347, %parallel_loop3A_292, %parallel_loop3A_343 : vector<16xi1>, vector<16xi32>
                %parallel_loop3A_350 = arith.select %parallel_loop3A_347, %parallel_loop3A_346, %parallel_loop3A_291 : vector<16xi1>, vector<16xf32>
                %parallel_loop3A_351 = arith.select %parallel_loop3A_347, %parallel_loop3A_343, %parallel_loop3A_292 : vector<16xi1>, vector<16xi32>
                %parallel_loop3A_352 = arith.cmpf ogt, %parallel_loop3A_348, %parallel_loop3A_293 : vector<16xf32>
                %parallel_loop3A_353 = arith.select %parallel_loop3A_352, %parallel_loop3A_348, %parallel_loop3A_293 : vector<16xi1>, vector<16xf32>
                %parallel_loop3A_354 = arith.select %parallel_loop3A_352, %parallel_loop3A_349, %parallel_loop3A_294 : vector<16xi1>, vector<16xi32>
                %parallel_loop3A_355 = tpu.all_reduce %parallel_loop3A_341 {dim = 0 : i64, kind = #tpu.reduction_kind<sum>} : vector<16xi1> -> vector<16xi32>
                %parallel_loop3A_356 = arith.addi %parallel_loop3A_290, %parallel_loop3A_355 : vector<16xi32>
                scf.yield %parallel_loop3A_356, %parallel_loop3A_350, %parallel_loop3A_351, %parallel_loop3A_353, %parallel_loop3A_354 : vector<16xi32>, vector<16xf32>, vector<16xi32>, vector<16xf32>, vector<16xi32>
              } {sc.loop_unroll_factor = 16 : i64, sc.parallel_access}
              %reduce_max3A_274 = arith.constant true
              %reduce_max3A_275 = vector.broadcast %reduce_max3A_274 : i1 to vector<16xi1>
              %reduce_max3A_276 = arith.constant -2147483648 : i32
              %reduce_max3A_277 = vector.broadcast %reduce_max3A_276 : i32 to vector<16xi32>
              %reduce_max3A_278 = arith.xori %parallel_loop3A_273#0, %reduce_max3A_277 : vector<16xi32>
              %reduce_max3A_279 = tpu.scan <max>, %reduce_max3A_278 masked %reduce_max3A_275 : vector<16xi32>, vector<16xi1> -> vector<16xi32>
              %reduce_max3A_280 = arith.xori %reduce_max3A_279, %reduce_max3A_277 : vector<16xi32>
              %reduce_max3A_281 = vector.extract %reduce_max3A_280[15] : i32 from vector<16xi32>
              %add3A_282 = arith.constant 1 : i32
              %add3A_283 = arith.addi %reduce_max3A_281, %add3A_282 : i32
              %broadcast_in_dim3A_284 = vector.broadcast %add3A_283 : i32 to vector<16xi32>
              %add3A_285 = arith.addi %broadcast_in_dim3A_284, %iota3A_232 : vector<16xi32>
              %broadcast_in_dim3A_286 = arith.constant 0xFF800000 : f32
              %broadcast_in_dim3A_287 = vector.broadcast %broadcast_in_dim3A_286 : f32 to vector<16xf32>
              tpu.vector_store_idx %arg6[%add3A_285], %broadcast_in_dim3A_287 : memref<20016xf32, #tpu.memory_space<vmem>>[vector<16xi32>], vector<16xf32>,
              %cond3A_288 = arith.constant 2 : i32
              scf.yield %cond3A_288, %add3A_283, %parallel_loop3A_273#1, %parallel_loop3A_273#2, %parallel_loop3A_273#3, %parallel_loop3A_273#4 : i32, i32, vector<16xf32>, vector<16xi32>, vector<16xf32>, vector<16xi32>
            } else {
              %broadcast_in_dim3A_200 = arith.constant 0xFF800000 : f32
              %broadcast_in_dim3A_201 = vector.broadcast %broadcast_in_dim3A_200 : f32 to vector<16xf32>
              %eq3A_202 = arith.constant 0 : i32
              %eq3A_203 = vector.broadcast %eq3A_202 : i32 to vector<16xi32>
              %eq3A_204 = arith.cmpi eq, %iota3A, %eq3A_203 : vector<16xi32>
              tpu.vector_store_idx %arg9[%broadcast_in_dim3A_117], %broadcast_in_dim3A_201 masked %eq3A_204 : memref<20016xf32, #tpu.memory_space<vmem>>[vector<16xi32>], vector<16xf32>, vector<16xi1>
              %iota3A_205 = tpu.iota {dimensions = array<i32: 0>} : vector<16xi32>
              %add3A_206 = arith.constant 15 : i32
              %add3A_207 = arith.addi %while3A_82, %add3A_206 : i32
              %jit3A_208 = arith.constant 16 : i32
              %div3A_209 = arith.divsi %add3A_207, %jit3A_208 : i32
              %sign3A_210 = arith.constant 0 : i32
              %sign3A_211 = arith.cmpi sgt, %add3A_207, %sign3A_210 : i32
              %sign3A_212 = arith.extui %sign3A_211 : i1 to i32
              %sign3A_213 = arith.constant 0 : i32
              %sign3A_214 = arith.cmpi slt, %add3A_207, %sign3A_213 : i32
              %sign3A_215 = arith.extui %sign3A_214 : i1 to i32
              %sign3A_216 = arith.subi %sign3A_212, %sign3A_215 : i32
              %sign3A_217 = arith.constant 0 : i32
              %sign3A_218 = arith.cmpi sgt, %jit3A_208, %sign3A_217 : i32
              %sign3A_219 = arith.extui %sign3A_218 : i1 to i32
              %sign3A_220 = arith.constant 0 : i32
              %sign3A_221 = arith.cmpi slt, %jit3A_208, %sign3A_220 : i32
              %sign3A_222 = arith.extui %sign3A_221 : i1 to i32
              %sign3A_223 = arith.subi %sign3A_219, %sign3A_222 : i32
              %ne3A_224 = arith.cmpi ne, %sign3A_216, %sign3A_223 : i32
              %rem3A_225 = arith.remsi %add3A_207, %jit3A_208 : i32
              %ne3A_226 = arith.constant 0 : i32
              %ne3A_227 = arith.cmpi ne, %rem3A_225, %ne3A_226 : i32
              %and3A_228 = arith.andi %ne3A_224, %ne3A_227 : i1
              %sub3A_229 = arith.constant 1 : i32
              %sub3A_230 = arith.subi %div3A_209, %sub3A_229 : i32
              %select_n3A_231 = arith.select %and3A_228, %sub3A_230, %div3A_209 : i32
              %broadcast_in_dim3A_232 = arith.constant 1 : i32
              %broadcast_in_dim3A_233 = vector.broadcast %broadcast_in_dim3A_232 : i32 to vector<16xi32>
              %broadcast_in_dim3A_234 = arith.constant -1 : i32
              %broadcast_in_dim3A_235 = vector.broadcast %broadcast_in_dim3A_234 : i32 to vector<16xi32>
              %broadcast_in_dim3A_236 = arith.constant 0xFF800000 : f32
              %broadcast_in_dim3A_237 = vector.broadcast %broadcast_in_dim3A_236 : f32 to vector<16xf32>
              %broadcast_in_dim3A_238 = arith.constant 0 : i32
              %broadcast_in_dim3A_239 = vector.broadcast %broadcast_in_dim3A_238 : i32 to vector<16xi32>
              %broadcast_in_dim3A_240 = arith.constant 0xFF800000 : f32
              %broadcast_in_dim3A_241 = vector.broadcast %broadcast_in_dim3A_240 : f32 to vector<16xf32>
              %broadcast_in_dim3A_242 = arith.constant 0 : i32
              %broadcast_in_dim3A_243 = vector.broadcast %broadcast_in_dim3A_242 : i32 to vector<16xi32>
              %parallel_loop3A_244 = arith.constant 0 : i32
              %parallel_loop3A_245 = arith.constant 1 : i32
              %parallel_loop3A_246:5 = scf.for %parallel_loop3A_262 = %parallel_loop3A_244 to %select_n3A_231 step %parallel_loop3A_245 iter_args(%parallel_loop3A_263 = %broadcast_in_dim3A_235, %parallel_loop3A_264 = %broadcast_in_dim3A_237, %parallel_loop3A_265 = %broadcast_in_dim3A_239, %parallel_loop3A_266 = %broadcast_in_dim3A_241, %parallel_loop3A_267 = %broadcast_in_dim3A_243) -> (vector<16xi32>, vector<16xf32>, vector<16xi32>, vector<16xf32>, vector<16xi32>)  : i32 {
                %parallel_loop3A_268 = arith.constant 16 : i32
                %parallel_loop3A_269 = arith.muli %parallel_loop3A_262, %parallel_loop3A_268 : i32
                %parallel_loop3A_270 = arith.index_cast %parallel_loop3A_269 : i32 to index
                %parallel_loop3A_271 = tpu.vector_load %arg9[%parallel_loop3A_270] {strides = array<i32>} : memref<20016xf32, #tpu.memory_space<vmem>>, vector<16xf32>,
                %parallel_loop3A_272 = arith.index_cast %parallel_loop3A_269 : i32 to index
                %parallel_loop3A_273 = tpu.vector_load %arg10[%parallel_loop3A_272] {strides = array<i32>} : memref<20016xf32, #tpu.memory_space<vmem>>, vector<16xf32>,
                %parallel_loop3A_274 = arith.index_cast %parallel_loop3A_269 : i32 to index
                %parallel_loop3A_275 = tpu.vector_load %arg11[%parallel_loop3A_274] {strides = array<i32>} : memref<20016xf32, #tpu.memory_space<vmem>>, vector<16xf32>,
                %parallel_loop3A_276 = arith.subf %parallel_loop3A_275, %parallel_loop3A_273 : vector<16xf32>
                %parallel_loop3A_277 = arith.constant 0.000000e+00 : f32
                %parallel_loop3A_278 = vector.broadcast %parallel_loop3A_277 : f32 to vector<16xf32>
                %parallel_loop3A_279 = arith.maximumf %parallel_loop3A_276, %parallel_loop3A_278 : vector<16xf32>
                %parallel_loop3A_280 = arith.minimumf %parallel_loop3A_275, %gather3A_118 : vector<16xf32>
                %parallel_loop3A_281 = arith.maximumf %parallel_loop3A_273, %gather3A : vector<16xf32>
                %parallel_loop3A_282 = arith.subf %parallel_loop3A_280, %parallel_loop3A_281 : vector<16xf32>
                %parallel_loop3A_283 = arith.constant 0.000000e+00 : f32
                %parallel_loop3A_284 = vector.broadcast %parallel_loop3A_283 : f32 to vector<16xf32>
                %parallel_loop3A_285 = arith.maximumf %parallel_loop3A_282, %parallel_loop3A_284 : vector<16xf32>
                %parallel_loop3A_286 = arith.addf %parallel_loop3A_279, %max3A_140 : vector<16xf32>
                %parallel_loop3A_287 = arith.subf %parallel_loop3A_286, %parallel_loop3A_285 : vector<16xf32>
                %parallel_loop3A_288 = arith.constant 9.99999996E-13 : f32
                %parallel_loop3A_289 = vector.broadcast %parallel_loop3A_288 : f32 to vector<16xf32>
                %parallel_loop3A_290 = arith.maximumf %parallel_loop3A_287, %parallel_loop3A_289 : vector<16xf32>
                %parallel_loop3A_291 = arith.divf %parallel_loop3A_285, %parallel_loop3A_290 : vector<16xf32>
                %parallel_loop3A_292 = arith.constant 4.500000e-01 : f32
                %parallel_loop3A_293 = vector.broadcast %parallel_loop3A_292 : f32 to vector<16xf32>
                %parallel_loop3A_294 = arith.cmpf ole, %parallel_loop3A_291, %parallel_loop3A_293 : vector<16xf32>
                %parallel_loop3A_295 = arith.constant -9.99999993E+36 : f32
                %parallel_loop3A_296 = vector.broadcast %parallel_loop3A_295 : f32 to vector<16xf32>
                %parallel_loop3A_297 = arith.cmpf ogt, %parallel_loop3A_271, %parallel_loop3A_296 : vector<16xf32>
                %parallel_loop3A_298 = arith.andi %parallel_loop3A_294, %parallel_loop3A_297 : vector<16xi1>
                %parallel_loop3A_299 = tpu.scan <sum>, %broadcast_in_dim3A_233 masked %parallel_loop3A_298 : vector<16xi32>, vector<16xi1> -> vector<16xi32>
                %parallel_loop3A_300 = arith.addi %parallel_loop3A_263, %parallel_loop3A_299 : vector<16xi32>
                tpu.vector_store_idx %arg6[%parallel_loop3A_300], %parallel_loop3A_271 masked %parallel_loop3A_298 : memref<20016xf32, #tpu.memory_space<vmem>>[vector<16xi32>], vector<16xf32>, vector<16xi1>
                tpu.vector_store_idx %arg7[%parallel_loop3A_300], %parallel_loop3A_273 masked %parallel_loop3A_298 : memref<20016xf32, #tpu.memory_space<vmem>>[vector<16xi32>], vector<16xf32>, vector<16xi1>
                tpu.vector_store_idx %arg8[%parallel_loop3A_300], %parallel_loop3A_275 masked %parallel_loop3A_298 : memref<20016xf32, #tpu.memory_space<vmem>>[vector<16xi32>], vector<16xf32>, vector<16xi1>
                %parallel_loop3A_301 = arith.constant 0xFF800000 : f32
                %parallel_loop3A_302 = vector.broadcast %parallel_loop3A_301 : f32 to vector<16xf32>
                %parallel_loop3A_303 = arith.select %parallel_loop3A_298, %parallel_loop3A_271, %parallel_loop3A_302 : vector<16xi1>, vector<16xf32>
                %parallel_loop3A_304 = arith.cmpf ogt, %parallel_loop3A_303, %parallel_loop3A_264 : vector<16xf32>
                %parallel_loop3A_305 = arith.select %parallel_loop3A_304, %parallel_loop3A_264, %parallel_loop3A_303 : vector<16xi1>, vector<16xf32>
                %parallel_loop3A_306 = arith.select %parallel_loop3A_304, %parallel_loop3A_265, %parallel_loop3A_300 : vector<16xi1>, vector<16xi32>
                %parallel_loop3A_307 = arith.select %parallel_loop3A_304, %parallel_loop3A_303, %parallel_loop3A_264 : vector<16xi1>, vector<16xf32>
                %parallel_loop3A_308 = arith.select %parallel_loop3A_304, %parallel_loop3A_300, %parallel_loop3A_265 : vector<16xi1>, vector<16xi32>
                %parallel_loop3A_309 = arith.cmpf ogt, %parallel_loop3A_305, %parallel_loop3A_266 : vector<16xf32>
                %parallel_loop3A_310 = arith.select %parallel_loop3A_309, %parallel_loop3A_305, %parallel_loop3A_266 : vector<16xi1>, vector<16xf32>
                %parallel_loop3A_311 = arith.select %parallel_loop3A_309, %parallel_loop3A_306, %parallel_loop3A_267 : vector<16xi1>, vector<16xi32>
                %parallel_loop3A_312 = tpu.all_reduce %parallel_loop3A_298 {dim = 0 : i64, kind = #tpu.reduction_kind<sum>} : vector<16xi1> -> vector<16xi32>
                %parallel_loop3A_313 = arith.addi %parallel_loop3A_263, %parallel_loop3A_312 : vector<16xi32>
                scf.yield %parallel_loop3A_313, %parallel_loop3A_307, %parallel_loop3A_308, %parallel_loop3A_310, %parallel_loop3A_311 : vector<16xi32>, vector<16xf32>, vector<16xi32>, vector<16xf32>, vector<16xi32>
              } {sc.loop_unroll_factor = 16 : i64, sc.parallel_access}
              %reduce_max3A_247 = arith.constant true
              %reduce_max3A_248 = vector.broadcast %reduce_max3A_247 : i1 to vector<16xi1>
              %reduce_max3A_249 = arith.constant -2147483648 : i32
              %reduce_max3A_250 = vector.broadcast %reduce_max3A_249 : i32 to vector<16xi32>
              %reduce_max3A_251 = arith.xori %parallel_loop3A_246#0, %reduce_max3A_250 : vector<16xi32>
              %reduce_max3A_252 = tpu.scan <max>, %reduce_max3A_251 masked %reduce_max3A_248 : vector<16xi32>, vector<16xi1> -> vector<16xi32>
              %reduce_max3A_253 = arith.xori %reduce_max3A_252, %reduce_max3A_250 : vector<16xi32>
              %reduce_max3A_254 = vector.extract %reduce_max3A_253[15] : i32 from vector<16xi32>
              %add3A_255 = arith.constant 1 : i32
              %add3A_256 = arith.addi %reduce_max3A_254, %add3A_255 : i32
              %broadcast_in_dim3A_257 = vector.broadcast %add3A_256 : i32 to vector<16xi32>
              %add3A_258 = arith.addi %broadcast_in_dim3A_257, %iota3A_205 : vector<16xi32>
              %broadcast_in_dim3A_259 = arith.constant 0xFF800000 : f32
              %broadcast_in_dim3A_260 = vector.broadcast %broadcast_in_dim3A_259 : f32 to vector<16xf32>
              tpu.vector_store_idx %arg6[%add3A_258], %broadcast_in_dim3A_260 : memref<20016xf32, #tpu.memory_space<vmem>>[vector<16xi32>], vector<16xf32>,
              %cond3A_261 = arith.constant 1 : i32
              scf.yield %cond3A_261, %add3A_256, %parallel_loop3A_246#1, %parallel_loop3A_246#2, %parallel_loop3A_246#3, %parallel_loop3A_246#4 : i32, i32, vector<16xf32>, vector<16xi32>, vector<16xf32>, vector<16xi32>
            }
            scf.yield %cond3A_199#0, %cond3A_199#1, %cond3A_199#2, %cond3A_199#3, %cond3A_199#4, %cond3A_199#5 : i32, i32, vector<16xf32>, vector<16xi32>, vector<16xf32>, vector<16xi32>
          } else {
            %mul3A_105 = arith.constant 16 : i32
            %mul3A_106 = arith.muli %while3A_80, %mul3A_105 : i32
            %add3A_107 = vector.broadcast %mul3A_106 : i32 to vector<16xi32>
            %add3A_108 = arith.addi %add3A_107, %iota3A : vector<16xi32>
            %broadcast_in_dim3A_109 = arith.constant 0.000000e+00 : f32
            %broadcast_in_dim3A_110 = vector.broadcast %broadcast_in_dim3A_109 : f32 to vector<16xf32>
            tpu.vector_store_idx %arg12[%add3A_108], %broadcast_in_dim3A_110 : memref<3328xf32, #tpu.memory_space<vmem>>[vector<16xi32>], vector<16xf32>,
            %cond3A_111 = arith.constant 1 : i32
            scf.yield %cond3A_111, %while3A_82, %while3A_83, %while3A_84, %while3A_85, %while3A_86 : i32, i32, vector<16xf32>, vector<16xi32>, vector<16xf32>, vector<16xi32>
          }
          scf.yield %cond3A_104#0, %cond3A_104#1, %cond3A_104#2, %cond3A_104#3, %cond3A_104#4, %cond3A_104#5 : i32, i32, vector<16xf32>, vector<16xi32>, vector<16xf32>, vector<16xi32>
        } else {
          %reduce_max3A_96 = arith.constant true
          %reduce_max3A_97 = vector.broadcast %reduce_max3A_96 : i1 to vector<16xi1>
          %reduce_max3A_98 = tpu.scan <max>, %while3A_83 masked %reduce_max3A_97 : vector<16xf32>, vector<16xi1> -> vector<16xf32>
          %reduce_max3A_99 = vector.extract %reduce_max3A_98[15] : f32 from vector<16xf32>
          %gt3A = arith.constant 0.000000e+00 : f32
          %gt3A_100 = arith.cmpf ogt, %reduce_max3A_99, %gt3A : f32
          %convert_element_type3A_101 = arith.extui %gt3A_100 : i1 to i32
          %cond3A_102 = arith.constant 0 : i32
          %cond3A_103 = arith.cmpi ne, %convert_element_type3A_101, %cond3A_102 : i32
          %cond3A_104:6 = scf.if %cond3A_103 -> (i32, i32, vector<16xf32>, vector<16xi32>, vector<16xf32>, vector<16xi32>) {
            %eq3A_105 = vector.broadcast %reduce_max3A_99 : f32 to vector<16xf32>
            %eq3A_106 = arith.cmpf oeq, %while3A_83, %eq3A_105 : vector<16xf32>
            %jit3A_107 = arith.constant 2147483647 : i32
            %broadcast_in_dim3A_108 = vector.broadcast %jit3A_107 : i32 to vector<16xi32>
            %select_n3A_109 = arith.select %eq3A_106, %while3A_84, %broadcast_in_dim3A_108 : vector<16xi1>, vector<16xi32>
            %reduce_min3A = arith.constant true
            %reduce_min3A_110 = vector.broadcast %reduce_min3A : i1 to vector<16xi1>
            %reduce_min3A_111 = arith.constant -2147483648 : i32
            %reduce_min3A_112 = vector.broadcast %reduce_min3A_111 : i32 to vector<16xi32>
            %reduce_min3A_113 = arith.xori %select_n3A_109, %reduce_min3A_112 : vector<16xi32>
            %reduce_min3A_114 = tpu.scan <min>, %reduce_min3A_113 masked %reduce_min3A_110 : vector<16xi32>, vector<16xi1> -> vector<16xi32>
            %reduce_min3A_115 = arith.xori %reduce_min3A_114, %reduce_min3A_112 : vector<16xi32>
            %reduce_min3A_116 = vector.extract %reduce_min3A_115[15] : i32 from vector<16xi32>
            %broadcast_in_dim3A_117 = vector.broadcast %reduce_min3A_116 : i32 to vector<16xi32>
            %gather3A = tpu.vector_load_idx %arg7[%broadcast_in_dim3A_117] : memref<20016xf32, #tpu.memory_space<vmem>>[vector<16xi32>], vector<16xf32>,
            %gather3A_118 = tpu.vector_load_idx %arg8[%broadcast_in_dim3A_117] : memref<20016xf32, #tpu.memory_space<vmem>>[vector<16xi32>], vector<16xf32>,
            %broadcast_in_dim3A_119 = vector.broadcast %reduce_max3A_99 : f32 to vector<16xf32>
            %eq3A_120 = arith.constant 0 : i32
            %eq3A_121 = vector.broadcast %eq3A_120 : i32 to vector<16xi32>
            %eq3A_122 = arith.cmpi eq, %iota3A, %eq3A_121 : vector<16xi32>
            %eq3A_123 = arith.constant 1 : i32
            %eq3A_124 = vector.broadcast %eq3A_123 : i32 to vector<16xi32>
            %eq3A_125 = arith.cmpi eq, %iota3A, %eq3A_124 : vector<16xi32>
            %eq3A_126 = arith.constant 2 : i32
            %eq3A_127 = vector.broadcast %eq3A_126 : i32 to vector<16xi32>
            %eq3A_128 = arith.cmpi eq, %iota3A, %eq3A_127 : vector<16xi32>
            %jit3A_129 = arith.constant 0.000000e+00 : f32
            %broadcast_in_dim3A_130 = vector.broadcast %jit3A_129 : f32 to vector<16xf32>
            %select_n3A_131 = arith.select %eq3A_128, %broadcast_in_dim3A_119, %broadcast_in_dim3A_130 : vector<16xi1>, vector<16xf32>
            %select_n3A_132 = arith.select %eq3A_125, %gather3A_118, %select_n3A_131 : vector<16xi1>, vector<16xf32>
            %select_n3A_133 = arith.select %eq3A_122, %gather3A, %select_n3A_132 : vector<16xi1>, vector<16xf32>
            %mul3A_134 = arith.constant 16 : i32
            %mul3A_135 = arith.muli %while3A_80, %mul3A_134 : i32
            %add3A_136 = vector.broadcast %mul3A_135 : i32 to vector<16xi32>
            %add3A_137 = arith.addi %add3A_136, %iota3A : vector<16xi32>
            tpu.vector_store_idx %arg12[%add3A_137], %select_n3A_133 : memref<3328xf32, #tpu.memory_space<vmem>>[vector<16xi32>], vector<16xf32>,
            %sub3A_138 = arith.subf %gather3A_118, %gather3A : vector<16xf32>
            %max3A = arith.constant 0.000000e+00 : f32
            %max3A_139 = vector.broadcast %max3A : f32 to vector<16xf32>
            %max3A_140 = arith.maximumf %sub3A_138, %max3A_139 : vector<16xf32>
            %eq3A_141 = vector.broadcast %reduce_min3A_116 : i32 to vector<16xi32>
            %eq3A_142 = arith.cmpi eq, %while3A_84, %eq3A_141 : vector<16xi32>
            %select_n3A_143 = arith.select %eq3A_142, %while3A_85, %while3A_83 : vector<16xi1>, vector<16xf32>
            %select_n3A_144 = arith.select %eq3A_142, %while3A_86, %while3A_84 : vector<16xi1>, vector<16xi32>
            %reduce_max3A_145 = arith.constant true
            %reduce_max3A_146 = vector.broadcast %reduce_max3A_145 : i1 to vector<16xi1>
            %reduce_max3A_147 = tpu.scan <max>, %select_n3A_143 masked %reduce_max3A_146 : vector<16xf32>, vector<16xi1> -> vector<16xf32>
            %reduce_max3A_148 = vector.extract %reduce_max3A_147[15] : f32 from vector<16xf32>
            %eq3A_149 = vector.broadcast %reduce_max3A_148 : f32 to vector<16xf32>
            %eq3A_150 = arith.cmpf oeq, %select_n3A_143, %eq3A_149 : vector<16xf32>
            %jit3A_151 = arith.constant 2147483647 : i32
            %broadcast_in_dim3A_152 = vector.broadcast %jit3A_151 : i32 to vector<16xi32>
            %select_n3A_153 = arith.select %eq3A_150, %select_n3A_144, %broadcast_in_dim3A_152 : vector<16xi1>, vector<16xi32>
            %reduce_min3A_154 = arith.constant true
            %reduce_min3A_155 = vector.broadcast %reduce_min3A_154 : i1 to vector<16xi1>
            %reduce_min3A_156 = arith.constant -2147483648 : i32
            %reduce_min3A_157 = vector.broadcast %reduce_min3A_156 : i32 to vector<16xi32>
            %reduce_min3A_158 = arith.xori %select_n3A_153, %reduce_min3A_157 : vector<16xi32>
            %reduce_min3A_159 = tpu.scan <min>, %reduce_min3A_158 masked %reduce_min3A_155 : vector<16xi32>, vector<16xi1> -> vector<16xi32>
            %reduce_min3A_160 = arith.xori %reduce_min3A_159, %reduce_min3A_157 : vector<16xi32>
            %reduce_min3A_161 = vector.extract %reduce_min3A_160[15] : i32 from vector<16xi32>
            %broadcast_in_dim3A_162 = vector.broadcast %reduce_min3A_161 : i32 to vector<16xi32>
            %gather3A_163 = tpu.vector_load_idx %arg7[%broadcast_in_dim3A_162] : memref<20016xf32, #tpu.memory_space<vmem>>[vector<16xi32>], vector<16xf32>,
            %gather3A_164 = tpu.vector_load_idx %arg8[%broadcast_in_dim3A_162] : memref<20016xf32, #tpu.memory_space<vmem>>[vector<16xi32>], vector<16xf32>,
            %sub3A_165 = arith.subf %gather3A_164, %gather3A_163 : vector<16xf32>
            %max3A_166 = arith.constant 0.000000e+00 : f32
            %max3A_167 = vector.broadcast %max3A_166 : f32 to vector<16xf32>
            %max3A_168 = arith.maximumf %sub3A_165, %max3A_167 : vector<16xf32>
            %min3A = arith.minimumf %gather3A_164, %gather3A_118 : vector<16xf32>
            %max3A_169 = arith.maximumf %gather3A_163, %gather3A : vector<16xf32>
            %sub3A_170 = arith.subf %min3A, %max3A_169 : vector<16xf32>
            %max3A_171 = arith.constant 0.000000e+00 : f32
            %max3A_172 = vector.broadcast %max3A_171 : f32 to vector<16xf32>
            %max3A_173 = arith.maximumf %sub3A_170, %max3A_172 : vector<16xf32>
            %add3A_174 = arith.addf %max3A_168, %max3A_140 : vector<16xf32>
            %sub3A_175 = arith.subf %add3A_174, %max3A_173 : vector<16xf32>
            %max3A_176 = arith.constant 9.99999996E-13 : f32
            %max3A_177 = vector.broadcast %max3A_176 : f32 to vector<16xf32>
            %max3A_178 = arith.maximumf %sub3A_175, %max3A_177 : vector<16xf32>
            %div3A_179 = arith.divf %max3A_173, %max3A_178 : vector<16xf32>
            %le3A = arith.constant 4.500000e-01 : f32
            %le3A_180 = vector.broadcast %le3A : f32 to vector<16xf32>
            %le3A_181 = arith.cmpf ole, %div3A_179, %le3A_180 : vector<16xf32>
            %convert_element_type3A_182 = arith.extui %le3A_181 : vector<16xi1> to vector<16xi32>
            %gt3A_183 = arith.constant 0.000000e+00 : f32
            %gt3A_184 = arith.cmpf ogt, %reduce_max3A_148, %gt3A_183 : f32
            %reduce_max3A_185 = arith.constant true
            %reduce_max3A_186 = vector.broadcast %reduce_max3A_185 : i1 to vector<16xi1>
            %reduce_max3A_187 = arith.constant -2147483648 : i32
            %reduce_max3A_188 = vector.broadcast %reduce_max3A_187 : i32 to vector<16xi32>
            %reduce_max3A_189 = arith.xori %convert_element_type3A_182, %reduce_max3A_188 : vector<16xi32>
            %reduce_max3A_190 = tpu.scan <max>, %reduce_max3A_189 masked %reduce_max3A_186 : vector<16xi32>, vector<16xi1> -> vector<16xi32>
            %reduce_max3A_191 = arith.xori %reduce_max3A_190, %reduce_max3A_188 : vector<16xi32>
            %reduce_max3A_192 = vector.extract %reduce_max3A_191[15] : i32 from vector<16xi32>
            %gt3A_193 = arith.constant 0 : i32
            %gt3A_194 = arith.cmpi sgt, %reduce_max3A_192, %gt3A_193 : i32
            %and3A_195 = arith.andi %gt3A_184, %gt3A_194 : i1
            %convert_element_type3A_196 = arith.extui %and3A_195 : i1 to i32
            %cond3A_197 = arith.constant 0 : i32
            %cond3A_198 = arith.cmpi ne, %convert_element_type3A_196, %cond3A_197 : i32
            %cond3A_199:6 = scf.if %cond3A_198 -> (i32, i32, vector<16xf32>, vector<16xi32>, vector<16xf32>, vector<16xi32>) {
              %broadcast_in_dim3A_200 = vector.broadcast %reduce_max3A_148 : f32 to vector<16xf32>
              %eq3A_201 = arith.constant 0 : i32
              %eq3A_202 = vector.broadcast %eq3A_201 : i32 to vector<16xi32>
              %eq3A_203 = arith.cmpi eq, %iota3A, %eq3A_202 : vector<16xi32>
              %eq3A_204 = arith.constant 1 : i32
              %eq3A_205 = vector.broadcast %eq3A_204 : i32 to vector<16xi32>
              %eq3A_206 = arith.cmpi eq, %iota3A, %eq3A_205 : vector<16xi32>
              %eq3A_207 = arith.constant 2 : i32
              %eq3A_208 = vector.broadcast %eq3A_207 : i32 to vector<16xi32>
              %eq3A_209 = arith.cmpi eq, %iota3A, %eq3A_208 : vector<16xi32>
              %jit3A_210 = arith.constant 0.000000e+00 : f32
              %broadcast_in_dim3A_211 = vector.broadcast %jit3A_210 : f32 to vector<16xf32>
              %select_n3A_212 = arith.select %eq3A_209, %broadcast_in_dim3A_200, %broadcast_in_dim3A_211 : vector<16xi1>, vector<16xf32>
              %select_n3A_213 = arith.select %eq3A_206, %gather3A_164, %select_n3A_212 : vector<16xi1>, vector<16xf32>
              %select_n3A_214 = arith.select %eq3A_203, %gather3A_163, %select_n3A_213 : vector<16xi1>, vector<16xf32>
              %add3A_215 = arith.constant 1 : i32
              %add3A_216 = arith.addi %while3A_80, %add3A_215 : i32
              %mul3A_217 = arith.constant 16 : i32
              %mul3A_218 = arith.muli %add3A_216, %mul3A_217 : i32
              %add3A_219 = vector.broadcast %mul3A_218 : i32 to vector<16xi32>
              %add3A_220 = arith.addi %add3A_219, %iota3A : vector<16xi32>
              tpu.vector_store_idx %arg12[%add3A_220], %select_n3A_214 : memref<3328xf32, #tpu.memory_space<vmem>>[vector<16xi32>], vector<16xf32>,
              %eq3A_221 = arith.constant 0 : i32
              %eq3A_222 = vector.broadcast %eq3A_221 : i32 to vector<16xi32>
              %eq3A_223 = arith.cmpi eq, %iota3A, %eq3A_222 : vector<16xi32>
              %broadcast_in_dim3A_224 = vector.broadcast %reduce_min3A_116 : i32 to vector<16xi32>
              %broadcast_in_dim3A_225 = vector.broadcast %reduce_min3A_161 : i32 to vector<16xi32>
              %select_n3A_226 = arith.select %eq3A_223, %broadcast_in_dim3A_224, %broadcast_in_dim3A_225 : vector<16xi1>, vector<16xi32>
              %broadcast_in_dim3A_227 = arith.constant 0xFF800000 : f32
              %broadcast_in_dim3A_228 = vector.broadcast %broadcast_in_dim3A_227 : f32 to vector<16xf32>
              %lt3A_229 = arith.constant 2 : i32
              %lt3A_230 = vector.broadcast %lt3A_229 : i32 to vector<16xi32>
              %lt3A_231 = arith.cmpi slt, %iota3A, %lt3A_230 : vector<16xi32>
              tpu.vector_store_idx %arg6[%select_n3A_226], %broadcast_in_dim3A_228 masked %lt3A_231 : memref<20016xf32, #tpu.memory_space<vmem>>[vector<16xi32>], vector<16xf32>, vector<16xi1>
              %iota3A_232 = tpu.iota {dimensions = array<i32: 0>} : vector<16xi32>
              %add3A_233 = arith.constant 15 : i32
              %add3A_234 = arith.addi %while3A_82, %add3A_233 : i32
              %jit3A_235 = arith.constant 16 : i32
              %div3A_236 = arith.divsi %add3A_234, %jit3A_235 : i32
              %sign3A_237 = arith.constant 0 : i32
              %sign3A_238 = arith.cmpi sgt, %add3A_234, %sign3A_237 : i32
              %sign3A_239 = arith.extui %sign3A_238 : i1 to i32
              %sign3A_240 = arith.constant 0 : i32
              %sign3A_241 = arith.cmpi slt, %add3A_234, %sign3A_240 : i32
              %sign3A_242 = arith.extui %sign3A_241 : i1 to i32
              %sign3A_243 = arith.subi %sign3A_239, %sign3A_242 : i32
              %sign3A_244 = arith.constant 0 : i32
              %sign3A_245 = arith.cmpi sgt, %jit3A_235, %sign3A_244 : i32
              %sign3A_246 = arith.extui %sign3A_245 : i1 to i32
              %sign3A_247 = arith.constant 0 : i32
              %sign3A_248 = arith.cmpi slt, %jit3A_235, %sign3A_247 : i32
              %sign3A_249 = arith.extui %sign3A_248 : i1 to i32
              %sign3A_250 = arith.subi %sign3A_246, %sign3A_249 : i32
              %ne3A_251 = arith.cmpi ne, %sign3A_243, %sign3A_250 : i32
              %rem3A_252 = arith.remsi %add3A_234, %jit3A_235 : i32
              %ne3A_253 = arith.constant 0 : i32
              %ne3A_254 = arith.cmpi ne, %rem3A_252, %ne3A_253 : i32
              %and3A_255 = arith.andi %ne3A_251, %ne3A_254 : i1
              %sub3A_256 = arith.constant 1 : i32
              %sub3A_257 = arith.subi %div3A_236, %sub3A_256 : i32
              %select_n3A_258 = arith.select %and3A_255, %sub3A_257, %div3A_236 : i32
              %broadcast_in_dim3A_259 = arith.constant 1 : i32
              %broadcast_in_dim3A_260 = vector.broadcast %broadcast_in_dim3A_259 : i32 to vector<16xi32>
              %broadcast_in_dim3A_261 = arith.constant -1 : i32
              %broadcast_in_dim3A_262 = vector.broadcast %broadcast_in_dim3A_261 : i32 to vector<16xi32>
              %broadcast_in_dim3A_263 = arith.constant 0xFF800000 : f32
              %broadcast_in_dim3A_264 = vector.broadcast %broadcast_in_dim3A_263 : f32 to vector<16xf32>
              %broadcast_in_dim3A_265 = arith.constant 0 : i32
              %broadcast_in_dim3A_266 = vector.broadcast %broadcast_in_dim3A_265 : i32 to vector<16xi32>
              %broadcast_in_dim3A_267 = arith.constant 0xFF800000 : f32
              %broadcast_in_dim3A_268 = vector.broadcast %broadcast_in_dim3A_267 : f32 to vector<16xf32>
              %broadcast_in_dim3A_269 = arith.constant 0 : i32
              %broadcast_in_dim3A_270 = vector.broadcast %broadcast_in_dim3A_269 : i32 to vector<16xi32>
              %parallel_loop3A_271 = arith.constant 0 : i32
              %parallel_loop3A_272 = arith.constant 1 : i32
              %parallel_loop3A_273:5 = scf.for %parallel_loop3A_289 = %parallel_loop3A_271 to %select_n3A_258 step %parallel_loop3A_272 iter_args(%parallel_loop3A_290 = %broadcast_in_dim3A_262, %parallel_loop3A_291 = %broadcast_in_dim3A_264, %parallel_loop3A_292 = %broadcast_in_dim3A_266, %parallel_loop3A_293 = %broadcast_in_dim3A_268, %parallel_loop3A_294 = %broadcast_in_dim3A_270) -> (vector<16xi32>, vector<16xf32>, vector<16xi32>, vector<16xf32>, vector<16xi32>)  : i32 {
                %parallel_loop3A_295 = arith.constant 16 : i32
                %parallel_loop3A_296 = arith.muli %parallel_loop3A_289, %parallel_loop3A_295 : i32
                %parallel_loop3A_297 = arith.index_cast %parallel_loop3A_296 : i32 to index
                %parallel_loop3A_298 = tpu.vector_load %arg6[%parallel_loop3A_297] {strides = array<i32>} : memref<20016xf32, #tpu.memory_space<vmem>>, vector<16xf32>,
                %parallel_loop3A_299 = arith.index_cast %parallel_loop3A_296 : i32 to index
                %parallel_loop3A_300 = tpu.vector_load %arg7[%parallel_loop3A_299] {strides = array<i32>} : memref<20016xf32, #tpu.memory_space<vmem>>, vector<16xf32>,
                %parallel_loop3A_301 = arith.index_cast %parallel_loop3A_296 : i32 to index
                %parallel_loop3A_302 = tpu.vector_load %arg8[%parallel_loop3A_301] {strides = array<i32>} : memref<20016xf32, #tpu.memory_space<vmem>>, vector<16xf32>,
                %parallel_loop3A_303 = arith.subf %parallel_loop3A_302, %parallel_loop3A_300 : vector<16xf32>
                %parallel_loop3A_304 = arith.constant 0.000000e+00 : f32
                %parallel_loop3A_305 = vector.broadcast %parallel_loop3A_304 : f32 to vector<16xf32>
                %parallel_loop3A_306 = arith.maximumf %parallel_loop3A_303, %parallel_loop3A_305 : vector<16xf32>
                %parallel_loop3A_307 = arith.minimumf %parallel_loop3A_302, %gather3A_118 : vector<16xf32>
                %parallel_loop3A_308 = arith.maximumf %parallel_loop3A_300, %gather3A : vector<16xf32>
                %parallel_loop3A_309 = arith.subf %parallel_loop3A_307, %parallel_loop3A_308 : vector<16xf32>
                %parallel_loop3A_310 = arith.constant 0.000000e+00 : f32
                %parallel_loop3A_311 = vector.broadcast %parallel_loop3A_310 : f32 to vector<16xf32>
                %parallel_loop3A_312 = arith.maximumf %parallel_loop3A_309, %parallel_loop3A_311 : vector<16xf32>
                %parallel_loop3A_313 = arith.addf %parallel_loop3A_306, %max3A_140 : vector<16xf32>
                %parallel_loop3A_314 = arith.subf %parallel_loop3A_313, %parallel_loop3A_312 : vector<16xf32>
                %parallel_loop3A_315 = arith.constant 9.99999996E-13 : f32
                %parallel_loop3A_316 = vector.broadcast %parallel_loop3A_315 : f32 to vector<16xf32>
                %parallel_loop3A_317 = arith.maximumf %parallel_loop3A_314, %parallel_loop3A_316 : vector<16xf32>
                %parallel_loop3A_318 = arith.divf %parallel_loop3A_312, %parallel_loop3A_317 : vector<16xf32>
                %parallel_loop3A_319 = arith.constant 4.500000e-01 : f32
                %parallel_loop3A_320 = vector.broadcast %parallel_loop3A_319 : f32 to vector<16xf32>
                %parallel_loop3A_321 = arith.cmpf ole, %parallel_loop3A_318, %parallel_loop3A_320 : vector<16xf32>
                %parallel_loop3A_322 = arith.constant -9.99999993E+36 : f32
                %parallel_loop3A_323 = vector.broadcast %parallel_loop3A_322 : f32 to vector<16xf32>
                %parallel_loop3A_324 = arith.cmpf ogt, %parallel_loop3A_298, %parallel_loop3A_323 : vector<16xf32>
                %parallel_loop3A_325 = arith.andi %parallel_loop3A_321, %parallel_loop3A_324 : vector<16xi1>
                %parallel_loop3A_326 = arith.minimumf %parallel_loop3A_302, %gather3A_164 : vector<16xf32>
                %parallel_loop3A_327 = arith.maximumf %parallel_loop3A_300, %gather3A_163 : vector<16xf32>
                %parallel_loop3A_328 = arith.subf %parallel_loop3A_326, %parallel_loop3A_327 : vector<16xf32>
                %parallel_loop3A_329 = arith.constant 0.000000e+00 : f32
                %parallel_loop3A_330 = vector.broadcast %parallel_loop3A_329 : f32 to vector<16xf32>
                %parallel_loop3A_331 = arith.maximumf %parallel_loop3A_328, %parallel_loop3A_330 : vector<16xf32>
                %parallel_loop3A_332 = arith.addf %parallel_loop3A_306, %max3A_168 : vector<16xf32>
                %parallel_loop3A_333 = arith.subf %parallel_loop3A_332, %parallel_loop3A_331 : vector<16xf32>
                %parallel_loop3A_334 = arith.constant 9.99999996E-13 : f32
                %parallel_loop3A_335 = vector.broadcast %parallel_loop3A_334 : f32 to vector<16xf32>
                %parallel_loop3A_336 = arith.maximumf %parallel_loop3A_333, %parallel_loop3A_335 : vector<16xf32>
                %parallel_loop3A_337 = arith.divf %parallel_loop3A_331, %parallel_loop3A_336 : vector<16xf32>
                %parallel_loop3A_338 = arith.constant 4.500000e-01 : f32
                %parallel_loop3A_339 = vector.broadcast %parallel_loop3A_338 : f32 to vector<16xf32>
                %parallel_loop3A_340 = arith.cmpf ole, %parallel_loop3A_337, %parallel_loop3A_339 : vector<16xf32>
                %parallel_loop3A_341 = arith.andi %parallel_loop3A_325, %parallel_loop3A_340 : vector<16xi1>
                %parallel_loop3A_342 = tpu.scan <sum>, %broadcast_in_dim3A_260 masked %parallel_loop3A_341 : vector<16xi32>, vector<16xi1> -> vector<16xi32>
                %parallel_loop3A_343 = arith.addi %parallel_loop3A_290, %parallel_loop3A_342 : vector<16xi32>
                tpu.vector_store_idx %arg9[%parallel_loop3A_343], %parallel_loop3A_298 masked %parallel_loop3A_341 : memref<20016xf32, #tpu.memory_space<vmem>>[vector<16xi32>], vector<16xf32>, vector<16xi1>
                tpu.vector_store_idx %arg10[%parallel_loop3A_343], %parallel_loop3A_300 masked %parallel_loop3A_341 : memref<20016xf32, #tpu.memory_space<vmem>>[vector<16xi32>], vector<16xf32>, vector<16xi1>
                tpu.vector_store_idx %arg11[%parallel_loop3A_343], %parallel_loop3A_302 masked %parallel_loop3A_341 : memref<20016xf32, #tpu.memory_space<vmem>>[vector<16xi32>], vector<16xf32>, vector<16xi1>
                %parallel_loop3A_344 = arith.constant 0xFF800000 : f32
                %parallel_loop3A_345 = vector.broadcast %parallel_loop3A_344 : f32 to vector<16xf32>
                %parallel_loop3A_346 = arith.select %parallel_loop3A_341, %parallel_loop3A_298, %parallel_loop3A_345 : vector<16xi1>, vector<16xf32>
                %parallel_loop3A_347 = arith.cmpf ogt, %parallel_loop3A_346, %parallel_loop3A_291 : vector<16xf32>
                %parallel_loop3A_348 = arith.select %parallel_loop3A_347, %parallel_loop3A_291, %parallel_loop3A_346 : vector<16xi1>, vector<16xf32>
                %parallel_loop3A_349 = arith.select %parallel_loop3A_347, %parallel_loop3A_292, %parallel_loop3A_343 : vector<16xi1>, vector<16xi32>
                %parallel_loop3A_350 = arith.select %parallel_loop3A_347, %parallel_loop3A_346, %parallel_loop3A_291 : vector<16xi1>, vector<16xf32>
                %parallel_loop3A_351 = arith.select %parallel_loop3A_347, %parallel_loop3A_343, %parallel_loop3A_292 : vector<16xi1>, vector<16xi32>
                %parallel_loop3A_352 = arith.cmpf ogt, %parallel_loop3A_348, %parallel_loop3A_293 : vector<16xf32>
                %parallel_loop3A_353 = arith.select %parallel_loop3A_352, %parallel_loop3A_348, %parallel_loop3A_293 : vector<16xi1>, vector<16xf32>
                %parallel_loop3A_354 = arith.select %parallel_loop3A_352, %parallel_loop3A_349, %parallel_loop3A_294 : vector<16xi1>, vector<16xi32>
                %parallel_loop3A_355 = tpu.all_reduce %parallel_loop3A_341 {dim = 0 : i64, kind = #tpu.reduction_kind<sum>} : vector<16xi1> -> vector<16xi32>
                %parallel_loop3A_356 = arith.addi %parallel_loop3A_290, %parallel_loop3A_355 : vector<16xi32>
                scf.yield %parallel_loop3A_356, %parallel_loop3A_350, %parallel_loop3A_351, %parallel_loop3A_353, %parallel_loop3A_354 : vector<16xi32>, vector<16xf32>, vector<16xi32>, vector<16xf32>, vector<16xi32>
              } {sc.loop_unroll_factor = 16 : i64, sc.parallel_access}
              %reduce_max3A_274 = arith.constant true
              %reduce_max3A_275 = vector.broadcast %reduce_max3A_274 : i1 to vector<16xi1>
              %reduce_max3A_276 = arith.constant -2147483648 : i32
              %reduce_max3A_277 = vector.broadcast %reduce_max3A_276 : i32 to vector<16xi32>
              %reduce_max3A_278 = arith.xori %parallel_loop3A_273#0, %reduce_max3A_277 : vector<16xi32>
              %reduce_max3A_279 = tpu.scan <max>, %reduce_max3A_278 masked %reduce_max3A_275 : vector<16xi32>, vector<16xi1> -> vector<16xi32>
              %reduce_max3A_280 = arith.xori %reduce_max3A_279, %reduce_max3A_277 : vector<16xi32>
              %reduce_max3A_281 = vector.extract %reduce_max3A_280[15] : i32 from vector<16xi32>
              %add3A_282 = arith.constant 1 : i32
              %add3A_283 = arith.addi %reduce_max3A_281, %add3A_282 : i32
              %broadcast_in_dim3A_284 = vector.broadcast %add3A_283 : i32 to vector<16xi32>
              %add3A_285 = arith.addi %broadcast_in_dim3A_284, %iota3A_232 : vector<16xi32>
              %broadcast_in_dim3A_286 = arith.constant 0xFF800000 : f32
              %broadcast_in_dim3A_287 = vector.broadcast %broadcast_in_dim3A_286 : f32 to vector<16xf32>
              tpu.vector_store_idx %arg9[%add3A_285], %broadcast_in_dim3A_287 : memref<20016xf32, #tpu.memory_space<vmem>>[vector<16xi32>], vector<16xf32>,
              %cond3A_288 = arith.constant 2 : i32
              scf.yield %cond3A_288, %add3A_283, %parallel_loop3A_273#1, %parallel_loop3A_273#2, %parallel_loop3A_273#3, %parallel_loop3A_273#4 : i32, i32, vector<16xf32>, vector<16xi32>, vector<16xf32>, vector<16xi32>
            } else {
              %broadcast_in_dim3A_200 = arith.constant 0xFF800000 : f32
              %broadcast_in_dim3A_201 = vector.broadcast %broadcast_in_dim3A_200 : f32 to vector<16xf32>
              %eq3A_202 = arith.constant 0 : i32
              %eq3A_203 = vector.broadcast %eq3A_202 : i32 to vector<16xi32>
              %eq3A_204 = arith.cmpi eq, %iota3A, %eq3A_203 : vector<16xi32>
              tpu.vector_store_idx %arg6[%broadcast_in_dim3A_117], %broadcast_in_dim3A_201 masked %eq3A_204 : memref<20016xf32, #tpu.memory_space<vmem>>[vector<16xi32>], vector<16xf32>, vector<16xi1>
              %iota3A_205 = tpu.iota {dimensions = array<i32: 0>} : vector<16xi32>
              %add3A_206 = arith.constant 15 : i32
              %add3A_207 = arith.addi %while3A_82, %add3A_206 : i32
              %jit3A_208 = arith.constant 16 : i32
              %div3A_209 = arith.divsi %add3A_207, %jit3A_208 : i32
              %sign3A_210 = arith.constant 0 : i32
              %sign3A_211 = arith.cmpi sgt, %add3A_207, %sign3A_210 : i32
              %sign3A_212 = arith.extui %sign3A_211 : i1 to i32
              %sign3A_213 = arith.constant 0 : i32
              %sign3A_214 = arith.cmpi slt, %add3A_207, %sign3A_213 : i32
              %sign3A_215 = arith.extui %sign3A_214 : i1 to i32
              %sign3A_216 = arith.subi %sign3A_212, %sign3A_215 : i32
              %sign3A_217 = arith.constant 0 : i32
              %sign3A_218 = arith.cmpi sgt, %jit3A_208, %sign3A_217 : i32
              %sign3A_219 = arith.extui %sign3A_218 : i1 to i32
              %sign3A_220 = arith.constant 0 : i32
              %sign3A_221 = arith.cmpi slt, %jit3A_208, %sign3A_220 : i32
              %sign3A_222 = arith.extui %sign3A_221 : i1 to i32
              %sign3A_223 = arith.subi %sign3A_219, %sign3A_222 : i32
              %ne3A_224 = arith.cmpi ne, %sign3A_216, %sign3A_223 : i32
              %rem3A_225 = arith.remsi %add3A_207, %jit3A_208 : i32
              %ne3A_226 = arith.constant 0 : i32
              %ne3A_227 = arith.cmpi ne, %rem3A_225, %ne3A_226 : i32
              %and3A_228 = arith.andi %ne3A_224, %ne3A_227 : i1
              %sub3A_229 = arith.constant 1 : i32
              %sub3A_230 = arith.subi %div3A_209, %sub3A_229 : i32
              %select_n3A_231 = arith.select %and3A_228, %sub3A_230, %div3A_209 : i32
              %broadcast_in_dim3A_232 = arith.constant 1 : i32
              %broadcast_in_dim3A_233 = vector.broadcast %broadcast_in_dim3A_232 : i32 to vector<16xi32>
              %broadcast_in_dim3A_234 = arith.constant -1 : i32
              %broadcast_in_dim3A_235 = vector.broadcast %broadcast_in_dim3A_234 : i32 to vector<16xi32>
              %broadcast_in_dim3A_236 = arith.constant 0xFF800000 : f32
              %broadcast_in_dim3A_237 = vector.broadcast %broadcast_in_dim3A_236 : f32 to vector<16xf32>
              %broadcast_in_dim3A_238 = arith.constant 0 : i32
              %broadcast_in_dim3A_239 = vector.broadcast %broadcast_in_dim3A_238 : i32 to vector<16xi32>
              %broadcast_in_dim3A_240 = arith.constant 0xFF800000 : f32
              %broadcast_in_dim3A_241 = vector.broadcast %broadcast_in_dim3A_240 : f32 to vector<16xf32>
              %broadcast_in_dim3A_242 = arith.constant 0 : i32
              %broadcast_in_dim3A_243 = vector.broadcast %broadcast_in_dim3A_242 : i32 to vector<16xi32>
              %parallel_loop3A_244 = arith.constant 0 : i32
              %parallel_loop3A_245 = arith.constant 1 : i32
              %parallel_loop3A_246:5 = scf.for %parallel_loop3A_262 = %parallel_loop3A_244 to %select_n3A_231 step %parallel_loop3A_245 iter_args(%parallel_loop3A_263 = %broadcast_in_dim3A_235, %parallel_loop3A_264 = %broadcast_in_dim3A_237, %parallel_loop3A_265 = %broadcast_in_dim3A_239, %parallel_loop3A_266 = %broadcast_in_dim3A_241, %parallel_loop3A_267 = %broadcast_in_dim3A_243) -> (vector<16xi32>, vector<16xf32>, vector<16xi32>, vector<16xf32>, vector<16xi32>)  : i32 {
                %parallel_loop3A_268 = arith.constant 16 : i32
                %parallel_loop3A_269 = arith.muli %parallel_loop3A_262, %parallel_loop3A_268 : i32
                %parallel_loop3A_270 = arith.index_cast %parallel_loop3A_269 : i32 to index
                %parallel_loop3A_271 = tpu.vector_load %arg6[%parallel_loop3A_270] {strides = array<i32>} : memref<20016xf32, #tpu.memory_space<vmem>>, vector<16xf32>,
                %parallel_loop3A_272 = arith.index_cast %parallel_loop3A_269 : i32 to index
                %parallel_loop3A_273 = tpu.vector_load %arg7[%parallel_loop3A_272] {strides = array<i32>} : memref<20016xf32, #tpu.memory_space<vmem>>, vector<16xf32>,
                %parallel_loop3A_274 = arith.index_cast %parallel_loop3A_269 : i32 to index
                %parallel_loop3A_275 = tpu.vector_load %arg8[%parallel_loop3A_274] {strides = array<i32>} : memref<20016xf32, #tpu.memory_space<vmem>>, vector<16xf32>,
                %parallel_loop3A_276 = arith.subf %parallel_loop3A_275, %parallel_loop3A_273 : vector<16xf32>
                %parallel_loop3A_277 = arith.constant 0.000000e+00 : f32
                %parallel_loop3A_278 = vector.broadcast %parallel_loop3A_277 : f32 to vector<16xf32>
                %parallel_loop3A_279 = arith.maximumf %parallel_loop3A_276, %parallel_loop3A_278 : vector<16xf32>
                %parallel_loop3A_280 = arith.minimumf %parallel_loop3A_275, %gather3A_118 : vector<16xf32>
                %parallel_loop3A_281 = arith.maximumf %parallel_loop3A_273, %gather3A : vector<16xf32>
                %parallel_loop3A_282 = arith.subf %parallel_loop3A_280, %parallel_loop3A_281 : vector<16xf32>
                %parallel_loop3A_283 = arith.constant 0.000000e+00 : f32
                %parallel_loop3A_284 = vector.broadcast %parallel_loop3A_283 : f32 to vector<16xf32>
                %parallel_loop3A_285 = arith.maximumf %parallel_loop3A_282, %parallel_loop3A_284 : vector<16xf32>
                %parallel_loop3A_286 = arith.addf %parallel_loop3A_279, %max3A_140 : vector<16xf32>
                %parallel_loop3A_287 = arith.subf %parallel_loop3A_286, %parallel_loop3A_285 : vector<16xf32>
                %parallel_loop3A_288 = arith.constant 9.99999996E-13 : f32
                %parallel_loop3A_289 = vector.broadcast %parallel_loop3A_288 : f32 to vector<16xf32>
                %parallel_loop3A_290 = arith.maximumf %parallel_loop3A_287, %parallel_loop3A_289 : vector<16xf32>
                %parallel_loop3A_291 = arith.divf %parallel_loop3A_285, %parallel_loop3A_290 : vector<16xf32>
                %parallel_loop3A_292 = arith.constant 4.500000e-01 : f32
                %parallel_loop3A_293 = vector.broadcast %parallel_loop3A_292 : f32 to vector<16xf32>
                %parallel_loop3A_294 = arith.cmpf ole, %parallel_loop3A_291, %parallel_loop3A_293 : vector<16xf32>
                %parallel_loop3A_295 = arith.constant -9.99999993E+36 : f32
                %parallel_loop3A_296 = vector.broadcast %parallel_loop3A_295 : f32 to vector<16xf32>
                %parallel_loop3A_297 = arith.cmpf ogt, %parallel_loop3A_271, %parallel_loop3A_296 : vector<16xf32>
                %parallel_loop3A_298 = arith.andi %parallel_loop3A_294, %parallel_loop3A_297 : vector<16xi1>
                %parallel_loop3A_299 = tpu.scan <sum>, %broadcast_in_dim3A_233 masked %parallel_loop3A_298 : vector<16xi32>, vector<16xi1> -> vector<16xi32>
                %parallel_loop3A_300 = arith.addi %parallel_loop3A_263, %parallel_loop3A_299 : vector<16xi32>
                tpu.vector_store_idx %arg9[%parallel_loop3A_300], %parallel_loop3A_271 masked %parallel_loop3A_298 : memref<20016xf32, #tpu.memory_space<vmem>>[vector<16xi32>], vector<16xf32>, vector<16xi1>
                tpu.vector_store_idx %arg10[%parallel_loop3A_300], %parallel_loop3A_273 masked %parallel_loop3A_298 : memref<20016xf32, #tpu.memory_space<vmem>>[vector<16xi32>], vector<16xf32>, vector<16xi1>
                tpu.vector_store_idx %arg11[%parallel_loop3A_300], %parallel_loop3A_275 masked %parallel_loop3A_298 : memref<20016xf32, #tpu.memory_space<vmem>>[vector<16xi32>], vector<16xf32>, vector<16xi1>
                %parallel_loop3A_301 = arith.constant 0xFF800000 : f32
                %parallel_loop3A_302 = vector.broadcast %parallel_loop3A_301 : f32 to vector<16xf32>
                %parallel_loop3A_303 = arith.select %parallel_loop3A_298, %parallel_loop3A_271, %parallel_loop3A_302 : vector<16xi1>, vector<16xf32>
                %parallel_loop3A_304 = arith.cmpf ogt, %parallel_loop3A_303, %parallel_loop3A_264 : vector<16xf32>
                %parallel_loop3A_305 = arith.select %parallel_loop3A_304, %parallel_loop3A_264, %parallel_loop3A_303 : vector<16xi1>, vector<16xf32>
                %parallel_loop3A_306 = arith.select %parallel_loop3A_304, %parallel_loop3A_265, %parallel_loop3A_300 : vector<16xi1>, vector<16xi32>
                %parallel_loop3A_307 = arith.select %parallel_loop3A_304, %parallel_loop3A_303, %parallel_loop3A_264 : vector<16xi1>, vector<16xf32>
                %parallel_loop3A_308 = arith.select %parallel_loop3A_304, %parallel_loop3A_300, %parallel_loop3A_265 : vector<16xi1>, vector<16xi32>
                %parallel_loop3A_309 = arith.cmpf ogt, %parallel_loop3A_305, %parallel_loop3A_266 : vector<16xf32>
                %parallel_loop3A_310 = arith.select %parallel_loop3A_309, %parallel_loop3A_305, %parallel_loop3A_266 : vector<16xi1>, vector<16xf32>
                %parallel_loop3A_311 = arith.select %parallel_loop3A_309, %parallel_loop3A_306, %parallel_loop3A_267 : vector<16xi1>, vector<16xi32>
                %parallel_loop3A_312 = tpu.all_reduce %parallel_loop3A_298 {dim = 0 : i64, kind = #tpu.reduction_kind<sum>} : vector<16xi1> -> vector<16xi32>
                %parallel_loop3A_313 = arith.addi %parallel_loop3A_263, %parallel_loop3A_312 : vector<16xi32>
                scf.yield %parallel_loop3A_313, %parallel_loop3A_307, %parallel_loop3A_308, %parallel_loop3A_310, %parallel_loop3A_311 : vector<16xi32>, vector<16xf32>, vector<16xi32>, vector<16xf32>, vector<16xi32>
              } {sc.loop_unroll_factor = 16 : i64, sc.parallel_access}
              %reduce_max3A_247 = arith.constant true
              %reduce_max3A_248 = vector.broadcast %reduce_max3A_247 : i1 to vector<16xi1>
              %reduce_max3A_249 = arith.constant -2147483648 : i32
              %reduce_max3A_250 = vector.broadcast %reduce_max3A_249 : i32 to vector<16xi32>
              %reduce_max3A_251 = arith.xori %parallel_loop3A_246#0, %reduce_max3A_250 : vector<16xi32>
              %reduce_max3A_252 = tpu.scan <max>, %reduce_max3A_251 masked %reduce_max3A_248 : vector<16xi32>, vector<16xi1> -> vector<16xi32>
              %reduce_max3A_253 = arith.xori %reduce_max3A_252, %reduce_max3A_250 : vector<16xi32>
              %reduce_max3A_254 = vector.extract %reduce_max3A_253[15] : i32 from vector<16xi32>
              %add3A_255 = arith.constant 1 : i32
              %add3A_256 = arith.addi %reduce_max3A_254, %add3A_255 : i32
              %broadcast_in_dim3A_257 = vector.broadcast %add3A_256 : i32 to vector<16xi32>
              %add3A_258 = arith.addi %broadcast_in_dim3A_257, %iota3A_205 : vector<16xi32>
              %broadcast_in_dim3A_259 = arith.constant 0xFF800000 : f32
              %broadcast_in_dim3A_260 = vector.broadcast %broadcast_in_dim3A_259 : f32 to vector<16xf32>
              tpu.vector_store_idx %arg9[%add3A_258], %broadcast_in_dim3A_260 : memref<20016xf32, #tpu.memory_space<vmem>>[vector<16xi32>], vector<16xf32>,
              %cond3A_261 = arith.constant 1 : i32
              scf.yield %cond3A_261, %add3A_256, %parallel_loop3A_246#1, %parallel_loop3A_246#2, %parallel_loop3A_246#3, %parallel_loop3A_246#4 : i32, i32, vector<16xf32>, vector<16xi32>, vector<16xf32>, vector<16xi32>
            }
            scf.yield %cond3A_199#0, %cond3A_199#1, %cond3A_199#2, %cond3A_199#3, %cond3A_199#4, %cond3A_199#5 : i32, i32, vector<16xf32>, vector<16xi32>, vector<16xf32>, vector<16xi32>
          } else {
            %mul3A_105 = arith.constant 16 : i32
            %mul3A_106 = arith.muli %while3A_80, %mul3A_105 : i32
            %add3A_107 = vector.broadcast %mul3A_106 : i32 to vector<16xi32>
            %add3A_108 = arith.addi %add3A_107, %iota3A : vector<16xi32>
            %broadcast_in_dim3A_109 = arith.constant 0.000000e+00 : f32
            %broadcast_in_dim3A_110 = vector.broadcast %broadcast_in_dim3A_109 : f32 to vector<16xf32>
            tpu.vector_store_idx %arg12[%add3A_108], %broadcast_in_dim3A_110 : memref<3328xf32, #tpu.memory_space<vmem>>[vector<16xi32>], vector<16xf32>,
            %cond3A_111 = arith.constant 1 : i32
            scf.yield %cond3A_111, %while3A_82, %while3A_83, %while3A_84, %while3A_85, %while3A_86 : i32, i32, vector<16xf32>, vector<16xi32>, vector<16xf32>, vector<16xi32>
          }
          scf.yield %cond3A_104#0, %cond3A_104#1, %cond3A_104#2, %cond3A_104#3, %cond3A_104#4, %cond3A_104#5 : i32, i32, vector<16xf32>, vector<16xi32>, vector<16xf32>, vector<16xi32>
        }
        %add3A_93 = arith.addi %while3A_80, %cond3A_92#0 : i32
        %sub3A_94 = arith.constant 1 : i32
        %sub3A_95 = arith.subi %sub3A_94, %while3A_81 : i32
        scf.yield %add3A_93, %sub3A_95, %cond3A_92#1, %cond3A_92#2, %cond3A_92#3, %cond3A_92#4, %cond3A_92#5 : i32, i32, i32, vector<16xf32>, vector<16xi32>, vector<16xf32>, vector<16xi32>
      }
      %mul3A_76 = arith.constant 208 : i32
      %mul3A_77 = arith.muli %add3A, %mul3A_76 : i32
      %mul3A_78 = arith.constant 16 : i32
      %mul3A_79 = arith.muli %mul3A_77, %mul3A_78 : i32
      "tpu.region"() ({
        %run_scoped3A = tpu.sem_alloc : memref<!tpu.dma_semaphore, #tpu.memory_space<semaphore_mem>>
        %dma_start3A = tpu.memref_slice %arg5[%mul3A_79] : memref<53248xf32, #tpu.memory_space<hbm>> -> memref<3328xf32, #tpu.memory_space<hbm>>
        %dma_start3A_80 = tpu.memref_slice %arg5[%mul3A_79] : memref<53248xf32, #tpu.memory_space<hbm>> -> memref<3328xf32, #tpu.memory_space<hbm>>
        tpu.enqueue_dma source(%arg12 : memref<3328xf32, #tpu.memory_space<vmem>>) target(%dma_start3A_80 : memref<3328xf32, #tpu.memory_space<hbm>>) target_semaphore(%run_scoped3A : memref<!tpu.dma_semaphore, #tpu.memory_space<semaphore_mem>>)
        %dma_wait3A = tpu.memref_slice %arg5[%mul3A_79] : memref<53248xf32, #tpu.memory_space<hbm>> -> memref<3328xf32, #tpu.memory_space<hbm>>
        %dma_wait3A_81 = tpu.memref_slice %arg5[%mul3A_79] : memref<53248xf32, #tpu.memory_space<hbm>> -> memref<3328xf32, #tpu.memory_space<hbm>>
        tpu.wait_dma2 semaphore(%run_scoped3A : memref<!tpu.dma_semaphore, #tpu.memory_space<semaphore_mem>>) src(%arg12 : memref<3328xf32, #tpu.memory_space<vmem>>) dst(%dma_wait3A_81 : memref<3328xf32, #tpu.memory_space<hbm>>)
        tpu.yield
      }) : () -> ()
    } else {
    }
    return
  }
}

module attributes {stable_mosaic.version = 14 : i64} {
  func.func @_tc_body(%arg0: memref<5x4x20000xf32, #tpu.memory_space<vmem>>, %arg1: memref<2x4x20000xf32, #tpu.memory_space<vmem>>, %arg2: memref<2x20000xf32, #tpu.memory_space<vmem>>, %arg3: memref<16x20000xf32, #tpu.memory_space<vmem>>, %arg4: memref<4x20000xf32, #tpu.memory_space<vmem>>, %arg5: memref<4x20000xf32, #tpu.memory_space<vmem>>) attributes {dimension_semantics = [], scalar_prefetch = 0 : i64, scratch_operands = 0 : i64, tpu.core_type = #tpu.core_type<tc>} {
    %get3A = arith.constant 0 : index
    %get3A_0 = arith.constant 0 : index
    %get3A_1 = arith.constant 0 : index
    %get3A_2 = vector.load %arg0[%get3A, %get3A_0, %get3A_1] : memref<5x4x20000xf32, #tpu.memory_space<vmem>>, vector<1x4x20000xf32>
    %get3A_3 = vector.shape_cast %get3A_2 : vector<1x4x20000xf32> to vector<4x20000xf32>
    %get3A_4 = arith.constant 1 : index
    %get3A_5 = arith.constant 0 : index
    %get3A_6 = arith.constant 0 : index
    %get3A_7 = vector.load %arg0[%get3A_4, %get3A_5, %get3A_6] : memref<5x4x20000xf32, #tpu.memory_space<vmem>>, vector<1x4x20000xf32>
    %get3A_8 = vector.shape_cast %get3A_7 : vector<1x4x20000xf32> to vector<4x20000xf32>
    %get3A_9 = arith.constant 2 : index
    %get3A_10 = arith.constant 0 : index
    %get3A_11 = arith.constant 0 : index
    %get3A_12 = vector.load %arg0[%get3A_9, %get3A_10, %get3A_11] : memref<5x4x20000xf32, #tpu.memory_space<vmem>>, vector<1x4x20000xf32>
    %get3A_13 = vector.shape_cast %get3A_12 : vector<1x4x20000xf32> to vector<4x20000xf32>
    %get3A_14 = arith.constant 3 : index
    %get3A_15 = arith.constant 0 : index
    %get3A_16 = arith.constant 0 : index
    %get3A_17 = vector.load %arg0[%get3A_14, %get3A_15, %get3A_16] : memref<5x4x20000xf32, #tpu.memory_space<vmem>>, vector<1x4x20000xf32>
    %get3A_18 = vector.shape_cast %get3A_17 : vector<1x4x20000xf32> to vector<4x20000xf32>
    %get3A_19 = arith.constant 4 : index
    %get3A_20 = arith.constant 0 : index
    %get3A_21 = arith.constant 0 : index
    %get3A_22 = vector.load %arg0[%get3A_19, %get3A_20, %get3A_21] : memref<5x4x20000xf32, #tpu.memory_space<vmem>>, vector<1x4x20000xf32>
    %get3A_23 = vector.shape_cast %get3A_22 : vector<1x4x20000xf32> to vector<4x20000xf32>
    %max3A = arith.maximumf %get3A_3, %get3A_8 : vector<4x20000xf32>
    %max3A_24 = arith.maximumf %get3A_13, %get3A_18 : vector<4x20000xf32>
    %max3A_25 = arith.maximumf %max3A, %max3A_24 : vector<4x20000xf32>
    %max3A_26 = arith.maximumf %max3A_25, %get3A_23 : vector<4x20000xf32>
    %sub3A = arith.subf %get3A_3, %max3A_26 : vector<4x20000xf32>
    %exp3A = math.exp %sub3A : vector<4x20000xf32>
    %sub3A_27 = arith.subf %get3A_8, %max3A_26 : vector<4x20000xf32>
    %exp3A_28 = math.exp %sub3A_27 : vector<4x20000xf32>
    %sub3A_29 = arith.subf %get3A_13, %max3A_26 : vector<4x20000xf32>
    %exp3A_30 = math.exp %sub3A_29 : vector<4x20000xf32>
    %sub3A_31 = arith.subf %get3A_18, %max3A_26 : vector<4x20000xf32>
    %exp3A_32 = math.exp %sub3A_31 : vector<4x20000xf32>
    %sub3A_33 = arith.subf %get3A_23, %max3A_26 : vector<4x20000xf32>
    %exp3A_34 = math.exp %sub3A_33 : vector<4x20000xf32>
    %add3A = arith.addf %exp3A, %exp3A_28 : vector<4x20000xf32>
    %add3A_35 = arith.addf %add3A, %exp3A_30 : vector<4x20000xf32>
    %add3A_36 = arith.addf %add3A_35, %exp3A_32 : vector<4x20000xf32>
    %add3A_37 = arith.addf %add3A_36, %exp3A_34 : vector<4x20000xf32>
    %div3A = arith.divf %exp3A_28, %add3A_37 : vector<4x20000xf32>
    %gt3A = arith.constant 0.00999999977 : f32
    %gt3A_38 = vector.broadcast %gt3A : f32 to vector<4x20000xf32>
    %gt3A_39 = arith.cmpf ogt, %div3A, %gt3A_38 : vector<4x20000xf32>
    %jit3A = arith.constant 0xFF800000 : f32
    %broadcast_in_dim3A = vector.broadcast %jit3A : f32 to vector<4x20000xf32>
    %select_n3A = arith.select %gt3A_39, %div3A, %broadcast_in_dim3A : vector<4x20000xi1>, vector<4x20000xf32>
    %swap3A = arith.constant 0 : index
    %swap3A_40 = arith.constant 0 : index
    %swap3A_41 = vector.load %arg3[%swap3A, %swap3A_40] : memref<16x20000xf32, #tpu.memory_space<vmem>>, vector<4x20000xf32>
    tpu.vector_store %arg3[%swap3A, %swap3A_40], %select_n3A {strides = array<i32>} : memref<16x20000xf32, #tpu.memory_space<vmem>>, vector<4x20000xf32>,
    %div3A_42 = arith.divf %exp3A_30, %add3A_37 : vector<4x20000xf32>
    %gt3A_43 = arith.constant 0.00999999977 : f32
    %gt3A_44 = vector.broadcast %gt3A_43 : f32 to vector<4x20000xf32>
    %gt3A_45 = arith.cmpf ogt, %div3A_42, %gt3A_44 : vector<4x20000xf32>
    %jit3A_46 = arith.constant 0xFF800000 : f32
    %broadcast_in_dim3A_47 = vector.broadcast %jit3A_46 : f32 to vector<4x20000xf32>
    %select_n3A_48 = arith.select %gt3A_45, %div3A_42, %broadcast_in_dim3A_47 : vector<4x20000xi1>, vector<4x20000xf32>
    %swap3A_49 = arith.constant 4 : index
    %swap3A_50 = arith.constant 0 : index
    %swap3A_51 = vector.load %arg3[%swap3A_49, %swap3A_50] : memref<16x20000xf32, #tpu.memory_space<vmem>>, vector<4x20000xf32>
    tpu.vector_store %arg3[%swap3A_49, %swap3A_50], %select_n3A_48 {strides = array<i32>} : memref<16x20000xf32, #tpu.memory_space<vmem>>, vector<4x20000xf32>,
    %div3A_52 = arith.divf %exp3A_32, %add3A_37 : vector<4x20000xf32>
    %gt3A_53 = arith.constant 0.00999999977 : f32
    %gt3A_54 = vector.broadcast %gt3A_53 : f32 to vector<4x20000xf32>
    %gt3A_55 = arith.cmpf ogt, %div3A_52, %gt3A_54 : vector<4x20000xf32>
    %jit3A_56 = arith.constant 0xFF800000 : f32
    %broadcast_in_dim3A_57 = vector.broadcast %jit3A_56 : f32 to vector<4x20000xf32>
    %select_n3A_58 = arith.select %gt3A_55, %div3A_52, %broadcast_in_dim3A_57 : vector<4x20000xi1>, vector<4x20000xf32>
    %swap3A_59 = arith.constant 8 : index
    %swap3A_60 = arith.constant 0 : index
    %swap3A_61 = vector.load %arg3[%swap3A_59, %swap3A_60] : memref<16x20000xf32, #tpu.memory_space<vmem>>, vector<4x20000xf32>
    tpu.vector_store %arg3[%swap3A_59, %swap3A_60], %select_n3A_58 {strides = array<i32>} : memref<16x20000xf32, #tpu.memory_space<vmem>>, vector<4x20000xf32>,
    %div3A_62 = arith.divf %exp3A_34, %add3A_37 : vector<4x20000xf32>
    %gt3A_63 = arith.constant 0.00999999977 : f32
    %gt3A_64 = vector.broadcast %gt3A_63 : f32 to vector<4x20000xf32>
    %gt3A_65 = arith.cmpf ogt, %div3A_62, %gt3A_64 : vector<4x20000xf32>
    %jit3A_66 = arith.constant 0xFF800000 : f32
    %broadcast_in_dim3A_67 = vector.broadcast %jit3A_66 : f32 to vector<4x20000xf32>
    %select_n3A_68 = arith.select %gt3A_65, %div3A_62, %broadcast_in_dim3A_67 : vector<4x20000xi1>, vector<4x20000xf32>
    %swap3A_69 = arith.constant 12 : index
    %swap3A_70 = arith.constant 0 : index
    %swap3A_71 = vector.load %arg3[%swap3A_69, %swap3A_70] : memref<16x20000xf32, #tpu.memory_space<vmem>>, vector<4x20000xf32>
    tpu.vector_store %arg3[%swap3A_69, %swap3A_70], %select_n3A_68 {strides = array<i32>} : memref<16x20000xf32, #tpu.memory_space<vmem>>, vector<4x20000xf32>,
    %get3A_72 = arith.constant 0 : index
    %get3A_73 = arith.constant 0 : index
    %get3A_74 = arith.constant 0 : index
    %get3A_75 = vector.load %arg1[%get3A_72, %get3A_73, %get3A_74] : memref<2x4x20000xf32, #tpu.memory_space<vmem>>, vector<1x4x20000xf32>
    %get3A_76 = vector.shape_cast %get3A_75 : vector<1x4x20000xf32> to vector<4x20000xf32>
    %get3A_77 = arith.constant 1 : index
    %get3A_78 = arith.constant 0 : index
    %get3A_79 = arith.constant 0 : index
    %get3A_80 = vector.load %arg1[%get3A_77, %get3A_78, %get3A_79] : memref<2x4x20000xf32, #tpu.memory_space<vmem>>, vector<1x4x20000xf32>
    %get3A_81 = vector.shape_cast %get3A_80 : vector<1x4x20000xf32> to vector<4x20000xf32>
    %get3A_82 = arith.constant 0 : index
    %get3A_83 = arith.constant 0 : index
    %get3A_84 = vector.load %arg2[%get3A_82, %get3A_83] : memref<2x20000xf32, #tpu.memory_space<vmem>>, vector<1x20000xf32>
    %get3A_85 = vector.shape_cast %get3A_84 : vector<1x20000xf32> to vector<20000xf32>
    %broadcast_in_dim3A_86 = vector.shape_cast %get3A_85 : vector<20000xf32> to vector<1x20000xf32>
    %get3A_87 = arith.constant 1 : index
    %get3A_88 = arith.constant 0 : index
    %get3A_89 = vector.load %arg2[%get3A_87, %get3A_88] : memref<2x20000xf32, #tpu.memory_space<vmem>>, vector<1x20000xf32>
    %get3A_90 = vector.shape_cast %get3A_89 : vector<1x20000xf32> to vector<20000xf32>
    %broadcast_in_dim3A_91 = vector.shape_cast %get3A_90 : vector<20000xf32> to vector<1x20000xf32>
    %mul3A = arith.constant 1.000000e-01 : f32
    %mul3A_92 = vector.broadcast %mul3A : f32 to vector<4x20000xf32>
    %mul3A_93 = arith.mulf %get3A_76, %mul3A_92 : vector<4x20000xf32>
    %mul3A_94 = vector.broadcast %broadcast_in_dim3A_91 : vector<1x20000xf32> to vector<4x20000xf32>
    %mul3A_95 = arith.mulf %mul3A_93, %mul3A_94 : vector<4x20000xf32>
    %add3A_96 = vector.broadcast %broadcast_in_dim3A_86 : vector<1x20000xf32> to vector<4x20000xf32>
    %add3A_97 = arith.addf %add3A_96, %mul3A_95 : vector<4x20000xf32>
    %mul3A_98 = arith.constant 2.000000e-01 : f32
    %mul3A_99 = vector.broadcast %mul3A_98 : f32 to vector<4x20000xf32>
    %mul3A_100 = arith.mulf %get3A_81, %mul3A_99 : vector<4x20000xf32>
    %exp3A_101 = math.exp %mul3A_100 : vector<4x20000xf32>
    %mul3A_102 = vector.broadcast %broadcast_in_dim3A_91 : vector<1x20000xf32> to vector<4x20000xf32>
    %mul3A_103 = arith.mulf %mul3A_102, %exp3A_101 : vector<4x20000xf32>
    %div3A_104 = arith.constant 2.000000e+00 : f32
    %div3A_105 = vector.broadcast %div3A_104 : f32 to vector<4x20000xf32>
    %div3A_106 = arith.divf %mul3A_103, %div3A_105 : vector<4x20000xf32>
    %sub3A_107 = arith.subf %add3A_97, %div3A_106 : vector<4x20000xf32>
    %swap3A_108 = arith.constant 0 : index
    %swap3A_109 = arith.constant 0 : index
    %swap3A_110 = vector.load %arg4[%swap3A_108, %swap3A_109] : memref<4x20000xf32, #tpu.memory_space<vmem>>, vector<4x20000xf32>
    tpu.vector_store %arg4[%swap3A_108, %swap3A_109], %sub3A_107 {strides = array<i32>} : memref<4x20000xf32, #tpu.memory_space<vmem>>, vector<4x20000xf32>,
    %div3A_111 = arith.constant 2.000000e+00 : f32
    %div3A_112 = vector.broadcast %div3A_111 : f32 to vector<4x20000xf32>
    %div3A_113 = arith.divf %mul3A_103, %div3A_112 : vector<4x20000xf32>
    %add3A_114 = arith.addf %add3A_97, %div3A_113 : vector<4x20000xf32>
    %swap3A_115 = arith.constant 0 : index
    %swap3A_116 = arith.constant 0 : index
    %swap3A_117 = vector.load %arg5[%swap3A_115, %swap3A_116] : memref<4x20000xf32, #tpu.memory_space<vmem>>, vector<4x20000xf32>
    tpu.vector_store %arg5[%swap3A_115, %swap3A_116], %add3A_114 {strides = array<i32>} : memref<4x20000xf32, #tpu.memory_space<vmem>>, vector<4x20000xf32>,
    return
  }
}

</mosaic_0001>

<sc_bundles>
// kernel: kernel.4.cloned.1.call-start
scs
__scs_entry_jumppad:
0x0: {  	(pc) =	sbr.rel $0x88, $3  }
0x1: {  	(tag) =	ssettag $0x0;
	lr =	simm.s32 $0x1  }
0x2: {  	[smem:$0x3F9E] =	sst lr;
	_ =	strace $0xD0000000  }
0x3: {  	_ = 	snop  }
0x4: {  	_ = 	snop  }
0x5: {  	_ = 	snop  }
0x6: {  	_ = 	snop  }
0x7: {  	_ = 	snop  }
__scs_overlays_trampoline_lowered:
0x8: {  	[smem:$0x3FAD] =	sst s0  }
0x9: {  	[smem:$0x3FAE] =	sst s1  }
0xa: {  	[smem:$0x3FAF] =	sst s2  }
0xb: {  	[smem:$0x3FB0] =	sst s3  }
0xc: {  	[smem:$0x3FB1] =	sst s4  }
0xd: {  	[smem:$0x3FB2] =	sst s5  }
0xe: {  	[smem:$0x3FB3] =	sst s6  }
0xf: {  	[smem:$0x3FB4] =	sst s7  }
0x10: {  	[smem:$0x3FB5] =	sst s8  }
0x11: {  	[smem:$0x3FB6] =	sst s9;
	s0 =	simm.s32 @!p0 $0x0  }
0x12: {  	s1 =	sld [smem:$0x3F9C];
	s0 =	simm.s32 @p0 $0x1  }
0x13: {  	[smem:$0x3FB7] =	sst s0;
	s0 =	simm.s32 @!p1 $0x0  }
0x14: {  	s2 =	sld [smem:$0x3F9B];
	s0 =	simm.s32 @p1 $0x1  }
0x15: {  	[smem:$0x3FB8] =	sst s0;
	s0 =	simm.s32 @!p2 $0x0  }
0x16: {  	s3 =	sld [smem:$0x3FDB];
	s0 =	simm.s32 @p2 $0x1  }
0x17: {  	s4 =	simm.s32 $0x1BF5;
	[smem:$0x3FBA] =	sst s0  }
0x18: {  	s0 =	sld [smem:$0x3F9D];
	_ =	swait.ge [sflag:s4], $0x0  }
0x19: {  	s7 =	sld [smem:$0x3F9E]  }
0x1a: {  	s8 =	sadd.s32 $0xFFFFE003, lr  }
0x1b: {  	s9 =	sadd.s32 $0xFFFFFEF7, lr;
	s5 =	simm.s32 $0xFFFFFFFF;
	p2 =	slt.u32 s8, $0xFFFFF086  }
0x1c: {  	p1 =	slt.u32 s9, $0xF7A;
	s5 =	simm.s32 @!p2 $0x0  }
0x1d: {  	s5 =	simm.s32 @p1 $0x1;
	p0 =	seq.s32 s7, s2  }
0x1e: {  	s7 =	smul.u32 @!p0 $0xF7A, s2;
	p2 =	seq.s32 @!p0 s5, $0x0  }
0x1f: {  	s9 =	smul.u32 $0xF7A, s1;
	s8 =	simm.s32 @!p0 $0x1BF5;
	p2 =	por !p2, p0  }
0x20: {  	[sflag:s8] =	ssyncset.s32 @!p0 $0xFFFFF086;
	s6 =	sadd.s32 @!p0 s3, s7;
	s7 =	simm.s32 @!p0 $0x108  }
0x21: {  	s3 =	sadd.s32 s3, s9;
	s6 =	sadd.s32 @!p0 $0x88, s6;
	s7 =	simm.s32 @p2 $0x1082  }
0x22: {  	[simem:s7], [sflag:s8] =	dma.local @!p0 [hbm:s6], $0xF7A  }
0x23: {  	s9 =	sor.u32 $0xD0000000, s2;
	s6 =	simm.s32 $0x108;
	_ =	swait.ge @!p0 [sflag:s8], $0x0  }
0x24: {  	s3 =	sadd.s32 $0x88, s3;
	s6 =	simm.s32 @!p1 $0x1082;
	[sflag:s4] =	ssyncset.s32 $0xFFFFF086  }
0x25: {  	[simem:s6], [sflag:s4] =	dma.local [hbm:s3], $0xF7A  }
0x26: {  	[smem:$0x3F9E] =	sst s1;
	(tag) =	ssettag s2;
	_ =	strace s9  }
0x27: {  	s1 =	sld [smem:$0x3FAE]  }
0x28: {  	s2 =	sld [smem:$0x3FAF]  }
0x29: {  	s4 =	sld [smem:$0x3FB1]  }
0x2a: {  	p0 =	seq.s32 s5, $0x0;
	s5 =	sld [smem:$0x3FB2]  }
0x2b: {  	s6 =	sld [smem:$0x3FB3]  }
0x2c: {  	s7 =	sld [smem:$0x3FB4]  }
0x2d: {  	s3 =	simm.s32 $0x108;
	s8 =	sld [smem:$0x3FB5]  }
0x2e: {  	s3 =	simm.s32 @!p0 $0x1082;
	s9 =	sld [smem:$0x3FB6]  }
0x2f: {  	lr =	sadd.s32 s0, s3;
	s0 =	sld [smem:$0x3FAD]  }
0x30: {  	s3 =	sld [smem:$0x3FB0]  }
0x31: {  	[smem:$0x3FB9] =	sst s10  }
0x32: {  	s10 =	sld [smem:$0x3FB7];
	_ =	sdelay $0x3  }
0x33: {  	p0 =	seq.s32 s10, $0x1;
	s10 =	sld [smem:$0x3FB9];
	_ =	sdelay $0x3  }
0x34: {  	[smem:$0x3FB9] =	sst s10  }
0x35: {  	s10 =	sld [smem:$0x3FB8];
	_ =	sdelay $0x3  }
0x36: {  	p1 =	seq.s32 s10, $0x1;
	s10 =	sld [smem:$0x3FB9];
	_ =	sdelay $0x3  }
0x37: {  	[smem:$0x3FB9] =	sst s10  }
0x38: {  	s10 =	sld [smem:$0x3FBA]  }
0x39: {  	_ = 	snop;
	(pc) =	sbr.ind lr, $3  }
0x3a: {  	_ = 	snop  }
0x3b: {  	_ = 	snop  }
0x3c: {  	p2 =	seq.s32 s10, $0x1;
	s10 =	sld [smem:$0x3FB9]  }
0x3d: {  	_ =	shalt  }
0x3e: {  	_ =	shalt  }
0x3f: {  	_ =	shalt  }
0x40: {  	_ =	shalt  }
0x41: {  	_ =	shalt  }
0x42: {  	_ =	shalt  }
0x43: {  	_ =	shalt  }
0x44: {  	_ =	shalt  }
0x45: {  	_ =	shalt  }
0x46: {  	_ =	shalt  }
0x47: {  	_ =	shalt  }
0x48: {  	_ =	shalt  }
0x49: {  	_ =	shalt  }
0x4a: {  	_ =	shalt  }
0x4b: {  	_ =	shalt  }
0x4c: {  	_ =	shalt  }
0x4d: {  	_ =	shalt  }
0x4e: {  	_ =	shalt  }
0x4f: {  	_ =	shalt  }
0x50: {  	_ =	shalt  }
0x51: {  	_ =	shalt  }
0x52: {  	_ =	shalt  }
0x53: {  	_ =	shalt  }
0x54: {  	_ =	shalt  }
0x55: {  	_ =	shalt  }
0x56: {  	_ =	shalt  }
0x57: {  	_ =	shalt  }
0x58: {  	_ =	shalt  }
0x59: {  	_ =	shalt  }
0x5a: {  	_ =	shalt  }
0x5b: {  	_ =	shalt  }
0x5c: {  	_ =	shalt  }
0x5d: {  	_ =	shalt  }
0x5e: {  	_ =	shalt  }
0x5f: {  	_ =	shalt  }
0x60: {  	_ =	shalt  }
0x61: {  	_ =	shalt  }
0x62: {  	_ =	shalt  }
0x63: {  	_ =	shalt  }
0x64: {  	_ =	shalt  }
0x65: {  	_ =	shalt  }
0x66: {  	_ =	shalt  }
0x67: {  	_ =	shalt  }
0x68: {  	_ =	shalt  }
0x69: {  	_ =	shalt  }
0x6a: {  	_ =	shalt  }
0x6b: {  	_ =	shalt  }
0x6c: {  	_ =	shalt  }
0x6d: {  	_ =	shalt  }
0x6e: {  	_ =	shalt  }
0x6f: {  	_ =	shalt  }
0x70: {  	_ =	shalt  }
0x71: {  	_ =	shalt  }
0x72: {  	_ =	shalt  }
0x73: {  	_ =	shalt  }
0x74: {  	_ =	shalt  }
0x75: {  	_ =	shalt  }
0x76: {  	_ =	shalt  }
0x77: {  	_ =	shalt  }
0x78: {  	_ =	shalt  }
0x79: {  	_ =	shalt  }
0x7a: {  	_ =	shalt  }
0x7b: {  	_ =	shalt  }
0x7c: {  	_ =	shalt  }
0x7d: {  	_ =	shalt  }
0x7e: {  	_ =	shalt  }
0x7f: {  	_ =	shalt  }
0x80: {  	_ =	shalt  }
0x81: {  	_ =	shalt  }
0x82: {  	_ =	shalt  }
0x83: {  	_ =	shalt  }
0x84: {  	_ =	shalt  }
0x85: {  	_ =	shalt  }
0x86: {  	_ =	shalt  }
0x87: {  	_ =	shalt  }
.Lfunc_end0:
.L_simem_size_0:
called_computation_lowered:
.L_overlay_start_0:
0x88: {  	s2 =	sld [smem:$0x3FD9]  }
0x89: {  	s3 =	sld [smem:$0x3FFE];
	_ =	sdelay $0x1  }
0x8a: {  	s1 =	srdreg.scid  }
0x8b: {  	s0 =	sand.u32 $0x1, s1  }
0x8c: {  	s16 =	sshll.u32 s0, $0xA;
	s2 =	sadd.s32 s3, s2  }
0x8d: {  	s2 =	sadd.s32 s2, s16  }
0x8e: {  	[smem:$0x3FC5] =	sst s2  }
0x8f: {  	_ = 	snop  }
0x90: {  	(tm) =	ssettm $0x1  }
0x91: {  	s17 =	sld [smem:$0x3FFB];
	_ =	sdelay $0x3  }
0x92: {  	_ =	strace s17  }
0x93: {  	s2 =	sld [smem:$0x3FFC];
	_ =	sdelay $0x3  }
0x94: {  	_ =	strace s2  }
0x95: {  	s2 =	sld [smem:$0x3FFD];
	_ =	sdelay $0x3  }
0x96: {  	_ =	strace s2  }
0x97: {  	_ =	strace $0x8FFFFFFF  }
0x98: {  	s18 =	sld [smem:$0x3FDB];
	_ =	sdelay $0x1  }
0x99: {  	s19 =	simm.s32 $_scs_section_size  }
0x9a: {  	s4 =	simm.s32 $_size__tile_overlayer_lowered;
	s5 =	simm.s32 $_tile_overlayer_lowered  }
0x9b: {  	s22 =	simm.s32 $0x1BFF;
	s21 =	sshll.u32 s5, $0x1;
	s2 =	sadd.s32 s19, s18  }
0x9c: {  	s6 =	simm.s32 $0x0;
	s20 =	sshll.u32 s4, $0x1;
	s4 =	sadd.s32 s21, s2  }
0x9d: {  	[timem:s6], [sflag:s22] =	dma.local [hbm:s4], s20  }
0x9e: {  	_ =	swait.ge [sflag:s22], s20  }
0x9f: {  	s3 =	ssub.s32 $0x0, s20;
	[sflag:s22] =	ssyncset.done $0x0  }
0xa0: {  	[sflag:s22] =	ssyncadd.s32 s3;
	_ =	sdelay $0x1  }
0xa1: {  	s23 =	simm.s32 $0x1B8B  }
0xa2: {  	_ =	swait.ge [sflag:s23], $0x1  }
0xa3: {  	[sflag:s23] =	ssyncset.done $0x0  }
0xa4: {  	s25 =	simm.s32 $0x1B8E;
	s24 =	sld [smem:$0x3FFE];
	[sflag:s23] =	ssyncadd.s32 $0xFFFFFFFF  }
0xa5: {  	s26 =	simm.s32 $execute0_lowered;
	[smem:$0x3FD2] =	sst s25  }
0xa6: {  	s4 =	sshll.u32 s26, $0x1;
	_ =	strace $0x80000046;
	[dreg:$0x1] =	wrdreg $0xFFFFFFFF  }
0xa7: {  	s28 =	simm.s32 $_size_execute0_lowered;
	s2 =	sadd.s32 s2, s4;
	[dreg:$0x0] =	wrdreg $0x0  }
0xa8: {  	s4 =	sshll.u32 s28, $0x1;
	[dreg:$0x2] =	wrdreg s2  }
0xa9: {  	[dreg:$0x3] =	wrdreg s4  }
0xaa: {  	[dreg:$0x4] =	wrdreg $0xC0  }
0xab: {  	_ =	task [dreg:s6], $0x5FFFF  }
0xac: {  	[dreg:$0x1] =	wrdreg $0xFFFFFFFF  }
0xad: {  	[dreg:$0x0] =	wrdreg $0x60  }
0xae: {  	[dreg:$0x2] =	wrdreg s24  }
0xaf: {  	[dreg:$0x3] =	wrdreg $0x9  }
0xb0: {  	_ =	task.clear_ibuf [dreg:s6], $0x4FFFF;
	_ =	strace $0x90000046  }
0xb1: {  	s29 =	simm.s32 $0x9;
	_ =	strace $0x80000048  }
0xb2: {  	_ =	swait.ge [sflag:s29], $0x1  }
0xb3: {  	[sflag:s29] =	ssyncadd.s32 $0xFFFFFFFF  }
0xb4: {  	_ =	strace $0x90000048  }
0xb5: {  	_ =	sfence  }
0xb6: {  	s30 =	sld [smem:$0x0];
	_ =	sdelay $0x2  }
0xb7: {  	s31 =	sshll.u32 s1, $0xD;
	s1 =	sshrl.u32 s1, $0x2  }
0xb8: {  	s3 =	sand.u32 $0x4000, s31;
	s1 =	sadd.s32 s1, s30  }
0xb9: {  	s0 =	sor.u32 s3, s0;
	s1 =	sshll.u32 s1, $0x11  }
0xba: {  	s0 =	sor.u32 s1, s0  }
0xbb: {  	s0 =	sadd.s32 $0x8F2B, s0  }
0xbc: {  	[sflag:s0] =	ssyncadd.remote.s32 $0x1  }
0xbd: {  	_ =	sfence.sel $0xFFFF  }
0xbe: {  	[dreg:$0x0] =	wrdreg $0xFFFFFFFF;
	(pc) =	sbr.abs _section_cstart, $3  }
0xbf: {  	[dreg:$0x1] =	wrdreg $0xFFFFFFFF  }
0xc0: {  	_ =	task.clear_ibuf [dreg:s6], $0x2FFFF;
	_ =	strace $0x9FFFFFFF  }
0xc1: {  	(tm) =	ssettm $0x7FFFFFFF  }
tec
execute0_lowered:
.L_overlay_start_1:
0x0: {  	(tag) =	ssettag $0x1  }
0x1: {  	s1 =	stileid.u32  }
0x2: {  	p0 =	sgt.u32 s1, $0x7  }
.Ltmp0:
0x3: {  	_ = 	snop;
	(pc) =	sbr.rel @p0 .LBB2_49-.Ltmp0, $4  }
0x4: {  	_ = 	snop  }
0x5: {  	s3 =	rddreg [dreg:$0x0];
	s2 =	simm.s32 $0x0  }
0x6: {  	[smem:$0x7FF] =	sst s2  }
0x7: {  	s0 =	rddreg [dreg:$0x1];
	_ =	strace $0x80000047  }
0x8: {  	s4 =	srdreg.scid  }
0x9: {  	s5 =	sand.u32 $0x3, s1;
	s8 =	sadd.s32 $0xA00, s3;
	s4 =	sand.u32 $0x1, s4  }
0xa: {  	s11 =	simm.s32 $0xEB80;
	s12 =	simm.s32 $0x13A00;
	s6 =	sshll.u32 s4, $0x3  }
0xb: {  	s13 =	simm.s32 $0x18880;
	s5 =	smul.u32 $0x9C4, s5;
	s6 =	sadd.s32 s1, s6  }
0xc: {  	s14 =	simm.s32 $0x1D700;
	s15 =	simm.s32 $0x0;
	s7 =	smul.u32 $0x1A0, s6  }
.Ltmp1:
0xd: {  	s9 =	ssub.s32 $0x2, s4;
	s5 =	sadd.s32 s5, s3;
	(pc) =	sbr.rel .LBB2_2-.Ltmp1, $4  }
0xe: {  	s10 =	sshrl.u32 s9, $0x1;
	s6 =	smul.u32 $0x9C4, s6;
	s4 =	sadd.s32 $0xD000, s5  }
0xf: {  	s31 =	ssub.s32 s9, s10;
	s9 =	simm.s32 $0x4E80;
	s10 =	simm.s32 $0x9D00  }
0x10: {  	v0 =	vimm.s32 $0x1;
	v56 =	vlaneseq.u32;
	s7 =	sadd.s32 s7, s3;
	s3 =	sadd.s32 $0xA800, s5;
	s6 =	sadd.s32 s8, s6  }
0x11: {  	vm0 =	vcmask $0xB08;
	vm1 =	vcmask $0x3F08;
	vm2 =	vcmask $0x3F0C;
	s8 =	simm.s32 $0x1;
	s5 =	sadd.s32 $0xF800, s7;
	s7 =	smax.u32 s31, $0x1  }
.LBB2_48:
0x12: {  	s15 =	sadd.s32 $0x1, s15  }
0x13: {  	p0 =	sne.s32 s15, s7  }
.Ltmp2:
0x14: {  	_ = 	snop;
	(pc) =	sbr.rel @!p0 .LBB2_49-.Ltmp2, $4  }
0x15: {  	[hbm4b:s5+s2] =	stream.linear.scatter [tilespmem:s14], [sflag:$0x1], $0xD00, $0x38;
	[tilespmem:$0x1E400] =	vst v63  }
0x16: {  	_ =	swait.ge [sflag:s8], $0xD00  }
0x17: {  	[sflag:s8] =	ssyncset.done $0x0  }
0x18: {  	[sflag:s8] =	ssyncadd.s32 $0xFFFFF300  }
.LBB2_2:
0x19: {  	[tilespmem:s2], [sflag:$0x1] =	stream.linear.gather [hbm4b:s6+s2], $0x4E20, $0x38;
	[tilespmem:$0x1E400] =	vst v63  }
0x1a: {  	_ =	swait.ge [sflag:s8], $0x4E20  }
0x1b: {  	[sflag:s8] =	ssyncset.done $0x0  }
0x1c: {  	[sflag:s8] =	ssyncadd.s32 $0xFFFFB1E0  }
0x1d: {  	[tilespmem:s9], [sflag:$0x1] =	stream.linear.gather [hbm4b:s3+s2], $0x4E20, $0x38;
	[tilespmem:$0x1E400] =	vst v63  }
0x1e: {  	_ =	swait.ge [sflag:s8], $0x4E20  }
0x1f: {  	[sflag:s8] =	ssyncset.done $0x0  }
0x20: {  	[sflag:s8] =	ssyncadd.s32 $0xFFFFB1E0  }
0x21: {  	[tilespmem:s10], [sflag:$0x1] =	stream.linear.gather [hbm4b:s4+s2], $0x4E20, $0x38;
	[tilespmem:$0x1E400] =	vst v63  }
0x22: {  	_ =	swait.ge [sflag:s8], $0x4E20  }
0x23: {  	v19 =	vimm.s32 $0xFFFFFFFF;
	s16 =	simm.s32 $0xFFFFFFF0;
	v8 =	vimm.s32 $0x0;
	s17 =	simm.s32 $0x9D80;
	[sflag:s8] =	ssyncset.done $0x0  }
0x24: {  	s18 =	simm.s32 $0x4F00;
	s19 =	simm.s32 $0x80;
	v10 =	vimm.f32 $-Inf;
	v14 =	vimm.s32 $0x0;
	v13 =	vimm.f32 $-Inf;
	[sflag:s8] =	ssyncadd.s32 $0xFFFFB1E0  }
.LBB2_3:
0x25: {  	v18 =	vld [tilespmem:s18+$0xFFFFFF80]  }
0x26: {  	v17 =	vld [tilespmem:s17+$0xFFFFFF80];
	_ =	sdelay $0x4  }
0x27: {  	v5 =	vsub.f32 v17, v18  }
0x28: {  	v6 =	vmin.f32 v17, $2.000000030e+30;
	v7 =	vmax.f32 v18, $2.000000030e+30  }
0x29: {  	v6 =	vsub.f32 v6, v7;
	v5 =	vmax.f32 v5, $0.0e+00  }
0x2a: {  	v5 =	vadd.f32 $0.0e+00, v5  }
0x2b: {  	v15 =	vmax.f32 v6, $0.0e+00  }
0x2c: {  	v5 =	vsub.f32 v5, v15  }
0x2d: {  	v12 =	vld [tilespmem:s18+$0xFFFFFF90]  }
0x2e: {  	v11 =	vld [tilespmem:s17+$0xFFFFFF90];
	v5 =	vmax.f32 v5, $9.999999960e-13  }
0x2f: {  	(erf) = vrcp.f32 v5;
	_ =	sdelay $0x3  }
0x30: {  	v9 =	vld [tilespmem:s18+$0xFFFFFFA0];
	v51 =	vsub.f32 v11, v12  }
0x31: {  	v16 =	vmax.f32 v12, $2.000000030e+30;
	v7 =	vld [tilespmem:s17+$0xFFFFFFA0];
	v6 =	vmin.f32 v11, $2.000000030e+30  }
0x32: {  	v16 =	vsub.f32 v6, v16;
	v5 =	vmax.f32 v51, $0.0e+00  }
0x33: {  	v6 =	vld [tilespmem:s18+$0xFFFFFFB0];
	v22 =	vadd.f32 $0.0e+00, v5  }
0x34: {  	v52 =	vmax.f32 v16, $0.0e+00;
	v5 =	vld [tilespmem:s17+$0xFFFFFFB0]  }
0x35: {  	v22 =	vsub.f32 v22, v52;
	v21 =	vpop (erf)  }
0x36: {  	v20 =	vld [tilespmem:s19+$0xFFFFFF80];
	v16 =	vsub.f32 v7, v9;
	v15 =	vmul.f32 v21, v15  }
0x37: {  	v24 =	vmax.f32 v9, $2.000000030e+30;
	v23 =	vmin.f32 v7, $2.000000030e+30;
	v22 =	vmax.f32 v22, $9.999999960e-13  }
0x38: {  	vm3 =	vle.f32 v15, $4.499999880e-01;
	v15 =	vmax.f32 v16, $0.0e+00;
	v16 =	vsub.f32 v23, v24  }
0x39: {  	v54 =	vmax.f32 v6, $2.000000030e+30;
	v53 =	vmin.f32 v5, $2.000000030e+30;
	(erf) = vrcp.f32 v22  }
0x3a: {  	v15 =	vadd.f32 $0.0e+00, v15;
	v24 =	vmax.f32 v16, $0.0e+00;
	v16 =	vsub.f32 v5, v6  }
0x3b: {  	vm4 =	vgt.f32 v20, $-9.999999930e+36;
	v22 =	vsub.f32 v53, v54  }
0x3c: {  	vm3 =	vmand vm4, vm3;
	v15 =	vsub.f32 v15, v24;
	v16 =	vmax.f32 v16, $0.0e+00  }
0x3d: {  	v26 =	vnsel vm3, $0xFF800000, v20;
	v16 =	vadd.f32 $0.0e+00, v16  }
0x3e: {  	v25 =	vmax.f32 v22, $0.0e+00;
	v22 =	vld [tilespmem:s19+$0xFFFFFFA0];
	(xrf0) =	vadd.scan.msk.s32 vm3, v0;
	vm10 =	vgt.f32 v26, v13;
	v15 =	vmax.f32 v15, $9.999999960e-13  }
0x3f: {  	v23 =	vld [tilespmem:s19+$0xFFFFFF90];
	v28 =	vsel vm10, v13, v26;
	(erf) = vrcp.f32 v15;
	v15 =	vsub.f32 v16, v25  }
0x40: {  	v26 =	vsel vm10, v26, v13;
	v13 =	vld [tilespmem:s17+$0xFFFFFFD0];
	vm5 =	vgt.f32 v28, v10  }
0x41: {  	v28 =	vsel vm5, v28, v10;
	v10 =	vld [tilespmem:s18+$0xFFFFFFD0];
	v15 =	vmax.f32 v15, $9.999999960e-13  }
0x42: {  	v30 =	vmpcnt.ones.xlane vm3;
	v55 =	vpop (erf);
	v16 =	vld [tilespmem:s18+$0xFFFFFFC0]  }
0x43: {  	v21 =	vmul.f32 v55, v52;
	(erf) = vrcp.f32 v15  }
0x44: {  	v58 =	vadd.s32 v19, v30;
	vm13 =	vgt.f32 v22, $-9.999999930e+36;
	vm6 =	vgt.f32 v23, $-9.999999930e+36;
	v15, _, _ =	vpop (xrf0)  }
0x45: {  	vm11 =	vle.f32 v21, $4.499999880e-01;
	v39 =	vmin.f32 v13, $2.000000030e+30;
	v27 =	vadd.s32 v19, v15;
	v15 =	vld [tilespmem:s17+$0xFFFFFFC0]  }
0x46: {  	vm4 =	vmand vm6, vm11;
	v63 =	vsub.f32 v13, v10;
	v33 =	vmax.f32 v10, $2.000000030e+30  }
0x47: {  	v45 =	vmpcnt.ones.xlane vm4;
	v61 =	vmax.f32 v16, $2.000000030e+30;
	v19 =	vnsel vm4, $0xFF800000, v23  }
0x48: {  	v29 =	vsel vm10, v14, v27;
	v14 =	vsel vm10, v27, v14;
	vm7 =	vgt.f32 v19, v26;
	v57 =	vpop (erf)  }
0x49: {  	(xrf0) =	vadd.scan.msk.s32 vm4, v0;
	v8 =	vsel vm5, v29, v8;
	v43 =	vsel vm7, v26, v19;
	v21 =	vmul.f32 v57, v24  }
0x4a: {  	v26 =	vsel vm7, v19, v26;
	v24 =	vld [tilespmem:s19+$0xFFFFFFB0];
	vm15 =	vgt.f32 v43, v28;
	v59 =	vsub.f32 v15, v16  }
0x4b: {  	v28 =	vsel vm15, v43, v28;
	vm12 =	vle.f32 v21, $4.499999880e-01;
	v60 =	vmin.f32 v15, $2.000000030e+30  }
0x4c: {  	v31 =	vpop (erf);
	v21 =	vsub.f32 v60, v61;
	vm6 =	vmand vm13, vm12;
	v32 =	vmax.f32 v59, $0.0e+00  }
0x4d: {  	v25 =	vmul.f32 v31, v25;
	v31 =	vmax.f32 v63, $0.0e+00;
	v35 =	vnsel vm6, $0xFF800000, v22  }
0x4e: {  	v37 =	vmpcnt.ones.xlane vm6;
	v62 =	vadd.f32 $0.0e+00, v32;
	v4 =	vmax.f32 v21, $0.0e+00  }
0x4f: {  	v41, _, _ =	vpop (xrf0);
	v21 =	vsub.f32 v39, v33;
	v31 =	vadd.f32 $0.0e+00, v31;
	vm8 =	vgt.f32 v24, $-9.999999930e+36  }
0x50: {  	(xrf0) =	vadd.scan.msk.s32 vm6, v0;
	v33 =	vadd.s32 v58, v41;
	vm12 =	vgt.f32 v35, v26;
	vm14 =	vle.f32 v25, $4.499999880e-01  }
0x51: {  	v44 =	vsel vm7, v14, v33;
	v30 =	vsub.f32 v62, v4;
	v36 =	vmax.f32 v21, $0.0e+00  }
0x52: {  	v14 =	vsel vm7, v33, v14;
	v25 =	vadd.s32 v58, v45;
	v42 =	vsub.f32 v31, v36  }
0x53: {  	v46 =	vsel vm12, v26, v35;
	vm5 =	vmand vm8, vm14;
	v21 =	vld [tilespmem:s18+$0xFFFFFFE0];
	v40 =	vmax.f32 v30, $9.999999960e-13  }
0x54: {  	v26 =	vsel vm12, v35, v26;
	(xrf0) =	vadd.scan.msk.s32 vm5, v0;
	v30 =	vld [tilespmem:s19+$0xFFFFFFC0];
	(erf) = vrcp.f32 v40;
	v19 =	vmax.f32 v42, $9.999999960e-13  }
0x55: {  	vm13 =	vgt.f32 v46, v28;
	v31 =	vsel vm15, v44, v8;
	(erf) = vrcp.f32 v19;
	v19 =	vld [tilespmem:s17+$0xFFFFFFE0]  }
0x56: {  	v28 =	vsel vm13, v46, v28;
	v63 =	vmpcnt.ones.xlane vm5;
	v8, _, _ =	vpop (xrf0);
	v40 =	vnsel vm5, $0xFF800000, v24  }
0x57: {  	v34 =	vadd.s32 v25, v8;
	v8 =	vld [tilespmem:s18+$0xFFFFFFF0];
	v25 =	vadd.s32 v25, v37;
	vm10 =	vgt.f32 v40, v26  }
0x58: {  	v38 =	vsel vm12, v14, v34;
	v39 =	vsel vm12, v34, v14;
	v14 =	vld [tilespmem:s17+$0xFFFFFFF0];
	v52 =	vmax.f32 v21, $2.000000030e+30  }
0x59: {  	v60 =	vsel vm10, v26, v40;
	v62 =	vsel vm10, v40, v26;
	v48 =	vsel vm13, v38, v31  }
0x5a: {  	v31 =	vld [tilespmem:s19+$0xFFFFFFD0];
	vm13 =	vgt.f32 v60, v28;
	v47, _, _ =	vpop (xrf0);
	vm15 =	vgt.f32 v30, $-9.999999930e+36;
	v50 =	vsub.f32 v19, v21  }
0x5b: {  	v28 =	vsel vm13, v60, v28;
	v35 =	vadd.s32 v25, v47;
	v51 =	vmin.f32 v19, $2.000000030e+30  }
0x5c: {  	v42 =	vmax.f32 v8, $2.000000030e+30;
	v32 =	vsub.f32 v51, v52;
	v41 =	vmax.f32 v50, $0.0e+00  }
0x5d: {  	v61 =	vsel vm10, v39, v35;
	v55 =	vsub.f32 v14, v8;
	v49 =	vpop (erf);
	v54 =	vadd.f32 $0.0e+00, v41  }
0x5e: {  	v57 =	vmin.f32 v14, $2.000000030e+30;
	v32 =	vmax.f32 v32, $0.0e+00;
	v29 =	vmul.f32 v49, v4  }
0x5f: {  	vm9 =	vgt.f32 v31, $-9.999999930e+36;
	v41 =	vsub.f32 v57, v42;
	v53 =	vpop (erf);
	v38 =	vsub.f32 v54, v32  }
0x60: {  	vm14 =	vle.f32 v29, $4.499999880e-01;
	v29 =	vmul.f32 v53, v36;
	v36 =	vmax.f32 v55, $0.0e+00  }
0x61: {  	vm8 =	vmand vm15, vm14;
	v58 =	vmax.f32 v38, $9.999999960e-13;
	v36 =	vadd.f32 $0.0e+00, v36  }
0x62: {  	v42 =	vmax.f32 v41, $0.0e+00;
	(xrf0) =	vadd.scan.msk.s32 vm8, v0;
	vm12 =	vle.f32 v29, $4.499999880e-01;
	(erf) = vrcp.f32 v58  }
0x63: {  	v43 =	vnsel vm8, $0xFF800000, v30;
	vm7 =	vmand vm9, vm12;
	v59 =	vsub.f32 v36, v42  }
0x64: {  	v26 =	vld [tilespmem:s17+$0x0];
	v39 =	vsel vm10, v35, v39;
	v48 =	vsel vm13, v61, v48;
	vm14 =	vgt.f32 v43, v62;
	(xrf0) =	vadd.scan.msk.s32 vm7, v0  }
0x65: {  	v4 =	vadd.s32 v25, v63;
	v25 =	vld [tilespmem:s18+$0x0];
	v49 =	vsel vm14, v62, v43;
	v29 =	vmax.f32 v59, $9.999999960e-13  }
0x66: {  	v44 =	vmpcnt.ones.xlane vm8;
	vm15 =	vgt.f32 v49, v28;
	(erf) = vrcp.f32 v29;
	v29 =	vld [tilespmem:s18+$0x10]  }
0x67: {  	v43 =	vsel vm14, v43, v62;
	v46 =	vnsel vm7, $0xFF800000, v31;
	v37 =	vsel vm15, v49, v28;
	v28 =	vld [tilespmem:s17+$0x10]  }
0x68: {  	v44 =	vadd.s32 v4, v44;
	v57 =	vmpcnt.ones.xlane vm7;
	vm11 =	vgt.f32 v46, v43;
	v47, _, _ =	vpop (xrf0)  }
0x69: {  	v54 =	vsel vm11, v43, v46;
	v49 =	vmin.f32 v26, $2.000000030e+30;
	v40 =	vadd.s32 v4, v47  }
0x6a: {  	v46 =	vsel vm11, v46, v43;
	v4 =	vadd.s32 v44, v57;
	v50 =	vsel vm14, v39, v40;
	v51, _, _ =	vpop (xrf0)  }
0x6b: {  	v45 =	vsel vm14, v40, v39;
	v39 =	vld [tilespmem:s19+$0xFFFFFFE0];
	v36 =	vsel vm15, v50, v48;
	v41 =	vadd.s32 v44, v51  }
0x6c: {  	v52 =	vpop (erf);
	v48 =	vsub.f32 v26, v25;
	v50 =	vmax.f32 v25, $2.000000030e+30;
	v58 =	vsub.f32 v28, v29  }
0x6d: {  	v59 =	vmin.f32 v28, $2.000000030e+30;
	v60 =	vmax.f32 v29, $2.000000030e+30;
	v53 =	vmul.f32 v52, v32  }
0x6e: {  	v38 =	vld [tilespmem:s19+$0xFFFFFFF0];
	v47 =	vsel vm11, v45, v41;
	v49 =	vsub.f32 v49, v50;
	v62 =	vsub.f32 v59, v60  }
0x6f: {  	v48 =	vmax.f32 v48, $0.0e+00;
	v61 =	vmax.f32 v58, $0.0e+00;
	vm12 =	vle.f32 v53, $4.499999880e-01  }
0x70: {  	v48 =	vadd.f32 $0.0e+00, v48;
	v49 =	vmax.f32 v49, $0.0e+00;
	vm13 =	vgt.f32 v39, $-9.999999930e+36;
	v51 =	vpop (erf)  }
0x71: {  	v63 =	vadd.f32 $0.0e+00, v61;
	vm10 =	vmand vm13, vm12;
	v42 =	vmul.f32 v51, v42  }
0x72: {  	vm12 =	vgt.f32 v54, v37;
	v55 =	vsub.f32 v48, v49;
	v48 =	vmax.f32 v62, $0.0e+00  }
0x73: {  	vm13 =	vgt.f32 v38, $-9.999999930e+36;
	v37 =	vsel vm12, v54, v37;
	v32 =	vsub.f32 v63, v48  }
0x74: {  	(xrf0) =	vadd.scan.msk.s32 vm10, v0;
	v47 =	vsel vm12, v47, v36;
	v59 =	vmpcnt.ones.xlane vm10;
	vm9 =	vle.f32 v42, $4.499999880e-01  }
0x75: {  	v42 =	vmax.f32 v55, $9.999999960e-13;
	v55 =	vnsel vm10, $0xFF800000, v39;
	vm9 =	vmand vm13, vm9  }
0x76: {  	[tilespmem:v27+s11+$0x0] =	vst.idx.msk vm3, v20;
	v36 =	vld [tilespmem:s18+$0x20];
	(erf) = vrcp.f32 v42;
	vm14 =	vgt.f32 v55, v46;
	v32 =	vmax.f32 v32, $9.999999960e-13  }
0x77: {  	v42 =	vld [tilespmem:s19+$0x0];
	(xrf0) =	vadd.scan.msk.s32 vm9, v0;
	v57 =	vsel vm14, v46, v55;
	v46 =	vsel vm14, v55, v46;
	v52 =	vnsel vm9, $0xFF800000, v38  }
0x78: {  	[tilespmem:v27+s12+$0x0] =	vst.idx.msk vm3, v18;
	(erf) = vrcp.f32 v32;
	v32 =	vld [tilespmem:s17+$0x20];
	vm15 =	vgt.f32 v57, v37;
	vm12 =	vgt.f32 v52, v46  }
0x79: {  	v45 =	vsel vm11, v41, v45;
	v37 =	vsel vm15, v57, v37;
	v62 =	vsel vm12, v46, v52  }
0x7a: {  	v60 =	vadd.s32 v4, v59;
	v46 =	vsel vm12, v52, v46;
	v54, _, _ =	vpop (xrf0);
	vm11 =	vgt.f32 v62, v37  }
0x7b: {  	v20 =	vld [tilespmem:s17+$0x30];
	[tilespmem:v27+s13+$0x0] =	vst.idx.msk vm3, v17;
	v55 =	vmax.f32 v36, $2.000000030e+30;
	v43 =	vadd.s32 v4, v54;
	v51 =	vsel vm11, v62, v37  }
0x7c: {  	[tilespmem:v35+s11+$0x0] =	vst.idx.msk vm5, v24;
	v4 =	vmpcnt.ones.xlane vm9;
	v37 =	vld [tilespmem:s18+$0x30];
	vm13 =	vgt.f32 v42, $-9.999999930e+36;
	v58 =	vsel vm14, v45, v43  }
0x7d: {  	[tilespmem:v35+s12+$0x0] =	vst.idx.msk vm5, v6;
	v45 =	vsel vm14, v43, v45;
	v54 =	vsub.f32 v32, v36;
	v57 =	vmin.f32 v32, $2.000000030e+30;
	v61, _, _ =	vpop (xrf0)  }
0x7e: {  	v47 =	vsel vm15, v58, v47;
	v18 =	vsub.f32 v57, v55;
	v44 =	vadd.s32 v60, v61  }
0x7f: {  	[tilespmem:v35+s13+$0x0] =	vst.idx.msk vm5, v5;
	v5 =	vld [tilespmem:s18+$0x70];
	v58 =	vmax.f32 v54, $0.0e+00;
	v53 =	vsel vm12, v45, v44;
	v63 =	vpop (erf);
	v45 =	vsel vm12, v44, v45  }
0x80: {  	[tilespmem:v33+s11+$0x0] =	vst.idx.msk vm4, v23;
	v17 =	vadd.f32 $0.0e+00, v58;
	v52 =	vmax.f32 v18, $0.0e+00;
	v49 =	vmul.f32 v63, v49  }
0x81: {  	v54 =	vld [tilespmem:s19+$0x10];
	v27 =	vsel vm11, v53, v47;
	v47 =	vadd.s32 v60, v4;
	v60 =	vpop (erf);
	v62 =	vsub.f32 v20, v37  }
0x82: {  	[tilespmem:v33+s12+$0x0] =	vst.idx.msk vm4, v12;
	v18 =	vld [tilespmem:s18+$0x40];
	v63 =	vmin.f32 v20, $2.000000030e+30;
	v4 =	vmax.f32 v37, $2.000000030e+30;
	v48 =	vmul.f32 v60, v48  }
0x83: {  	[tilespmem:v41+s11+$0x0] =	vst.idx.msk vm7, v31;
	v31 =	vld [tilespmem:s19+$0x20];
	v61 =	vsub.f32 v17, v52;
	v53 =	vsub.f32 v63, v4;
	vm12 =	vle.f32 v49, $4.499999880e-01  }
0x84: {  	[tilespmem:v33+s13+$0x0] =	vst.idx.msk vm4, v11;
	v17 =	vld [tilespmem:s17+$0x40];
	v4 =	vmax.f32 v5, $2.000000030e+30;
	v11 =	vmax.f32 v62, $0.0e+00;
	vm3 =	vmand vm13, vm12  }
0x85: {  	[tilespmem:v34+s11+$0x0] =	vst.idx.msk vm6, v22;
	v50 =	vmax.f32 v61, $9.999999960e-13;
	vm13 =	vle.f32 v48, $4.499999880e-01;
	v22 =	vmax.f32 v53, $0.0e+00  }
0x86: {  	[tilespmem:v34+s12+$0x0] =	vst.idx.msk vm6, v9;
	v11 =	vadd.f32 $0.0e+00, v11;
	vm14 =	vgt.f32 v54, $-9.999999930e+36;
	(erf) = vrcp.f32 v50  }
0x87: {  	(xrf0) =	vadd.scan.msk.s32 vm3, v0;
	v59 =	vnsel vm3, $0xFF800000, v42;
	v58 =	vmax.f32 v18, $2.000000030e+30;
	vm4 =	vmand vm14, vm13  }
0x88: {  	v6 =	vld [tilespmem:s17+$0x60];
	[tilespmem:v40+s11+$0x0] =	vst.idx.msk vm8, v30;
	v62 =	vmpcnt.ones.xlane vm3;
	vm13 =	vgt.f32 v31, $-9.999999930e+36;
	vm11 =	vgt.f32 v59, v46  }
0x89: {  	v9 =	vld [tilespmem:s18+$0x50];
	v12 =	vsel vm11, v46, v59;
	v33 =	vsel vm11, v59, v46;
	v55 =	vsub.f32 v17, v18  }
0x8a: {  	[tilespmem:v40+s12+$0x0] =	vst.idx.msk vm8, v16;
	v57 =	vmin.f32 v17, $2.000000030e+30;
	v59 =	vsub.f32 v11, v22;
	v11 =	vld [tilespmem:s17+$0x50];
	v16 =	vadd.s32 v47, v62  }
0x8b: {  	[tilespmem:v34+s13+$0x0] =	vst.idx.msk vm6, v7;
	v48 =	vsub.f32 v57, v58;
	vm15 =	vgt.f32 v12, v51;
	v7 =	vmax.f32 v55, $0.0e+00  }
0x8c: {  	v61 =	vmax.f32 v59, $9.999999960e-13;
	v12 =	vsel vm15, v12, v51;
	v46 =	vadd.f32 $0.0e+00, v7  }
0x8d: {  	v55 =	vmin.f32 v6, $2.000000030e+30;
	v7 =	vld [tilespmem:s18+$0x60];
	(erf) = vrcp.f32 v61;
	v24 =	vmax.f32 v48, $0.0e+00;
	v53, _, _ =	vpop (xrf0)  }
0x8e: {  	[tilespmem:v40+s13+$0x0] =	vst.idx.msk vm8, v15;
	v23 =	vadd.s32 v47, v53;
	v63 =	vsub.f32 v46, v24;
	v46 =	vnsel vm4, $0xFF800000, v54  }
0x8f: {  	[tilespmem:v41+s12+$0x0] =	vst.idx.msk vm7, v10;
	v48 =	vsub.f32 v11, v9;
	v51 =	vmin.f32 v11, $2.000000030e+30;
	v60 =	vsel vm11, v45, v23;
	v49 =	vpop (erf)  }
0x90: {  	[tilespmem:v41+s13+$0x0] =	vst.idx.msk vm7, v13;
	v35 =	vmax.f32 v63, $9.999999960e-13;
	v15 =	vmul.f32 v49, v52;
	v52 =	vmax.f32 v9, $2.000000030e+30  }
0x91: {  	[tilespmem:v44+s11+$0x0] =	vst.idx.msk vm9, v38;
	v50 =	vmax.f32 v48, $0.0e+00;
	(erf) = vrcp.f32 v35;
	v10 =	vsub.f32 v51, v52  }
0x92: {  	[tilespmem:v44+s12+$0x0] =	vst.idx.msk vm9, v8;
	vm5 =	vgt.f32 v46, v33;
	v53 =	vsub.f32 v6, v7;
	v13 =	vadd.f32 $0.0e+00, v50  }
0x93: {  	[tilespmem:v44+s13+$0x0] =	vst.idx.msk vm9, v14;
	v44 =	vsel vm11, v23, v45;
	v57 =	vmax.f32 v7, $2.000000030e+30;
	v59 =	vmax.f32 v10, $0.0e+00;
	v10 =	vld [tilespmem:s17+$0x70]  }
0x94: {  	[tilespmem:v43+s11+$0x0] =	vst.idx.msk vm10, v39;
	v34 =	vsub.f32 v55, v57;
	v40 =	vmax.f32 v53, $0.0e+00;
	v13 =	vsub.f32 v13, v59  }
0x95: {  	(xrf0) =	vadd.scan.msk.s32 vm4, v0;
	v27 =	vsel vm15, v60, v27;
	v58 =	vsel vm5, v33, v46;
	v40 =	vadd.f32 $0.0e+00, v40  }
0x96: {  	[tilespmem:v43+s12+$0x0] =	vst.idx.msk vm10, v21;
	v21 =	vld [tilespmem:s19+$0x30];
	vm12 =	vle.f32 v15, $4.499999880e-01;
	v34 =	vmax.f32 v34, $0.0e+00;
	v15 =	vpop (erf);
	v13 =	vmax.f32 v13, $9.999999960e-13  }
0x97: {  	v15 =	vmul.f32 v15, v22;
	v60 =	vsub.f32 v40, v34;
	(erf) = vrcp.f32 v13  }
0x98: {  	[tilespmem:v43+s13+$0x0] =	vst.idx.msk vm10, v19;
	v19 =	vsel vm5, v46, v33;
	vm6 =	vmand vm13, vm12;
	v62 =	vsub.f32 v10, v5  }
0x99: {  	(xrf0) =	vadd.scan.msk.s32 vm6, v0;
	vm14 =	vle.f32 v15, $4.499999880e-01;
	v13 =	vmax.f32 v60, $9.999999960e-13;
	v63 =	vmin.f32 v10, $2.000000030e+30  }
0x9a: {  	v15 =	vld [tilespmem:s19+$0x40];
	v61 =	vpop (erf);
	(erf) = vrcp.f32 v13;
	v13 =	vsub.f32 v63, v4;
	v43 =	vmax.f32 v62, $0.0e+00  }
0x9b: {  	vm15 =	vgt.f32 v21, $-9.999999930e+36;
	v40, _, _ =	vpop (xrf0);
	v8 =	vmul.f32 v61, v24;
	v22 =	vadd.f32 $0.0e+00, v43  }
0x9c: {  	v14 =	vadd.s32 v16, v40;
	vm7 =	vmand vm15, vm14;
	v13 =	vmax.f32 v13, $0.0e+00  }
0x9d: {  	vm12 =	vle.f32 v8, $4.499999880e-01;
	v8 =	vmpcnt.ones.xlane vm4;
	v22 =	vsub.f32 v22, v13  }
0x9e: {  	v46 =	vld [tilespmem:s19+$0x50];
	[tilespmem:v23+s11+$0x0] =	vst.idx.msk vm3, v42;
	v47 =	vnsel vm6, $0xFF800000, v31;
	vm14 =	vgt.f32 v58, v12;
	(xrf0) =	vadd.scan.msk.s32 vm7, v0  }
0x9f: {  	[tilespmem:v23+s12+$0x0] =	vst.idx.msk vm3, v25;
	vm13 =	vgt.f32 v15, $-9.999999930e+36;
	v8 =	vadd.s32 v16, v8;
	v16, _, _ =	vpop (xrf0);
	v22 =	vmax.f32 v22, $9.999999960e-13  }
0xa0: {  	v53 =	vld [tilespmem:s19+$0x60];
	[tilespmem:v23+s13+$0x0] =	vst.idx.msk vm3, v26;
	vm3 =	vmand vm13, vm12;
	v16 =	vadd.s32 v8, v16;
	v48 =	vpop (erf);
	(erf) = vrcp.f32 v22  }
0xa1: {  	vm15 =	vgt.f32 v47, v19;
	v45 =	vsel vm5, v44, v14;
	v12 =	vsel vm14, v58, v12;
	(xrf0) =	vadd.scan.msk.s32 vm3, v0  }
0xa2: {  	v49 =	vmpcnt.ones.xlane vm6;
	v51 =	vsel vm15, v19, v47;
	v19 =	vsel vm15, v47, v19;
	[tilespmem:v14+s11+$0x0] =	vst.idx.msk vm4, v54  }
0xa3: {  	vm10 =	vgt.f32 v46, $-9.999999930e+36;
	v25 =	vsel vm14, v45, v27;
	v24 =	vsel vm5, v14, v44;
	[tilespmem:v14+s12+$0x0] =	vst.idx.msk vm4, v29  }
0xa4: {  	v57 =	vmpcnt.ones.xlane vm7;
	v8 =	vadd.s32 v8, v49;
	v52, _, _ =	vpop (xrf0);
	[tilespmem:v14+s13+$0x0] =	vst.idx.msk vm4, v28;
	v50 =	vmul.f32 v48, v59  }
0xa5: {  	vm14 =	vgt.f32 v53, $-9.999999930e+36;
	v14 =	vadd.s32 v8, v52;
	v55 =	vsel vm15, v24, v16;
	v54 =	vpop (erf);
	[tilespmem:v16+s11+$0x0] =	vst.idx.msk vm6, v31  }
0xa6: {  	v24 =	vsel vm15, v16, v24;
	vm9 =	vle.f32 v50, $4.499999880e-01;
	v27 =	vmul.f32 v54, v34;
	[tilespmem:v16+s12+$0x0] =	vst.idx.msk vm6, v36  }
0xa7: {  	v8 =	vadd.s32 v8, v57;
	vm4 =	vmand vm10, vm9;
	v58, _, _ =	vpop (xrf0);
	[tilespmem:v16+s13+$0x0] =	vst.idx.msk vm6, v32;
	v16 =	vnsel vm7, $0xFF800000, v21  }
0xa8: {  	v59 =	vld [tilespmem:s19+$0x70];
	(xrf0) =	vadd.scan.msk.s32 vm4, v0;
	vm12 =	vle.f32 v27, $4.499999880e-01;
	v60 =	vadd.s32 v8, v58;
	vm13 =	vgt.f32 v16, v19  }
0xa9: {  	vm5 =	vmand vm14, vm12;
	v61 =	vsel vm13, v19, v16;
	v16 =	vsel vm13, v16, v19;
	v19 =	vpop (erf)  }
0xaa: {  	vm11 =	vgt.f32 v51, v12;
	(xrf0) =	vadd.scan.msk.s32 vm5, v0;
	v13 =	vmul.f32 v19, v13  }
0xab: {  	v12 =	vsel vm11, v51, v12;
	[tilespmem:v14+s11+$0x0] =	vst.idx.msk vm7, v21  }
0xac: {  	v25 =	vsel vm11, v55, v25;
	[tilespmem:v14+s12+$0x0] =	vst.idx.msk vm7, v37;
	v62 =	vsel vm13, v24, v14;
	v19 =	vmpcnt.ones.xlane vm3  }
0xad: {  	[tilespmem:v14+s13+$0x0] =	vst.idx.msk vm7, v20;
	v24 =	vsel vm13, v14, v24;
	vm13 =	vgt.f32 v59, $-9.999999930e+36;
	v14 =	vnsel vm3, $0xFF800000, v15  }
0xae: {  	[tilespmem:v60+s11+$0x0] =	vst.idx.msk vm3, v15;
	v15 =	vmpcnt.ones.xlane vm4;
	v8 =	vadd.s32 v8, v19;
	vm12 =	vle.f32 v13, $4.499999880e-01;
	v13, _, _ =	vpop (xrf0)  }
0xaf: {  	vm15 =	vgt.f32 v61, v12;
	vm14 =	vgt.f32 v14, v16;
	v13 =	vadd.s32 v8, v13  }
0xb0: {  	v12 =	vsel vm15, v61, v12;
	[tilespmem:v60+s12+$0x0] =	vst.idx.msk vm3, v18;
	vm6 =	vmand vm13, vm12;
	v19, _, _ =	vpop (xrf0);
	v8 =	vadd.s32 v8, v15  }
0xb1: {  	[tilespmem:v60+s13+$0x0] =	vst.idx.msk vm3, v17;
	v17 =	vsel vm14, v16, v14;
	(xrf0) =	vadd.scan.msk.s32 vm6, v0;
	v19 =	vadd.s32 v8, v19  }
0xb2: {  	v18 =	vsel vm15, v62, v25;
	v14 =	vsel vm14, v14, v16;
	vm3 =	vgt.f32 v17, v12  }
0xb3: {  	v12 =	vsel vm3, v17, v12;
	v17 =	vnsel vm4, $0xFF800000, v46;
	v15 =	vsel vm14, v24, v60  }
0xb4: {  	v15 =	vsel vm3, v15, v18;
	vm3 =	vgt.f32 v17, v14;
	[tilespmem:v13+s11+$0x0] =	vst.idx.msk vm4, v46  }
0xb5: {  	v20 =	vmpcnt.ones.xlane vm5;
	v16 =	vsel vm14, v60, v24;
	[tilespmem:v13+s12+$0x0] =	vst.idx.msk vm4, v9;
	v9 =	vsel vm3, v14, v17  }
0xb6: {  	v14 =	vsel vm3, v17, v14;
	v17 =	vsel vm3, v16, v13;
	[tilespmem:v19+s11+$0x0] =	vst.idx.msk vm5, v53  }
0xb7: {  	[tilespmem:v13+s13+$0x0] =	vst.idx.msk vm4, v11;
	v11 =	vadd.s32 v8, v20;
	v8, _, _ =	vpop (xrf0);
	v13 =	vsel vm3, v13, v16  }
0xb8: {  	vm3 =	vgt.f32 v9, v12;
	v16 =	vnsel vm5, $0xFF800000, v53;
	[tilespmem:v19+s12+$0x0] =	vst.idx.msk vm5, v7;
	v8 =	vadd.s32 v11, v8  }
0xb9: {  	v9 =	vsel vm3, v9, v12;
	vm15 =	vgt.f32 v16, v14;
	v7 =	vsel vm3, v17, v15  }
0xba: {  	s16 =	sadd.s32 $0x10, s16;
	[tilespmem:v19+s13+$0x0] =	vst.idx.msk vm5, v6;
	v17 =	vmpcnt.ones.xlane vm6;
	v6 =	vsel vm15, v14, v16;
	v12 =	vsel vm15, v16, v14  }
0xbb: {  	p0 =	slt.u32 s16, $0x4D0;
	v14 =	vsel vm15, v13, v19;
	v15 =	vsel vm15, v19, v13;
	vm3 =	vgt.f32 v6, v9  }
.Ltmp3:
0xbc: {  	v19 =	vadd.s32 v11, v17;
	v6 =	vsel vm3, v6, v9;
	v9 =	vnsel vm6, $0xFF800000, v59;
	(pc) =	sbr.rel @p0 .LBB2_3-.Ltmp3, $4  }
0xbd: {  	v7 =	vsel vm3, v14, v7;
	vm3 =	vgt.f32 v9, v12;
	[tilespmem:v8+s11+$0x0] =	vst.idx.msk vm6, v59  }
0xbe: {  	v63 =	vsel vm3, v12, v9;
	v16 =	vsel vm3, v15, v8;
	v13 =	vsel vm3, v9, v12  }
0xbf: {  	s20 =	simm.s32 $0x0;
	v14 =	vsel vm3, v8, v15;
	[tilespmem:v8+s12+$0x0] =	vst.idx.msk vm6, v5;
	vm3 =	vgt.f32 v63, v6  }
0xc0: {  	s18 =	sadd.s32 $0x100, s18;
	s17 =	sadd.s32 $0x100, s17;
	s19 =	sadd.s32 $0x100, s19;
	[tilespmem:v8+s13+$0x0] =	vst.idx.msk vm6, v10;
	v10 =	vsel vm3, v63, v6;
	v8 =	vsel vm3, v16, v7  }
.LBB2_4:
0xc1: {  	s16 =	sshra.s32 s20, $0x2  }
0xc2: {  	v5 =	vld [tilespmem:s16+$0x9C80]  }
0xc3: {  	v6 =	vld [tilespmem:s16+$0xEB00];
	_ =	sdelay $0x4  }
0xc4: {  	v7 =	vsub.f32 v6, v5  }
0xc5: {  	v9 =	vmin.f32 v6, $2.000000030e+30;
	v11 =	vmax.f32 v5, $2.000000030e+30  }
0xc6: {  	v9 =	vsub.f32 v9, v11;
	v7 =	vmax.f32 v7, $0.0e+00  }
0xc7: {  	v7 =	vadd.f32 $0.0e+00, v7  }
0xc8: {  	v9 =	vmax.f32 v9, $0.0e+00  }
0xc9: {  	v7 =	vsub.f32 v7, v9;
	_ =	sdelay $0x1  }
0xca: {  	v7 =	vmax.f32 v7, $9.999999960e-13  }
0xcb: {  	(erf) = vrcp.f32 v7;
	_ =	sdelay $0x6  }
0xcc: {  	v7 =	vld [tilespmem:s16+$0x4E00];
	_ =	sdelay $0x1  }
0xcd: {  	v11 =	vpop (erf)  }
0xce: {  	v9 =	vmul.f32 v11, v9;
	_ =	sdelay $0x1  }
0xcf: {  	vm4 =	vgt.f32 v7, $-9.999999930e+36;
	vm3 =	vle.f32 v9, $4.499999880e-01  }
0xd0: {  	vm3 =	vmand vm4, vm3  }
0xd1: {  	(xrf0) =	vadd.scan.msk.s32 vm3, v0;
	_ =	sdelay $0x5  }
0xd2: {  	v9, _, _ =	vpop (xrf0)  }
0xd3: {  	v9 =	vadd.s32 v19, v9;
	_ =	sdelay $0x3  }
0xd4: {  	p0 =	sne.s32 s20, $0x40  }
.Ltmp4:
0xd5: {  	v11 =	vmpcnt.ones.xlane vm3;
	[tilespmem:v9+s11+$0x0] =	vst.idx.msk vm3, v7;
	v7 =	vnsel vm3, $0xFF800000, v7;
	(pc) =	sbr.rel @p0 .LBB2_4-.Ltmp4, $4  }
0xd6: {  	[tilespmem:v9+s12+$0x0] =	vst.idx.msk vm3, v5;
	vm15 =	vgt.f32 v7, v13  }
0xd7: {  	v19 =	vadd.s32 v19, v11;
	[tilespmem:v9+s13+$0x0] =	vst.idx.msk vm3, v6;
	v63 =	vsel vm15, v13, v7  }
0xd8: {  	v6 =	vsel vm15, v14, v9;
	v13 =	vsel vm15, v7, v13;
	vm3 =	vgt.f32 v63, v10  }
0xd9: {  	s20 =	sadd.s32 $0x40, s20;
	v14 =	vsel vm15, v9, v14;
	v10 =	vsel vm3, v63, v10;
	v8 =	vsel vm3, v6, v8  }
0xda: {  	v5 =	vxor.u32 $0x80000000, v19  }
0xdb: {  	(xrf0) =	vmax.scan.msk.u32 $0xffff, v5;
	_ =	sdelay $0x5  }
0xdc: {  	v5, _, _ =	vpop (xrf0)  }
0xdd: {  	(v2sf) =	vpush v5, $0xF;
	_ =	sdelay $0xe  }
0xde: {  	s16 =	spop (v2sf)  }
0xdf: {  	s18 =	sadd.s32 $0x80000001, s16  }
0xe0: {  	v63 =	vadd.s32 s18, v56  }
.Ltmp5:
0xe1: {  	_ = 	snop;
	(pc) =	sbr.rel .LBB2_6-.Ltmp5, $3  }
0xe2: {  	_ =	sdelay $0x1  }
0xe3: {  	v1 =	vimm.f32 $-Inf  }
0xe4: {  	s17 =	simm.s32 $0x0;
	s16 =	simm.s32 $0x0;
	[tilespmem:v63+s11+$0x0] =	vst.idx.msk $0xffff, v1  }
.LBB2_46:
0xe5: {  	s19 =	sshll.u32 s17, $0x4  }
0xe6: {  	v1 =	vor.u32 s19, v56;
	_ =	sdelay $0x3  }
0xe7: {  	v2 =	vimm.f32 $0.0e+00  }
0xe8: {  	s19 =	simm.s32 $0x1;
	[tilespmem:v1+s14+$0x0] =	vst.idx.msk $0xffff, v2  }
.LBB2_47:
0xe9: {  	s17 =	sadd.s32 s17, s19  }
0xea: {  	p0 =	slt.u32 s17, $0xC8  }
.Ltmp6:
0xeb: {  	_ = 	snop;
	(pc) =	sbr.rel @!p0 .LBB2_48-.Ltmp6, $2  }
0xec: {  	_ =	sdelay $0x2  }
0xed: {  	s16 =	sxor.u32 $0x1, s16  }
.LBB2_6:
0xee: {  	(xrf0) =	vmax.scan.msk.f32 $0xffff, v13;
	_ =	sdelay $0x5  }
0xef: {  	v5, _, _ =	vpop (xrf0)  }
0xf0: {  	(v2sf) =	vpush v5, $0xF;
	_ =	sdelay $0x9  }
0xf1: {  	p0 =	sne.s32 s16, $0x0  }
.Ltmp7:
0xf2: {  	_ = 	snop;
	(pc) =	sbr.rel @!p0 .LBB2_7-.Ltmp7, $2  }
0xf3: {  	_ =	sdelay $0x2  }
0xf4: {  	s19 =	spop (v2sf)  }
0xf5: {  	p0 =	sgt.f32 s19, $0.0e+00  }
.Ltmp8:
0xf6: {  	_ = 	snop;
	(pc) =	sbr.rel @!p0 .LBB2_46-.Ltmp8, $1  }
0xf7: {  	_ =	sdelay $0x3  }
0xf8: {  	v1 =	vbroadcast v5, $0xF;
	_ =	sdelay $0x1  }
0xf9: {  	v2 =	vxor.u32 $0x80000000, v14;
	vm3 =	veq.f32 v13, v1  }
0xfa: {  	v2 =	vnsel vm3, $0xFFFFFFFF, v2  }
0xfb: {  	(xrf0) =	vmin.scan.msk.u32 $0xffff, v2;
	_ =	sdelay $0x5  }
0xfc: {  	v2, _, _ =	vpop (xrf0)  }
0xfd: {  	(v2sf) =	vpush v2, $0xF;
	_ =	sdelay $0xe  }
0xfe: {  	s19 =	spop (v2sf)  }
0xff: {  	s19 =	sxor.u32 $0x80000000, s19  }
0x100: {  	vm3 =	veq.s32 v14, s19  }
0x101: {  	v2 =	vsel vm3, v10, v13  }
0x102: {  	(xrf0) =	vmax.scan.msk.f32 $0xffff, v2;
	_ =	sdelay $0x5  }
0x103: {  	v3, _, _ =	vpop (xrf0)  }
0x104: {  	v10 =	vbroadcast v3, $0xF  }
0x105: {  	v4 =	vsel vm3, v8, v14  }
0x106: {  	vm3 =	veq.f32 v2, v10;
	v2 =	vxor.u32 $0x80000000, v4  }
0x107: {  	v2 =	vnsel vm3, $0xFFFFFFFF, v2  }
0x108: {  	(xrf0) =	vmin.scan.msk.u32 $0xffff, v2;
	_ =	sdelay $0x5  }
0x109: {  	(v2sf) =	vpush v3, $0xF;
	v2, _, _ =	vpop (xrf0)  }
0x10a: {  	(v2sf) =	vpush v2, $0xF;
	_ =	sdelay $0x8  }
0x10b: {  	v8 =	vmov s19;
	_ =	sdelay $0x4  }
0x10c: {  	v5 =	vld.idx.msk [tilespmem:v8+s10+$0x0], $0xffff;
	s20 =	spop (v2sf)  }
0x10d: {  	s19 =	sshll.u32 s17, $0x4;
	v6 =	vld.idx.msk [tilespmem:v8+s9+$0x0], $0xffff;
	s21 =	spop (v2sf)  }
0x10e: {  	v2 =	vor.u32 s19, v56;
	s21 =	sxor.u32 $0x80000000, s21  }
0x10f: {  	v13 =	vmov s21  }
0x110: {  	v1 =	vnsel vm0, $0x0, v1  }
0x111: {  	v1 =	vsel vm1, v1, v5;
	vm3 =	vmmov $0x1  }
0x112: {  	v1 =	vsel vm3, v6, v1  }
0x113: {  	[tilespmem:v2+s14+$0x0] =	vst.idx.msk $0xffff, v1  }
0x114: {  	v9 =	vld.idx.msk [tilespmem:v13+s9+$0x0], $0xffff  }
0x115: {  	v11 =	vld.idx.msk [tilespmem:v13+s10+$0x0], $0xffff;
	_ =	sdelay $0x4  }
0x116: {  	v1 =	vsub.f32 v5, v6;
	v2 =	vsub.f32 v11, v9  }
0x117: {  	v3 =	vmin.f32 v11, v5;
	v4 =	vmax.f32 v9, v6  }
0x118: {  	v7 =	vmax.f32 v1, $0.0e+00;
	v1 =	vsub.f32 v3, v4;
	v12 =	vmax.f32 v2, $0.0e+00  }
0x119: {  	v2 =	vadd.f32 v12, v7  }
0x11a: {  	v1 =	vmax.f32 v1, $0.0e+00  }
0x11b: {  	v2 =	vsub.f32 v2, v1;
	_ =	sdelay $0x1  }
0x11c: {  	v2 =	vmax.f32 v2, $9.999999960e-13  }
0x11d: {  	(erf) = vrcp.f32 v2;
	_ =	sdelay $0x8  }
0x11e: {  	v2 =	vpop (erf)  }
0x11f: {  	v1 =	vmul.f32 v2, v1;
	_ =	sdelay $0x1  }
0x120: {  	vm4 =	vle.f32 v1, $4.499999880e-01;
	v1 =	vimm.s32 $0x0  }
0x121: {  	v1 =	vsel vm4, $0x1, v1  }
0x122: {  	v1 =	vor.u32 $0x80000000, v1  }
0x123: {  	(xrf0) =	vmax.scan.msk.u32 $0xffff, v1;
	_ =	sdelay $0x5  }
0x124: {  	v1, _, _ =	vpop (xrf0)  }
0x125: {  	(v2sf) =	vpush v1, $0xF;
	_ =	sdelay $0xd  }
0x126: {  	p0 =	sgt.f32 s20, $0.0e+00  }
0x127: {  	s20 =	spop (v2sf)  }
0x128: {  	p1 =	slt.u32 @p0 s20, $0x80000001  }
0x129: {  	p0 =	por !p0, p1  }
.Ltmp9:
0x12a: {  	_ = 	snop;
	(pc) =	sbr.rel @p0 .LBB2_38-.Ltmp9, $2  }
0x12b: {  	_ =	sdelay $0x2  }
0x12c: {  	s18 =	sadd.s32 $0xF, s18  }
0x12d: {  	s20 =	sand.u32 $0xF, s18  }
0x12e: {  	s29 =	sshra.s32 s18, $0x1F;
	p1 =	slt.s32 s18, $0x1;
	p0 =	sne.s32 s20, $0x0  }
0x12f: {  	s20 =	sshrl.u32 s29, $0x1C;
	p0 =	por !p1, !p0  }
0x130: {  	s30 =	sadd.s32 s20, s18;
	s20 =	simm.s32 $0x1;
	p0 =	por !p0, !p0  }
0x131: {  	s18 =	sshra.s32 s30, $0x4;
	s20 =	simm.s32 @!p0 $0x0  }
0x132: {  	s18 =	ssub.s32 s18, s20  }
0x133: {  	s19 =	sadd.s32 $0x10, s19;
	s31 =	sshrl.u32 s18, $0x1C  }
0x134: {  	v1 =	vor.u32 s19, v56;
	s19 =	sadd.s32 s31, s18  }
0x135: {  	s19 =	sand.u32 $0xFFFFFFF0, s19  }
0x136: {  	v2 =	vsel vm3, v8, v13;
	p0 =	slt.s32 s19, $0x1  }
.Ltmp10:
0x137: {  	v3 =	vsel vm2, $0x0, v10;
	(pc) =	sbr.rel @p0 .LBB2_30-.Ltmp10, $4  }
0x138: {  	v3 =	vsel vm1, v3, v11  }
0x139: {  	v3 =	vsel vm3, v9, v3  }
0x13a: {  	v13 =	vimm.f32 $-Inf;
	[tilespmem:v1+s14+$0x0] =	vst.idx.msk $0xffff, v3  }
0x13b: {  	[tilespmem:v2+s2+$0x0] =	vst.idx.msk $0x3, v13  }
0x13c: {  	s20 =	simm.s32 $0x0;
	v26 =	vimm.s32 $0xFFFFFFFF;
	v10 =	vimm.f32 $-Inf  }
0x13d: {  	v8 =	vimm.s32 $0x0;
	s21 =	simm.s32 $0x9D80;
	s22 =	simm.s32 $0x4F00;
	s23 =	simm.s32 $0x80;
	v14 =	vimm.s32 $0x0;
	v13 =	vimm.f32 $-Inf  }
.LBB2_34:
0x13e: {  	v17 =	vld [tilespmem:s22+$0xFFFFFF80]  }
0x13f: {  	v15 =	vld [tilespmem:s21+$0xFFFFFF80];
	_ =	sdelay $0x4  }
0x140: {  	v1 =	vsub.f32 v15, v17  }
0x141: {  	v2 =	vmin.f32 v15, v5;
	v3 =	vmax.f32 v17, v6;
	v4 =	vmax.f32 v17, v9  }
0x142: {  	v2 =	vsub.f32 v2, v3;
	v3 =	vmin.f32 v15, v11;
	v1 =	vmax.f32 v1, $0.0e+00  }
0x143: {  	v3 =	vsub.f32 v3, v4;
	v16 =	vadd.f32 v1, v7  }
0x144: {  	v2 =	vmax.f32 v2, $0.0e+00;
	v1 =	vadd.f32 v1, v12  }
0x145: {  	v3 =	vmax.f32 v3, $0.0e+00;
	v4 =	vsub.f32 v16, v2  }
0x146: {  	v1 =	vsub.f32 v1, v3  }
0x147: {  	v4 =	vmax.f32 v4, $9.999999960e-13  }
0x148: {  	v18 =	vld [tilespmem:s22+$0xFFFFFF90];
	v1 =	vmax.f32 v1, $9.999999960e-13;
	(erf) = vrcp.f32 v4  }
0x149: {  	v16 =	vld [tilespmem:s21+$0xFFFFFF90];
	(erf) = vrcp.f32 v1;
	_ =	sdelay $0x4  }
0x14a: {  	v1 =	vsub.f32 v16, v18  }
0x14b: {  	v19 =	vmax.f32 v18, v6;
	v4 =	vmin.f32 v16, v5  }
0x14c: {  	v4 =	vsub.f32 v4, v19;
	v1 =	vmax.f32 v1, $0.0e+00  }
0x14d: {  	v23 =	vld [tilespmem:s23+$0xFFFFFF80];
	v22 =	vmax.f32 v18, v9;
	v21 =	vmin.f32 v16, v11;
	v20 =	vadd.f32 v1, v7;
	v42 =	vpop (erf)  }
0x14e: {  	v21 =	vsub.f32 v21, v22;
	v4 =	vmax.f32 v4, $0.0e+00;
	v2 =	vmul.f32 v42, v2;
	v43 =	vpop (erf)  }
0x14f: {  	v1 =	vadd.f32 v1, v12;
	v44 =	vsub.f32 v20, v4;
	v3 =	vmul.f32 v43, v3  }
0x150: {  	v24 =	vld [tilespmem:s23+$0xFFFFFF90];
	vm3 =	vle.f32 v2, $4.499999880e-01;
	v2 =	vmax.f32 v21, $0.0e+00  }
0x151: {  	v19 =	vld [tilespmem:s21+$0xFFFFFFA0];
	vm4 =	vle.f32 v3, $4.499999880e-01;
	v3 =	vmax.f32 v44, $9.999999960e-13;
	v1 =	vsub.f32 v1, v2  }
0x152: {  	vm5 =	vgt.f32 v23, $-9.999999930e+36;
	v22 =	vld [tilespmem:s21+$0xFFFFFFB0];
	vm3 =	vmand vm3, vm4;
	(erf) = vrcp.f32 v3  }
0x153: {  	v20 =	vld [tilespmem:s22+$0xFFFFFFA0];
	vm3 =	vmand vm3, vm5;
	v1 =	vmax.f32 v1, $9.999999960e-13  }
0x154: {  	(xrf0) =	vadd.scan.msk.s32 vm3, v0;
	(erf) = vrcp.f32 v1;
	_ =	sdelay $0x1  }
0x155: {  	v21 =	vld [tilespmem:s22+$0xFFFFFFB0]  }
0x156: {  	vm7 =	vgt.f32 v24, $-9.999999930e+36  }
0x157: {  	v48 =	vmin.f32 v22, v5;
	v52 =	vmin.f32 v22, v11;
	v45 =	vsub.f32 v19, v20  }
0x158: {  	v27 =	vmax.f32 v20, v6;
	v46 =	vmax.f32 v20, v9;
	v3 =	vnsel vm3, $0xFF800000, v23  }
0x159: {  	v30 =	vmax.f32 v45, $0.0e+00;
	v54 =	vmpcnt.ones.xlane vm3;
	vm15 =	vgt.f32 v3, v13;
	v1, _, _ =	vpop (xrf0)  }
0x15a: {  	v47 =	vsub.f32 v22, v21;
	v31 =	vmax.f32 v21, v6;
	v25 =	vadd.s32 v26, v1;
	v1 =	vpop (erf)  }
0x15b: {  	v53 =	vmax.f32 v21, v9;
	v1 =	vmul.f32 v1, v4;
	v4 =	vmin.f32 v19, v5  }
0x15c: {  	v28 =	vsel vm15, v13, v3;
	v3 =	vsel vm15, v3, v13;
	v29 =	vpop (erf);
	v4 =	vsub.f32 v4, v27  }
0x15d: {  	vm9 =	vle.f32 v1, $4.499999880e-01;
	v1 =	vmul.f32 v29, v2;
	v2 =	vadd.f32 v30, v7  }
0x15e: {  	v13 =	vsub.f32 v52, v53;
	v27 =	vmin.f32 v19, v11;
	v4 =	vmax.f32 v4, $0.0e+00  }
0x15f: {  	vm6 =	vle.f32 v1, $4.499999880e-01;
	v1 =	vsub.f32 v2, v4;
	v2 =	vsub.f32 v27, v46  }
0x160: {  	v49 =	vsub.f32 v48, v31;
	vm10 =	vgt.f32 v28, v10;
	v27 =	vadd.f32 v30, v12  }
0x161: {  	v33 =	vmax.f32 v13, $0.0e+00;
	v1 =	vmax.f32 v1, $9.999999960e-13;
	v2 =	vmax.f32 v2, $0.0e+00  }
0x162: {  	v13 =	vld [tilespmem:s22+$0xFFFFFFC0];
	v27 =	vsub.f32 v27, v2;
	(erf) = vrcp.f32 v1;
	v1 =	vmax.f32 v47, $0.0e+00  }
0x163: {  	v28 =	vsel vm10, v28, v10;
	v10 =	vld [tilespmem:s21+$0xFFFFFFC0];
	vm4 =	vmand vm9, vm6;
	v50 =	vadd.f32 v1, v7  }
0x164: {  	v32 =	vmax.f32 v49, $0.0e+00;
	vm4 =	vmand vm4, vm7;
	v27 =	vmax.f32 v27, $9.999999960e-13  }
0x165: {  	(xrf0) =	vadd.scan.msk.s32 vm4, v0;
	v1 =	vadd.f32 v1, v12;
	(erf) = vrcp.f32 v27;
	v27 =	vsub.f32 v50, v32  }
0x166: {  	v26 =	vadd.s32 v26, v54;
	v51 =	vsel vm15, v14, v25  }
0x167: {  	v14 =	vsel vm15, v25, v14;
	v29 =	vld [tilespmem:s23+$0xFFFFFFB0];
	v1 =	vsub.f32 v1, v33;
	v27 =	vmax.f32 v27, $9.999999960e-13  }
0x168: {  	v38 =	vmin.f32 v10, v11;
	v39 =	vmax.f32 v13, v9;
	(erf) = vrcp.f32 v27  }
0x169: {  	v56 =	vsub.f32 v38, v39;
	v34 =	vnsel vm4, $0xFF800000, v24;
	v1 =	vmax.f32 v1, $9.999999960e-13  }
0x16a: {  	v31 =	vsel vm10, v51, v8;
	vm11 =	vgt.f32 v34, v3;
	(erf) = vrcp.f32 v1  }
0x16b: {  	v57 =	vmax.f32 v56, $0.0e+00;
	v47 =	vmpcnt.ones.xlane vm4;
	v35 =	vsel vm11, v3, v34;
	v8, _, _ =	vpop (xrf0)  }
0x16c: {  	vm15 =	vgt.f32 v29, $-9.999999930e+36;
	vm7 =	vgt.f32 v35, v28;
	v30 =	vadd.s32 v26, v8;
	v8 =	vpop (erf)  }
0x16d: {  	v50 =	vadd.s32 v26, v47;
	v35 =	vsel vm7, v35, v28;
	v27 =	vld [tilespmem:s23+$0xFFFFFFA0];
	v4 =	vmul.f32 v8, v4  }
0x16e: {  	v1 =	vsel vm11, v34, v3;
	v36 =	vsel vm11, v14, v30;
	v3 =	vsel vm11, v30, v14;
	v8 =	vpop (erf)  }
0x16f: {  	vm12 =	vle.f32 v4, $4.499999880e-01;
	v4 =	vsub.f32 v10, v13;
	v2 =	vmul.f32 v8, v2  }
0x170: {  	v14 =	vmax.f32 v13, v6;
	v31 =	vsel vm7, v36, v31;
	v8 =	vmin.f32 v10, v5  }
0x171: {  	vm8 =	vle.f32 v2, $4.499999880e-01;
	v2 =	vmax.f32 v4, $0.0e+00;
	v4 =	vsub.f32 v8, v14;
	v8 =	vld [tilespmem:s22+$0xFFFFFFD0];
	v55 =	vpop (erf)  }
0x172: {  	vm13 =	vgt.f32 v27, $-9.999999930e+36;
	v14 =	vld [tilespmem:s21+$0xFFFFFFD0];
	v37 =	vadd.f32 v2, v7;
	v32 =	vmul.f32 v55, v32  }
0x173: {  	vm5 =	vmand vm12, vm8;
	v2 =	vadd.f32 v2, v12;
	v58 =	vpop (erf);
	v4 =	vmax.f32 v4, $0.0e+00  }
0x174: {  	vm5 =	vmand vm5, vm13;
	v33 =	vmul.f32 v58, v33;
	v37 =	vsub.f32 v37, v4  }
0x175: {  	vm14 =	vle.f32 v32, $4.499999880e-01;
	v2 =	vsub.f32 v2, v57;
	v49 =	vnsel vm5, $0xFF800000, v27  }
0x176: {  	v41 =	vmpcnt.ones.xlane vm5;
	vm9 =	vle.f32 v33, $4.499999880e-01;
	vm12 =	vgt.f32 v49, v1  }
0x177: {  	v37 =	vmax.f32 v37, $9.999999960e-13;
	v59 =	vsub.f32 v14, v8;
	v2 =	vmax.f32 v2, $9.999999960e-13  }
0x178: {  	v28 =	vld [tilespmem:s22+$0xFFFFFFE0];
	v60 =	vmin.f32 v14, v5;
	v61 =	vmax.f32 v8, v6;
	v44 =	vmin.f32 v14, v11  }
0x179: {  	(xrf0) =	vadd.scan.msk.s32 vm5, v0;
	v45 =	vmax.f32 v8, v9;
	vm6 =	vmand vm14, vm9;
	v51 =	vsel vm12, v1, v49  }
0x17a: {  	v1 =	vsel vm12, v49, v1;
	v36 =	vadd.s32 v50, v41;
	(erf) = vrcp.f32 v37  }
0x17b: {  	v62 =	vsub.f32 v60, v61;
	v46 =	vsub.f32 v44, v45;
	vm6 =	vmand vm6, vm15  }
0x17c: {  	v33 =	vld [tilespmem:s23+$0xFFFFFFC0];
	vm13 =	vgt.f32 v51, v35;
	(erf) = vrcp.f32 v2;
	v2 =	vmax.f32 v59, $0.0e+00  }
0x17d: {  	v44 =	vmax.f32 v28, v9;
	(xrf0) =	vadd.scan.msk.s32 vm6, v0;
	v35 =	vsel vm13, v51, v35;
	v63 =	vadd.f32 v2, v7  }
0x17e: {  	v54 =	vnsel vm6, $0xFF800000, v29;
	v40 =	vmax.f32 v62, $0.0e+00;
	v2 =	vadd.f32 v2, v12  }
0x17f: {  	v49 =	vmpcnt.ones.xlane vm6;
	v39 =	vmax.f32 v46, $0.0e+00;
	v26, _, _ =	vpop (xrf0);
	v34 =	vsub.f32 v63, v40  }
0x180: {  	vm9 =	vgt.f32 v54, v1;
	v2 =	vsub.f32 v2, v39;
	v37 =	vadd.s32 v50, v26;
	v26 =	vld [tilespmem:s21+$0xFFFFFFE0]  }
0x181: {  	vm10 =	vgt.f32 v33, $-9.999999930e+36;
	v47 =	vsel vm9, v1, v54;
	v48 =	vmax.f32 v34, $9.999999960e-13  }
0x182: {  	v1 =	vsel vm9, v54, v1;
	v2 =	vmax.f32 v2, $9.999999960e-13;
	v34 =	vld [tilespmem:s23+$0xFFFFFFD0];
	(erf) = vrcp.f32 v48  }
0x183: {  	v53, _, _ =	vpop (xrf0);
	(erf) = vrcp.f32 v2;
	v2 =	vsel vm12, v3, v37;
	v3 =	vsel vm12, v37, v3  }
0x184: {  	v38 =	vadd.s32 v36, v53;
	v36 =	vadd.s32 v36, v49;
	v42 =	vpop (erf);
	v2 =	vsel vm13, v2, v31  }
0x185: {  	v56 =	vmin.f32 v26, v5;
	v43 =	vmin.f32 v26, v11;
	v48 =	vsel vm9, v3, v38;
	v31 =	vld [tilespmem:s21+$0xFFFFFFF0];
	v52 =	vpop (erf)  }
0x186: {  	v3 =	vsel vm9, v38, v3;
	v4 =	vmul.f32 v42, v4;
	v32 =	vmul.f32 v52, v57  }
0x187: {  	v61 =	vsub.f32 v43, v44;
	v57 =	vmax.f32 v28, v6;
	vm13 =	vgt.f32 v34, $-9.999999930e+36  }
0x188: {  	vm14 =	vle.f32 v4, $4.499999880e-01;
	v4 =	vsub.f32 v26, v28;
	vm15 =	vle.f32 v32, $4.499999880e-01  }
0x189: {  	v58 =	vsub.f32 v56, v57;
	v63 =	vmax.f32 v61, $0.0e+00;
	vm7 =	vmand vm14, vm15  }
0x18a: {  	v4 =	vmax.f32 v4, $0.0e+00;
	vm14 =	vgt.f32 v47, v35;
	v46 =	vmin.f32 v31, v5  }
0x18b: {  	vm7 =	vmand vm7, vm10;
	v60 =	vadd.f32 v4, v7;
	v4 =	vadd.f32 v4, v12  }
0x18c: {  	v2 =	vsel vm14, v48, v2;
	v55 =	vpop (erf);
	(xrf0) =	vadd.scan.msk.s32 vm7, v0;
	v50 =	vnsel vm7, $0xFF800000, v33;
	v53 =	vmpcnt.ones.xlane vm7  }
0x18d: {  	v32 =	vmul.f32 v55, v40;
	v59 =	vpop (erf);
	v40 =	vmax.f32 v58, $0.0e+00;
	v4 =	vsub.f32 v4, v63  }
0x18e: {  	v41 =	vld [tilespmem:s23+$0xFFFFFFE0];
	vm15 =	vgt.f32 v50, v1;
	v39 =	vmul.f32 v59, v39;
	v62 =	vsub.f32 v60, v40  }
0x18f: {  	v52 =	vsel vm15, v1, v50;
	v1 =	vsel vm15, v50, v1;
	v44 =	vadd.s32 v36, v53  }
0x190: {  	vm12 =	vle.f32 v32, $4.499999880e-01;
	vm11 =	vle.f32 v39, $4.499999880e-01;
	v32 =	vmax.f32 v62, $9.999999960e-13  }
0x191: {  	v4 =	vmax.f32 v4, $9.999999960e-13;
	vm8 =	vmand vm12, vm11;
	(erf) = vrcp.f32 v32;
	v32 =	vld [tilespmem:s22+$0xFFFFFFF0]  }
0x192: {  	vm8 =	vmand vm8, vm13;
	(erf) = vrcp.f32 v4;
	v4 =	vsel vm14, v47, v35;
	v51, _, _ =	vpop (xrf0);
	v35 =	vld [tilespmem:s22+$0x0]  }
0x193: {  	v50 =	vmin.f32 v31, v11;
	vm14 =	vgt.f32 v41, $-9.999999930e+36;
	(xrf0) =	vadd.scan.msk.s32 vm8, v0;
	v45 =	vadd.s32 v36, v51;
	v36 =	vld [tilespmem:s21+$0x0]  }
0x194: {  	vm12 =	vgt.f32 v52, v4;
	v43 =	vnsel vm8, $0xFF800000, v34;
	v54 =	vsel vm15, v3, v45  }
0x195: {  	v3 =	vsel vm15, v45, v3;
	v4 =	vsel vm12, v52, v4;
	v2 =	vsel vm12, v54, v2  }
0x196: {  	v56 =	vsub.f32 v31, v32;
	v47 =	vmax.f32 v32, v6;
	v51 =	vmax.f32 v32, v9  }
0x197: {  	vm12 =	vgt.f32 v43, v1;
	v46 =	vsub.f32 v46, v47;
	v59 =	vsub.f32 v50, v51  }
0x198: {  	v53 =	vmax.f32 v35, v6;
	v48 =	vmax.f32 v56, $0.0e+00;
	v52 =	vmin.f32 v36, v5  }
0x199: {  	v56 =	vmin.f32 v36, v11;
	v55, _, _ =	vpop (xrf0);
	v49 =	vadd.f32 v48, v7;
	v47 =	vmax.f32 v46, $0.0e+00  }
0x19a: {  	v48 =	vadd.f32 v48, v12;
	v50 =	vmax.f32 v59, $0.0e+00;
	v54 =	vsub.f32 v52, v53;
	v57 =	vpop (erf)  }
0x19b: {  	v59 =	vsel vm12, v1, v43;
	v42 =	vadd.s32 v44, v55;
	v40 =	vmul.f32 v57, v40;
	v58 =	vpop (erf)  }
0x19c: {  	v60 =	vsub.f32 v49, v47;
	v62 =	vsub.f32 v48, v50;
	v39 =	vmul.f32 v58, v63  }
0x19d: {  	v57 =	vmax.f32 v35, v9;
	v63 =	vsub.f32 v36, v35;
	vm13 =	vle.f32 v40, $4.499999880e-01  }
0x19e: {  	v61 =	vmax.f32 v60, $9.999999960e-13;
	v40 =	vmax.f32 v62, $9.999999960e-13;
	vm15 =	vle.f32 v39, $4.499999880e-01  }
0x19f: {  	(erf) = vrcp.f32 v61;
	v39 =	vmax.f32 v63, $0.0e+00;
	vm9 =	vmand vm13, vm15  }
0x1a0: {  	(erf) = vrcp.f32 v40;
	v55 =	vadd.f32 v39, v7;
	vm9 =	vmand vm9, vm14  }
0x1a1: {  	v1 =	vsel vm12, v43, v1;
	v51 =	vmax.f32 v54, $0.0e+00;
	v58 =	vsub.f32 v56, v57;
	(xrf0) =	vadd.scan.msk.s32 vm9, v0  }
0x1a2: {  	v60 =	vsel vm12, v3, v42;
	v39 =	vadd.f32 v39, v12;
	v46 =	vsub.f32 v55, v51  }
0x1a3: {  	v3 =	vsel vm12, v42, v3;
	v52 =	vmax.f32 v58, $0.0e+00;
	vm13 =	vgt.f32 v59, v4  }
0x1a4: {  	v39 =	vsub.f32 v39, v52;
	v53 =	vnsel vm9, $0xFF800000, v41;
	v61 =	vmax.f32 v46, $9.999999960e-13;
	v46 =	vld [tilespmem:s23+$0xFFFFFFF0]  }
0x1a5: {  	v62 =	vmpcnt.ones.xlane vm8;
	v4 =	vsel vm13, v59, v4;
	vm14 =	vgt.f32 v53, v1  }
0x1a6: {  	v40 =	vld [tilespmem:s22+$0x10];
	v39 =	vmax.f32 v39, $9.999999960e-13;
	v58 =	vsel vm14, v1, v53;
	(erf) = vrcp.f32 v61  }
0x1a7: {  	v54 =	vadd.s32 v44, v62;
	vm10 =	vgt.f32 v58, v4;
	(erf) = vrcp.f32 v39;
	v39 =	vld [tilespmem:s21+$0x10];
	v63, _, _ =	vpop (xrf0)  }
0x1a8: {  	v2 =	vsel vm13, v60, v2;
	v1 =	vsel vm14, v53, v1;
	v4 =	vsel vm10, v58, v4;
	v57 =	vpop (erf)  }
0x1a9: {  	[tilespmem:v30+s11+$0x0] =	vst.idx.msk vm4, v24;
	v49 =	vadd.s32 v54, v63;
	v59 =	vpop (erf);
	v43 =	vmul.f32 v57, v47;
	vm15 =	vgt.f32 v46, $-9.999999930e+36  }
0x1aa: {  	[tilespmem:v30+s12+$0x0] =	vst.idx.msk vm4, v18;
	v47 =	vmpcnt.ones.xlane vm9;
	v55 =	vsel vm14, v3, v49;
	v60 =	vmul.f32 v59, v50  }
0x1ab: {  	[tilespmem:v30+s13+$0x0] =	vst.idx.msk vm4, v16;
	v30 =	vld [tilespmem:s23+$0x20];
	v3 =	vsel vm14, v49, v3;
	v59 =	vmax.f32 v40, v9;
	vm11 =	vle.f32 v43, $4.499999880e-01  }
0x1ac: {  	v44 =	vld [tilespmem:s21+$0x20];
	v2 =	vsel vm10, v55, v2;
	v61 =	vsub.f32 v39, v40;
	v63 =	vmin.f32 v39, v5  }
0x1ad: {  	v50 =	vld [tilespmem:s23+$0x0];
	v58 =	vmin.f32 v39, v11;
	v47 =	vadd.s32 v54, v47;
	vm12 =	vle.f32 v60, $4.499999880e-01  }
0x1ae: {  	v43 =	vld [tilespmem:s22+$0x20];
	v60 =	vmax.f32 v40, v6;
	vm11 =	vmand vm11, vm12;
	v56 =	vmax.f32 v61, $0.0e+00  }
0x1af: {  	v53 =	vsub.f32 v63, v60;
	vm10 =	vmand vm11, vm15;
	v57 =	vadd.f32 v56, v7  }
0x1b0: {  	v62 =	vpop (erf);
	v56 =	vadd.f32 v56, v12;
	vm15 =	vgt.f32 v30, $-9.999999930e+36;
	v48 =	vnsel vm10, $0xFF800000, v46  }
0x1b1: {  	v51 =	vmul.f32 v62, v51;
	v61 =	vpop (erf);
	v55 =	vmax.f32 v53, $0.0e+00;
	v62 =	vsub.f32 v58, v59  }
0x1b2: {  	vm12 =	vgt.f32 v50, $-9.999999930e+36;
	v52 =	vmul.f32 v61, v52;
	v63 =	vsub.f32 v57, v55  }
0x1b3: {  	(xrf0) =	vadd.scan.msk.s32 vm10, v0;
	v60 =	vsub.f32 v44, v43;
	v61 =	vmin.f32 v44, v5;
	v57 =	vmax.f32 v62, $0.0e+00  }
0x1b4: {  	vm11 =	vle.f32 v51, $4.499999880e-01;
	v62 =	vmax.f32 v43, v6;
	v59 =	vsub.f32 v56, v57  }
0x1b5: {  	vm13 =	vle.f32 v52, $4.499999880e-01;
	v51 =	vmax.f32 v63, $9.999999960e-13;
	v63 =	vsub.f32 v61, v62  }
0x1b6: {  	vm11 =	vmand vm11, vm13;
	(erf) = vrcp.f32 v51;
	v52 =	vmax.f32 v59, $9.999999960e-13  }
0x1b7: {  	v51 =	vmax.f32 v60, $0.0e+00;
	vm11 =	vmand vm11, vm12;
	(erf) = vrcp.f32 v52  }
0x1b8: {  	vm12 =	vgt.f32 v48, v1;
	v60 =	vadd.f32 v51, v7;
	v58 =	vmax.f32 v63, $0.0e+00;
	(xrf0) =	vadd.scan.msk.s32 vm11, v0  }
0x1b9: {  	v51 =	vadd.f32 v51, v12;
	v61 =	vsel vm12, v1, v48;
	v1 =	vsel vm12, v48, v1;
	v59, _, _ =	vpop (xrf0)  }
0x1ba: {  	v56 =	vnsel vm11, $0xFF800000, v50;
	v63 =	vsub.f32 v60, v58;
	v53 =	vadd.s32 v47, v59  }
0x1bb: {  	v60 =	vmpcnt.ones.xlane vm10;
	vm13 =	vgt.f32 v56, v1;
	v62 =	vsel vm12, v3, v53  }
0x1bc: {  	v3 =	vsel vm12, v53, v3;
	vm12 =	vgt.f32 v61, v4;
	v48 =	vmax.f32 v63, $9.999999960e-13  }
0x1bd: {  	v59 =	vadd.s32 v47, v60;
	v60 =	vsel vm13, v1, v56;
	(erf) = vrcp.f32 v48  }
0x1be: {  	v1 =	vsel vm13, v56, v1;
	v63 =	vmax.f32 v43, v9;
	v47 =	vld [tilespmem:s22+$0x30];
	v4 =	vsel vm12, v61, v4;
	v61, _, _ =	vpop (xrf0)  }
0x1bf: {  	v2 =	vsel vm12, v62, v2;
	vm12 =	vgt.f32 v60, v4;
	v52 =	vadd.s32 v59, v61;
	v48 =	vpop (erf)  }
0x1c0: {  	v54 =	vld [tilespmem:s23+$0x10];
	v62 =	vmin.f32 v44, v11;
	v4 =	vsel vm12, v60, v4;
	v61 =	vsel vm13, v3, v52;
	v56 =	vpop (erf)  }
0x1c1: {  	v55 =	vmul.f32 v48, v55;
	v48 =	vld [tilespmem:s21+$0x30];
	v56 =	vmul.f32 v56, v57;
	v57 =	vsub.f32 v62, v63  }
0x1c2: {  	v60 =	vmpcnt.ones.xlane vm11;
	v3 =	vsel vm13, v52, v3;
	v2 =	vsel vm12, v61, v2  }
0x1c3: {  	v61 =	vmax.f32 v47, v6;
	vm13 =	vle.f32 v55, $4.499999880e-01;
	v55 =	vmax.f32 v57, $0.0e+00  }
0x1c4: {  	v62 =	vmax.f32 v47, v9;
	vm14 =	vle.f32 v56, $4.499999880e-01;
	v51 =	vsub.f32 v51, v55  }
0x1c5: {  	v56 =	vadd.s32 v59, v60;
	vm13 =	vmand vm13, vm14;
	vm14 =	vgt.f32 v54, $-9.999999930e+36  }
0x1c6: {  	v59 =	vpop (erf);
	v60 =	vsub.f32 v48, v47;
	vm12 =	vmand vm13, vm14;
	v51 =	vmax.f32 v51, $9.999999960e-13  }
0x1c7: {  	[tilespmem:v25+s11+$0x0] =	vst.idx.msk vm3, v23;
	v23 =	vld [tilespmem:s21+$0x40];
	v58 =	vmul.f32 v59, v58;
	v57 =	vnsel vm12, $0xFF800000, v54;
	(erf) = vrcp.f32 v51  }
0x1c8: {  	[tilespmem:v25+s12+$0x0] =	vst.idx.msk vm3, v17;
	v59 =	vmax.f32 v60, $0.0e+00;
	v60 =	vmin.f32 v48, v5;
	vm13 =	vgt.f32 v57, v1;
	v51 =	vld [tilespmem:s22+$0x40]  }
0x1c9: {  	(xrf0) =	vadd.scan.msk.s32 vm12, v0;
	v60 =	vsub.f32 v60, v61;
	v61 =	vmin.f32 v48, v11;
	v17 =	vadd.f32 v59, v12  }
0x1ca: {  	vm14 =	vle.f32 v58, $4.499999880e-01;
	v61 =	vsub.f32 v61, v62;
	v62 =	vadd.f32 v59, v7  }
0x1cb: {  	v63 =	vsel vm13, v1, v57;
	v1 =	vsel vm13, v57, v1;
	v57 =	vmax.f32 v60, $0.0e+00  }
0x1cc: {  	[tilespmem:v25+s13+$0x0] =	vst.idx.msk vm3, v15;
	v60 =	vmin.f32 v23, v5;
	v15 =	vsub.f32 v62, v57;
	v58 =	vmax.f32 v61, $0.0e+00  }
0x1cd: {  	v17 =	vsub.f32 v17, v58;
	v59 =	vsub.f32 v23, v51;
	v61 =	vmax.f32 v51, v6  }
0x1ce: {  	vm3 =	vgt.f32 v63, v4;
	v15 =	vmax.f32 v15, $9.999999960e-13;
	v60 =	vsub.f32 v60, v61  }
0x1cf: {  	v25, _, _ =	vpop (xrf0);
	(erf) = vrcp.f32 v15;
	v15 =	vmax.f32 v17, $9.999999960e-13;
	v59 =	vmax.f32 v59, $0.0e+00  }
0x1d0: {  	v4 =	vsel vm3, v63, v4;
	(erf) = vrcp.f32 v15;
	v62 =	vadd.f32 v59, v7;
	v18 =	vpop (erf)  }
0x1d1: {  	v25 =	vadd.s32 v56, v25;
	v16 =	vmul.f32 v18, v55;
	v55 =	vmax.f32 v60, $0.0e+00  }
0x1d2: {  	v15 =	vmin.f32 v23, v11;
	v17 =	vsub.f32 v62, v55;
	v62 =	vmax.f32 v51, v9  }
0x1d3: {  	v61 =	vsel vm13, v3, v25;
	v24 =	vsel vm13, v25, v3;
	v3 =	vsub.f32 v15, v62;
	v15 =	vld [tilespmem:s22+$0x50]  }
0x1d4: {  	v2 =	vsel vm3, v61, v2;
	v60 =	vadd.f32 v59, v12;
	vm13 =	vle.f32 v16, $4.499999880e-01;
	v16 =	vld [tilespmem:s21+$0x50]  }
0x1d5: {  	[tilespmem:v37+s11+$0x0] =	vst.idx.msk vm5, v27;
	v62 =	vmpcnt.ones.xlane vm12;
	v17 =	vmax.f32 v17, $9.999999960e-13;
	vm4 =	vmand vm14, vm13  }
0x1d6: {  	[tilespmem:v37+s12+$0x0] =	vst.idx.msk vm5, v20;
	(erf) = vrcp.f32 v17;
	v3 =	vmax.f32 v3, $0.0e+00;
	vm3 =	vmand vm4, vm15  }
0x1d7: {  	[tilespmem:v37+s13+$0x0] =	vst.idx.msk vm5, v19;
	v18 =	vsub.f32 v60, v3;
	v20 =	vnsel vm3, $0xFF800000, v30  }
0x1d8: {  	[tilespmem:v38+s11+$0x0] =	vst.idx.msk vm6, v29;
	v19 =	vadd.s32 v56, v62;
	v60 =	vpop (erf);
	vm4 =	vgt.f32 v20, v1  }
0x1d9: {  	[tilespmem:v38+s12+$0x0] =	vst.idx.msk vm6, v21;
	v17 =	vld [tilespmem:s22+$0x60];
	v62 =	vmul.f32 v60, v57;
	v27 =	vpop (erf);
	v59 =	vmax.f32 v18, $9.999999960e-13;
	v61 =	vsub.f32 v16, v15  }
0x1da: {  	v63 =	vmin.f32 v16, v5;
	v56 =	vmax.f32 v15, v6;
	v27 =	vmul.f32 v27, v58  }
0x1db: {  	[tilespmem:v45+s11+$0x0] =	vst.idx.msk vm7, v33;
	v18 =	vld [tilespmem:s21+$0x60];
	v33 =	vsel vm4, v1, v20;
	v1 =	vsel vm4, v20, v1;
	(erf) = vrcp.f32 v59  }
0x1dc: {  	[tilespmem:v38+s13+$0x0] =	vst.idx.msk vm6, v22;
	v58 =	vmax.f32 v15, v9;
	v29 =	vsub.f32 v63, v56;
	v21 =	vmax.f32 v61, $0.0e+00  }
0x1dd: {  	[tilespmem:v45+s12+$0x0] =	vst.idx.msk vm7, v13;
	vm13 =	vle.f32 v62, $4.499999880e-01;
	vm14 =	vle.f32 v27, $4.499999880e-01;
	v57 =	vadd.f32 v21, v7  }
0x1de: {  	[tilespmem:v45+s13+$0x0] =	vst.idx.msk vm7, v10;
	v27 =	vmin.f32 v16, v11;
	v61 =	vmax.f32 v17, v6;
	v22 =	vmax.f32 v29, $0.0e+00  }
0x1df: {  	v10 =	vld [tilespmem:s22+$0x70];
	v56 =	vmax.f32 v17, v9;
	v21 =	vadd.f32 v21, v12;
	v20 =	vsub.f32 v57, v22;
	v13 =	vpop (erf)  }
0x1e0: {  	v60 =	vmin.f32 v18, v5;
	v59 =	vmul.f32 v13, v55;
	v13 =	vsub.f32 v27, v58  }
0x1e1: {  	v29 =	vsub.f32 v60, v61;
	v27 =	vsub.f32 v18, v17;
	v20 =	vmax.f32 v20, $9.999999960e-13  }
0x1e2: {  	[tilespmem:v42+s11+$0x0] =	vst.idx.msk vm8, v34;
	vm5 =	vmand vm13, vm14;
	(erf) = vrcp.f32 v20;
	v45 =	vmax.f32 v13, $0.0e+00;
	v13 =	vld [tilespmem:s21+$0x70]  }
0x1e3: {  	[tilespmem:v42+s12+$0x0] =	vst.idx.msk vm8, v8;
	v8 =	vmax.f32 v29, $0.0e+00;
	v27 =	vmax.f32 v27, $0.0e+00;
	v21 =	vsub.f32 v21, v45  }
0x1e4: {  	[tilespmem:v42+s13+$0x0] =	vst.idx.msk vm8, v14;
	vm15 =	vle.f32 v59, $4.499999880e-01;
	v59 =	vmax.f32 v10, v6;
	v62 =	vpop (erf);
	v63 =	vadd.f32 v27, v7  }
0x1e5: {  	[tilespmem:v49+s11+$0x0] =	vst.idx.msk vm9, v41;
	v58 =	vadd.f32 v27, v12;
	v3 =	vmul.f32 v62, v3;
	v14 =	vmax.f32 v21, $9.999999960e-13  }
0x1e6: {  	[tilespmem:v49+s12+$0x0] =	vst.idx.msk vm9, v28;
	v55 =	vsub.f32 v63, v8;
	(erf) = vrcp.f32 v14;
	v14 =	vmin.f32 v18, v11  }
0x1e7: {  	v62 =	vmax.f32 v10, v9;
	v14 =	vsub.f32 v14, v56;
	v27 =	vsub.f32 v13, v10  }
0x1e8: {  	[tilespmem:v49+s13+$0x0] =	vst.idx.msk vm9, v26;
	v57 =	vld [tilespmem:s23+$0x30];
	v20 =	vmax.f32 v55, $9.999999960e-13;
	v26 =	vmin.f32 v13, v5;
	v61 =	vmin.f32 v13, v11  }
0x1e9: {  	v26 =	vsub.f32 v26, v59;
	v14 =	vmax.f32 v14, $0.0e+00;
	v27 =	vmax.f32 v27, $0.0e+00  }
0x1ea: {  	[tilespmem:v53+s11+$0x0] =	vst.idx.msk vm10, v46;
	(erf) = vrcp.f32 v20;
	v20 =	vsub.f32 v58, v14;
	v60 =	vadd.f32 v27, v7  }
0x1eb: {  	[tilespmem:v53+s12+$0x0] =	vst.idx.msk vm10, v32;
	vm14 =	vgt.f32 v33, v4;
	v29 =	vsub.f32 v61, v62;
	v26 =	vmax.f32 v26, $0.0e+00  }
0x1ec: {  	(xrf0) =	vadd.scan.msk.s32 vm3, v0;
	v63 =	vld [tilespmem:s23+$0x40];
	v27 =	vadd.f32 v27, v12;
	v20 =	vmax.f32 v20, $9.999999960e-13;
	v28 =	vsub.f32 v60, v26  }
0x1ed: {  	[tilespmem:v53+s13+$0x0] =	vst.idx.msk vm10, v31;
	vm9 =	vgt.f32 v57, $-9.999999930e+36;
	v29 =	vmax.f32 v29, $0.0e+00;
	(erf) = vrcp.f32 v20  }
0x1ee: {  	[tilespmem:v52+s11+$0x0] =	vst.idx.msk vm11, v50;
	vm5 =	vmand vm5, vm9;
	v27 =	vsub.f32 v27, v29;
	v28 =	vmax.f32 v28, $9.999999960e-13  }
0x1ef: {  	v4 =	vsel vm14, v33, v4;
	(xrf0) =	vadd.scan.msk.s32 vm5, v0;
	v41 =	vnsel vm5, $0xFF800000, v57;
	(erf) = vrcp.f32 v28  }
0x1f0: {  	[tilespmem:v52+s12+$0x0] =	vst.idx.msk vm11, v35;
	vm10 =	vle.f32 v3, $4.499999880e-01;
	v3 =	vmpcnt.ones.xlane vm3;
	v35 =	vpop (erf);
	v27 =	vmax.f32 v27, $9.999999960e-13  }
0x1f1: {  	[tilespmem:v52+s13+$0x0] =	vst.idx.msk vm11, v36;
	vm6 =	vmand vm15, vm10;
	vm13 =	vgt.f32 v63, $-9.999999930e+36;
	v37 =	vpop (erf);
	(erf) = vrcp.f32 v27  }
0x1f2: {  	v36 =	vld [tilespmem:s23+$0x50];
	[tilespmem:v25+s11+$0x0] =	vst.idx.msk vm12, v54;
	v34, _, _ =	vpop (xrf0);
	v42 =	vmpcnt.ones.xlane vm5;
	vm8 =	vgt.f32 v41, v1;
	vm6 =	vmand vm6, vm13  }
0x1f3: {  	v3 =	vadd.s32 v19, v3;
	v22 =	vmul.f32 v35, v22;
	(xrf0) =	vadd.scan.msk.s32 vm6, v0;
	v20 =	vadd.s32 v19, v34;
	v38 =	vpop (erf)  }
0x1f4: {  	v27 =	vsel vm4, v24, v20;
	v28 =	vmul.f32 v37, v45;
	v8 =	vmul.f32 v38, v8  }
0x1f5: {  	[tilespmem:v25+s12+$0x0] =	vst.idx.msk vm12, v40;
	v40, _, _ =	vpop (xrf0);
	v50 =	vnsel vm6, $0xFF800000, v63;
	vm15 =	vle.f32 v22, $4.499999880e-01;
	v2 =	vsel vm14, v27, v2;
	v27 =	vld [tilespmem:s23+$0x60]  }
0x1f6: {  	[tilespmem:v25+s13+$0x0] =	vst.idx.msk vm12, v39;
	v19 =	vadd.s32 v3, v40;
	v3 =	vadd.s32 v3, v42;
	vm13 =	vle.f32 v28, $4.499999880e-01;
	v25 =	vpop (erf)  }
0x1f7: {  	vm14 =	vgt.f32 v36, $-9.999999930e+36;
	vm7 =	vmand vm15, vm13;
	v14 =	vmul.f32 v25, v14  }
0x1f8: {  	v24 =	vsel vm4, v20, v24;
	[tilespmem:v20+s11+$0x0] =	vst.idx.msk vm3, v30;
	vm7 =	vmand vm7, vm14;
	vm15 =	vle.f32 v8, $4.499999880e-01;
	v8 =	vpop (erf)  }
0x1f9: {  	v45, _, _ =	vpop (xrf0);
	[tilespmem:v20+s12+$0x0] =	vst.idx.msk vm3, v43;
	(xrf0) =	vadd.scan.msk.s32 vm7, v0;
	vm11 =	vle.f32 v14, $4.499999880e-01;
	v14 =	vld [tilespmem:s23+$0x70];
	v8 =	vmul.f32 v8, v26  }
0x1fa: {  	v22 =	vadd.s32 v3, v45;
	[tilespmem:v20+s13+$0x0] =	vst.idx.msk vm3, v44;
	vm12 =	vgt.f32 v27, $-9.999999930e+36;
	v46 =	vpop (erf);
	vm3 =	vmand vm15, vm11  }
0x1fb: {  	[tilespmem:v19+s11+$0x0] =	vst.idx.msk vm5, v57;
	v20 =	vmul.f32 v46, v29;
	vm14 =	vle.f32 v8, $4.499999880e-01;
	v8 =	vmpcnt.ones.xlane vm6  }
0x1fc: {  	v49 =	vsel vm8, v24, v19;
	v24 =	vsel vm8, v19, v24;
	[tilespmem:v19+s12+$0x0] =	vst.idx.msk vm5, v47;
	vm3 =	vmand vm3, vm12  }
0x1fd: {  	v57 =	vnsel vm7, $0xFF800000, v36;
	v25 =	vsel vm8, v1, v41;
	(xrf0) =	vadd.scan.msk.s32 vm3, v0;
	vm15 =	vle.f32 v20, $4.499999880e-01  }
0x1fe: {  	[tilespmem:v19+s13+$0x0] =	vst.idx.msk vm5, v48;
	v1 =	vsel vm8, v41, v1;
	vm4 =	vmand vm14, vm15;
	vm10 =	vgt.f32 v14, $-9.999999930e+36  }
0x1ff: {  	vm13 =	vgt.f32 v25, v4;
	[tilespmem:v22+s11+$0x0] =	vst.idx.msk vm6, v63;
	v3 =	vadd.s32 v3, v8;
	v8, _, _ =	vpop (xrf0);
	vm4 =	vmand vm4, vm10  }
0x200: {  	v4 =	vsel vm13, v25, v4;
	vm11 =	vgt.f32 v50, v1;
	v8 =	vadd.s32 v3, v8;
	(xrf0) =	vadd.scan.msk.s32 vm4, v0  }
0x201: {  	[tilespmem:v22+s12+$0x0] =	vst.idx.msk vm6, v51;
	v51 =	vmpcnt.ones.xlane vm7;
	v2 =	vsel vm13, v49, v2;
	v52 =	vsel vm11, v1, v50  }
0x202: {  	v1 =	vsel vm11, v50, v1;
	v54 =	vsel vm11, v24, v22;
	v55 =	vsel vm11, v22, v24  }
0x203: {  	[tilespmem:v22+s13+$0x0] =	vst.idx.msk vm6, v23;
	vm12 =	vgt.f32 v52, v4;
	v58 =	vmpcnt.ones.xlane vm3;
	v3 =	vadd.s32 v3, v51;
	v53, _, _ =	vpop (xrf0)  }
0x204: {  	vm13 =	vgt.f32 v57, v1;
	v4 =	vsel vm12, v52, v4;
	v56 =	vadd.s32 v3, v53  }
0x205: {  	v2 =	vsel vm12, v54, v2;
	v60 =	vsel vm13, v55, v8;
	[tilespmem:v8+s11+$0x0] =	vst.idx.msk vm7, v36  }
0x206: {  	v3 =	vadd.s32 v3, v58;
	[tilespmem:v8+s12+$0x0] =	vst.idx.msk vm7, v15;
	v15 =	vsel vm13, v1, v57;
	v59, _, _ =	vpop (xrf0)  }
0x207: {  	v61 =	vnsel vm3, $0xFF800000, v27;
	v1 =	vsel vm13, v57, v1;
	[tilespmem:v8+s13+$0x0] =	vst.idx.msk vm7, v16;
	v16 =	vadd.s32 v3, v59  }
0x208: {  	v8 =	vsel vm13, v8, v55;
	vm14 =	vgt.f32 v15, v4;
	vm15 =	vgt.f32 v61, v1  }
0x209: {  	[tilespmem:v56+s11+$0x0] =	vst.idx.msk vm3, v27;
	v4 =	vsel vm14, v15, v4;
	v2 =	vsel vm14, v60, v2  }
0x20a: {  	s20 =	sadd.s32 $0x10, s20;
	v15 =	vsel vm15, v1, v61;
	v1 =	vsel vm15, v61, v1;
	[tilespmem:v56+s12+$0x0] =	vst.idx.msk vm3, v17  }
0x20b: {  	p0 =	slt.s32 s20, s19;
	v62 =	vsel vm15, v8, v56;
	[tilespmem:v56+s13+$0x0] =	vst.idx.msk vm3, v18;
	vm3 =	vgt.f32 v15, v4  }
.Ltmp11:
0x20c: {  	v8 =	vsel vm15, v56, v8;
	v4 =	vsel vm3, v15, v4;
	[tilespmem:v16+s11+$0x0] =	vst.idx.msk vm4, v14;
	v14 =	vnsel vm4, $0xFF800000, v14;
	(pc) =	sbr.rel @p0 .LBB2_34-.Ltmp11, $4  }
0x20d: {  	v2 =	vsel vm3, v62, v2;
	[tilespmem:v16+s12+$0x0] =	vst.idx.msk vm4, v10;
	vm3 =	vgt.f32 v14, v1  }
0x20e: {  	v63 =	vmpcnt.ones.xlane vm4;
	[tilespmem:v16+s13+$0x0] =	vst.idx.msk vm4, v13;
	v10 =	vsel vm3, v1, v14;
	v15 =	vsel vm3, v8, v16  }
0x20f: {  	v13 =	vsel vm3, v14, v1;
	v14 =	vsel vm3, v16, v8;
	vm3 =	vgt.f32 v10, v4  }
0x210: {  	s22 =	sadd.s32 $0x100, s22;
	s21 =	sadd.s32 $0x100, s21;
	s23 =	sadd.s32 $0x100, s23;
	v26 =	vadd.s32 v3, v63;
	v10 =	vsel vm3, v10, v4;
	v8 =	vsel vm3, v15, v2  }
.Ltmp12:
0x211: {  	_ = 	snop;
	(pc) =	sbr.rel .LBB2_31-.Ltmp12, $1  }
0x212: {  	_ =	sdelay $0x3  }
.LBB2_7:
0x213: {  	p0 =	sgt.f32 s19, $0.0e+00  }
.Ltmp13:
0x214: {  	_ = 	snop;
	(pc) =	sbr.rel @!p0 .LBB2_26-.Ltmp13, $1  }
0x215: {  	_ =	sdelay $0x3  }
0x216: {  	v7 =	vbroadcast v5, $0xF;
	_ =	sdelay $0x1  }
0x217: {  	v5 =	vxor.u32 $0x80000000, v14;
	vm3 =	veq.f32 v13, v7  }
0x218: {  	v5 =	vnsel vm3, $0xFFFFFFFF, v5  }
0x219: {  	(xrf0) =	vmin.scan.msk.u32 $0xffff, v5;
	_ =	sdelay $0x5  }
0x21a: {  	v5, _, _ =	vpop (xrf0)  }
0x21b: {  	(v2sf) =	vpush v5, $0xF;
	_ =	sdelay $0xe  }
0x21c: {  	s19 =	spop (v2sf)  }
0x21d: {  	s19 =	sxor.u32 $0x80000000, s19  }
0x21e: {  	vm3 =	veq.s32 v14, s19  }
0x21f: {  	v5 =	vsel vm3, v10, v13  }
0x220: {  	(xrf0) =	vmax.scan.msk.f32 $0xffff, v5;
	_ =	sdelay $0x5  }
0x221: {  	v6, _, _ =	vpop (xrf0)  }
0x222: {  	v10 =	vbroadcast v6, $0xF  }
0x223: {  	v8 =	vsel vm3, v8, v14  }
0x224: {  	vm3 =	veq.f32 v5, v10;
	v5 =	vxor.u32 $0x80000000, v8  }
0x225: {  	v5 =	vnsel vm3, $0xFFFFFFFF, v5  }
0x226: {  	(xrf0) =	vmin.scan.msk.u32 $0xffff, v5;
	_ =	sdelay $0x5  }
0x227: {  	(v2sf) =	vpush v6, $0xF;
	v5, _, _ =	vpop (xrf0)  }
0x228: {  	(v2sf) =	vpush v5, $0xF;
	_ =	sdelay $0x8  }
0x229: {  	v8 =	vmov s19;
	_ =	sdelay $0x4  }
0x22a: {  	v5 =	vld.idx.msk [tilespmem:v8+s13+$0x0], $0xffff;
	s20 =	spop (v2sf)  }
0x22b: {  	s19 =	sshll.u32 s17, $0x4;
	v6 =	vld.idx.msk [tilespmem:v8+s12+$0x0], $0xffff;
	s21 =	spop (v2sf)  }
0x22c: {  	v9 =	vor.u32 s19, v56;
	s21 =	sxor.u32 $0x80000000, s21  }
0x22d: {  	v13 =	vmov s21  }
0x22e: {  	v7 =	vnsel vm0, $0x0, v7  }
0x22f: {  	vm3 =	vmmov $0x1;
	v7 =	vsel vm1, v7, v5  }
0x230: {  	v7 =	vsel vm3, v6, v7  }
0x231: {  	[tilespmem:v9+s14+$0x0] =	vst.idx.msk $0xffff, v7  }
0x232: {  	v9 =	vld.idx.msk [tilespmem:v13+s12+$0x0], $0xffff  }
0x233: {  	v11 =	vld.idx.msk [tilespmem:v13+s13+$0x0], $0xffff;
	_ =	sdelay $0x4  }
0x234: {  	v7 =	vsub.f32 v5, v6;
	v12 =	vsub.f32 v11, v9  }
0x235: {  	v14 =	vmin.f32 v11, v5;
	v15 =	vmax.f32 v9, v6  }
0x236: {  	v7 =	vmax.f32 v7, $0.0e+00;
	v14 =	vsub.f32 v14, v15;
	v12 =	vmax.f32 v12, $0.0e+00  }
0x237: {  	v15 =	vadd.f32 v12, v7  }
0x238: {  	v14 =	vmax.f32 v14, $0.0e+00  }
0x239: {  	v15 =	vsub.f32 v15, v14;
	_ =	sdelay $0x1  }
0x23a: {  	v15 =	vmax.f32 v15, $9.999999960e-13  }
0x23b: {  	(erf) = vrcp.f32 v15;
	_ =	sdelay $0x8  }
0x23c: {  	v15 =	vpop (erf)  }
0x23d: {  	v14 =	vmul.f32 v15, v14;
	_ =	sdelay $0x1  }
0x23e: {  	v1 =	vimm.s32 $0x0;
	vm4 =	vle.f32 v14, $4.499999880e-01  }
0x23f: {  	v14 =	vsel vm4, $0x1, v1  }
0x240: {  	v14 =	vor.u32 $0x80000000, v14  }
0x241: {  	(xrf0) =	vmax.scan.msk.u32 $0xffff, v14;
	_ =	sdelay $0x5  }
0x242: {  	v14, _, _ =	vpop (xrf0)  }
0x243: {  	(v2sf) =	vpush v14, $0xF;
	_ =	sdelay $0xd  }
0x244: {  	p0 =	sgt.f32 s20, $0.0e+00  }
0x245: {  	s20 =	spop (v2sf)  }
0x246: {  	p1 =	slt.u32 @p0 s20, $0x80000001  }
0x247: {  	p0 =	por !p0, p1  }
.Ltmp14:
0x248: {  	_ = 	snop;
	(pc) =	sbr.rel @p0 .LBB2_18-.Ltmp14, $2  }
0x249: {  	_ =	sdelay $0x2  }
0x24a: {  	s18 =	sadd.s32 $0xF, s18  }
0x24b: {  	s20 =	sand.u32 $0xF, s18  }
0x24c: {  	s29 =	sshra.s32 s18, $0x1F;
	p1 =	slt.s32 s18, $0x1;
	p0 =	sne.s32 s20, $0x0  }
0x24d: {  	s20 =	sshrl.u32 s29, $0x1C;
	p0 =	por !p1, !p0  }
0x24e: {  	s30 =	sadd.s32 s20, s18;
	s20 =	simm.s32 $0x1;
	p0 =	por !p0, !p0  }
0x24f: {  	s18 =	sshra.s32 s30, $0x4;
	s20 =	simm.s32 @!p0 $0x0  }
0x250: {  	s18 =	ssub.s32 s18, s20  }
0x251: {  	s19 =	sadd.s32 $0x10, s19;
	s31 =	sshrl.u32 s18, $0x1C  }
0x252: {  	v14 =	vor.u32 s19, v56;
	s19 =	sadd.s32 s31, s18  }
0x253: {  	s19 =	sand.u32 $0xFFFFFFF0, s19  }
0x254: {  	v8 =	vsel vm3, v8, v13;
	p0 =	slt.s32 s19, $0x1  }
.Ltmp15:
0x255: {  	v10 =	vsel vm2, $0x0, v10;
	(pc) =	sbr.rel @p0 .LBB2_10-.Ltmp15, $4  }
0x256: {  	v10 =	vsel vm1, v10, v11  }
0x257: {  	v10 =	vsel vm3, v9, v10  }
0x258: {  	v13 =	vimm.f32 $-Inf;
	[tilespmem:v14+s14+$0x0] =	vst.idx.msk $0xffff, v10  }
0x259: {  	[tilespmem:v8+s11+$0x0] =	vst.idx.msk $0x3, v13  }
0x25a: {  	s20 =	simm.s32 $0x0;
	v26 =	vimm.s32 $0xFFFFFFFF;
	v10 =	vimm.f32 $-Inf  }
0x25b: {  	v8 =	vimm.s32 $0x0;
	s21 =	simm.s32 $0x18900;
	s22 =	simm.s32 $0x13A80;
	s23 =	simm.s32 $0xEC00;
	v14 =	vimm.s32 $0x0;
	v13 =	vimm.f32 $-Inf  }
.LBB2_14:
0x25c: {  	v17 =	vld [tilespmem:s22+$0xFFFFFF80]  }
0x25d: {  	v15 =	vld [tilespmem:s21+$0xFFFFFF80];
	_ =	sdelay $0x4  }
0x25e: {  	v16 =	vsub.f32 v15, v17  }
0x25f: {  	v18 =	vmin.f32 v15, v5;
	v19 =	vmax.f32 v17, v6;
	v54 =	vmin.f32 v15, v11  }
0x260: {  	v20 =	vmax.f32 v17, v9;
	v18 =	vsub.f32 v18, v19;
	v16 =	vmax.f32 v16, $0.0e+00  }
0x261: {  	v19 =	vsub.f32 v54, v20;
	v21 =	vadd.f32 v16, v7  }
0x262: {  	v55 =	vmax.f32 v18, $0.0e+00;
	v16 =	vadd.f32 v16, v12  }
0x263: {  	v19 =	vmax.f32 v19, $0.0e+00;
	v18 =	vsub.f32 v21, v55  }
0x264: {  	v16 =	vsub.f32 v16, v19  }
0x265: {  	v18 =	vmax.f32 v18, $9.999999960e-13  }
0x266: {  	v16 =	vmax.f32 v16, $9.999999960e-13;
	(erf) = vrcp.f32 v18;
	v18 =	vld [tilespmem:s22+$0xFFFFFF90]  }
0x267: {  	(erf) = vrcp.f32 v16;
	v16 =	vld [tilespmem:s21+$0xFFFFFF90];
	_ =	sdelay $0x4  }
0x268: {  	v56 =	vsub.f32 v16, v18  }
0x269: {  	v23 =	vmax.f32 v18, v6;
	v28 =	vmax.f32 v18, v9;
	v22 =	vmin.f32 v16, v5  }
0x26a: {  	v27 =	vmin.f32 v16, v11;
	v22 =	vsub.f32 v22, v23;
	v21 =	vmax.f32 v56, $0.0e+00  }
0x26b: {  	v27 =	vsub.f32 v27, v28;
	v24 =	vpop (erf);
	v25 =	vadd.f32 v21, v7  }
0x26c: {  	v22 =	vmax.f32 v22, $0.0e+00;
	v21 =	vadd.f32 v21, v12;
	v20 =	vmul.f32 v24, v55;
	v24 =	vpop (erf)  }
0x26d: {  	v23 =	vld [tilespmem:s23+$0xFFFFFF80];
	v27 =	vmax.f32 v27, $0.0e+00;
	v19 =	vmul.f32 v24, v19;
	v24 =	vsub.f32 v25, v22  }
0x26e: {  	v58 =	vsub.f32 v21, v27  }
0x26f: {  	v57 =	vmax.f32 v24, $9.999999960e-13  }
0x270: {  	v21 =	vld [tilespmem:s22+$0xFFFFFFB0];
	v59 =	vmax.f32 v58, $9.999999960e-13;
	(erf) = vrcp.f32 v57  }
0x271: {  	vm3 =	vle.f32 v20, $4.499999880e-01;
	v20 =	vld [tilespmem:s22+$0xFFFFFFA0];
	vm4 =	vle.f32 v19, $4.499999880e-01;
	(erf) = vrcp.f32 v59  }
0x272: {  	vm5 =	vgt.f32 v23, $-9.999999930e+36;
	v19 =	vld [tilespmem:s21+$0xFFFFFFA0];
	vm3 =	vmand vm3, vm4  }
0x273: {  	v24 =	vld [tilespmem:s23+$0xFFFFFF90];
	vm3 =	vmand vm3, vm5  }
0x274: {  	v61 =	vnsel vm3, $0xFF800000, v23  }
0x275: {  	(xrf0) =	vadd.scan.msk.s32 vm3, v0;
	v35 =	vmax.f32 v21, v6;
	v46 =	vmax.f32 v21, v9;
	v47 =	vmpcnt.ones.xlane vm3  }
0x276: {  	vm15 =	vgt.f32 v61, v13;
	v31 =	vmax.f32 v20, v6;
	v34 =	vmax.f32 v20, v9  }
0x277: {  	v29 =	vsub.f32 v19, v20;
	v63 =	vmin.f32 v19, v5;
	v32 =	vsel vm15, v13, v61  }
0x278: {  	v37 =	vmin.f32 v19, v11;
	vm7 =	vgt.f32 v24, $-9.999999930e+36;
	v28 =	vsel vm15, v61, v13  }
0x279: {  	v31 =	vsub.f32 v63, v31;
	v38 =	vsub.f32 v37, v34;
	vm10 =	vgt.f32 v32, v10;
	v62 =	vpop (erf)  }
0x27a: {  	v29 =	vmax.f32 v29, $0.0e+00;
	v32 =	vsel vm10, v32, v10;
	v30 =	vmul.f32 v62, v22;
	v33 =	vpop (erf);
	v22 =	vld [tilespmem:s21+$0xFFFFFFB0]  }
0x27b: {  	v36 =	vadd.f32 v29, v7;
	v31 =	vmax.f32 v31, $0.0e+00;
	v60, _, _ =	vpop (xrf0);
	v27 =	vmul.f32 v33, v27  }
0x27c: {  	v29 =	vadd.f32 v29, v12;
	v25 =	vadd.s32 v26, v60;
	v26 =	vadd.s32 v26, v47  }
0x27d: {  	v33 =	vmax.f32 v38, $0.0e+00;
	vm6 =	vle.f32 v27, $4.499999880e-01;
	v27 =	vsub.f32 v36, v31  }
0x27e: {  	v43 =	vsel vm15, v14, v25;
	vm9 =	vle.f32 v30, $4.499999880e-01;
	v29 =	vsub.f32 v29, v33  }
0x27f: {  	v10 =	vld [tilespmem:s21+$0xFFFFFFC0];
	vm4 =	vmand vm9, vm6;
	v27 =	vmax.f32 v27, $9.999999960e-13;
	v39 =	vsub.f32 v22, v21  }
0x280: {  	v29 =	vmax.f32 v29, $9.999999960e-13;
	v40 =	vmin.f32 v22, v5;
	(erf) = vrcp.f32 v27  }
0x281: {  	vm4 =	vmand vm4, vm7;
	v41 =	vsub.f32 v40, v35;
	v27 =	vmax.f32 v39, $0.0e+00  }
0x282: {  	v45 =	vmin.f32 v22, v11;
	(xrf0) =	vadd.scan.msk.s32 vm4, v0;
	(erf) = vrcp.f32 v29;
	v42 =	vadd.f32 v27, v7  }
0x283: {  	v14 =	vsel vm15, v25, v14;
	v13 =	vsub.f32 v45, v46;
	v36 =	vmax.f32 v41, $0.0e+00  }
0x284: {  	v49 =	vmin.f32 v10, v5;
	v27 =	vadd.f32 v27, v12;
	v44 =	vsub.f32 v42, v36  }
0x285: {  	v48 =	vnsel vm4, $0xFF800000, v24;
	v35 =	vsel vm10, v43, v8;
	v34 =	vmax.f32 v13, $0.0e+00;
	v13 =	vld [tilespmem:s22+$0xFFFFFFC0]  }
0x286: {  	vm11 =	vgt.f32 v48, v28;
	v37 =	vsub.f32 v27, v34;
	v29 =	vmax.f32 v44, $9.999999960e-13  }
0x287: {  	v46 =	vmpcnt.ones.xlane vm4;
	v38 =	vsel vm11, v28, v48;
	v27 =	vld [tilespmem:s23+$0xFFFFFFA0];
	(erf) = vrcp.f32 v29  }
0x288: {  	vm7 =	vgt.f32 v38, v32;
	v42 =	vmin.f32 v10, v11;
	v8, _, _ =	vpop (xrf0);
	v37 =	vmax.f32 v37, $9.999999960e-13  }
0x289: {  	v32 =	vsel vm7, v38, v32;
	v30 =	vadd.s32 v26, v8;
	(erf) = vrcp.f32 v37;
	v8 =	vpop (erf)  }
0x28a: {  	v29 =	vld [tilespmem:s23+$0xFFFFFFB0];
	v50 =	vmax.f32 v13, v6;
	v43 =	vmax.f32 v13, v9;
	v8 =	vmul.f32 v8, v31  }
0x28b: {  	v39 =	vsel vm11, v14, v30;
	v40 =	vsel vm11, v30, v14;
	v53 =	vsub.f32 v42, v43;
	v14 =	vpop (erf)  }
0x28c: {  	vm13 =	vgt.f32 v27, $-9.999999930e+36;
	vm12 =	vle.f32 v8, $4.499999880e-01;
	v8 =	vmul.f32 v14, v33  }
0x28d: {  	v35 =	vsel vm7, v39, v35;
	v31 =	vsel vm11, v48, v28;
	v14 =	vsub.f32 v10, v13  }
0x28e: {  	v28 =	vsub.f32 v49, v50;
	v42 =	vmax.f32 v53, $0.0e+00;
	vm8 =	vle.f32 v8, $4.499999880e-01;
	v8 =	vld [tilespmem:s22+$0xFFFFFFD0]  }
0x28f: {  	v49 =	vadd.s32 v26, v46;
	vm15 =	vgt.f32 v29, $-9.999999930e+36;
	v51 =	vmax.f32 v14, $0.0e+00;
	v14 =	vld [tilespmem:s21+$0xFFFFFFD0]  }
0x290: {  	v41 =	vadd.f32 v51, v7;
	vm5 =	vmand vm12, vm8;
	v37 =	vadd.f32 v51, v12;
	v52 =	vpop (erf)  }
0x291: {  	vm5 =	vmand vm5, vm13;
	v33 =	vmul.f32 v52, v36;
	v36 =	vmax.f32 v28, $0.0e+00  }
0x292: {  	v54 =	vpop (erf);
	v37 =	vsub.f32 v37, v42;
	v48 =	vnsel vm5, $0xFF800000, v27;
	v41 =	vsub.f32 v41, v36  }
0x293: {  	v28 =	vmul.f32 v54, v34;
	vm12 =	vgt.f32 v48, v31;
	vm14 =	vle.f32 v33, $4.499999880e-01  }
0x294: {  	v56 =	vsub.f32 v14, v8;
	v57 =	vmax.f32 v37, $9.999999960e-13;
	v58 =	vmin.f32 v14, v5  }
0x295: {  	(xrf0) =	vadd.scan.msk.s32 vm5, v0;
	v59 =	vmax.f32 v8, v6;
	v62 =	vmin.f32 v14, v11;
	v63 =	vmax.f32 v8, v9  }
0x296: {  	v51 =	vsel vm12, v31, v48;
	v31 =	vsel vm12, v48, v31;
	v55 =	vmax.f32 v41, $9.999999960e-13  }
0x297: {  	v60 =	vsub.f32 v58, v59;
	vm9 =	vle.f32 v28, $4.499999880e-01;
	v45 =	vsub.f32 v62, v63  }
0x298: {  	vm13 =	vgt.f32 v51, v32;
	(erf) = vrcp.f32 v55;
	v33 =	vmax.f32 v56, $0.0e+00  }
0x299: {  	vm6 =	vmand vm14, vm9;
	v61 =	vadd.f32 v33, v7;
	v33 =	vadd.f32 v33, v12  }
0x29a: {  	v28 =	vld [tilespmem:s22+$0xFFFFFFE0];
	(erf) = vrcp.f32 v57;
	vm6 =	vmand vm6, vm15;
	v41 =	vmax.f32 v45, $0.0e+00  }
0x29b: {  	v44 =	vmax.f32 v60, $0.0e+00;
	v45 =	vmpcnt.ones.xlane vm5;
	(xrf0) =	vadd.scan.msk.s32 vm6, v0;
	v26, _, _ =	vpop (xrf0);
	v47 =	vsub.f32 v33, v41;
	v33 =	vld [tilespmem:s23+$0xFFFFFFC0]  }
0x29c: {  	v39 =	vsel vm13, v51, v32;
	v34 =	vsub.f32 v61, v44;
	v37 =	vadd.s32 v49, v26;
	v26 =	vld [tilespmem:s21+$0xFFFFFFE0]  }
0x29d: {  	v55 =	vnsel vm6, $0xFF800000, v29;
	v51 =	vmpcnt.ones.xlane vm6;
	v45 =	vadd.s32 v49, v45  }
0x29e: {  	vm9 =	vgt.f32 v55, v31;
	v52 =	vsel vm12, v40, v37;
	v34 =	vmax.f32 v34, $9.999999960e-13  }
0x29f: {  	v40 =	vsel vm12, v37, v40;
	v50 =	vmax.f32 v47, $9.999999960e-13;
	(erf) = vrcp.f32 v34  }
0x2a0: {  	v59 =	vmax.f32 v28, v6;
	v48 =	vmax.f32 v28, v9;
	v34 =	vld [tilespmem:s23+$0xFFFFFFD0];
	(erf) = vrcp.f32 v50  }
0x2a1: {  	v35 =	vsel vm13, v52, v35;
	v54, _, _ =	vpop (xrf0);
	vm10 =	vgt.f32 v33, $-9.999999930e+36;
	v56 =	vsub.f32 v26, v28  }
0x2a2: {  	v58 =	vmin.f32 v26, v5;
	v47 =	vmin.f32 v26, v11;
	v46 =	vpop (erf);
	v38 =	vadd.s32 v45, v54  }
0x2a3: {  	v43 =	vsub.f32 v58, v59;
	v62 =	vsub.f32 v47, v48;
	v48 =	vsel vm9, v31, v55;
	v53 =	vpop (erf)  }
0x2a4: {  	v36 =	vmul.f32 v46, v36;
	v49 =	vsel vm9, v40, v38;
	v32 =	vmul.f32 v53, v42  }
0x2a5: {  	v40 =	vsel vm9, v38, v40;
	v43 =	vmax.f32 v43, $0.0e+00;
	vm13 =	vgt.f32 v34, $-9.999999930e+36  }
0x2a6: {  	v42 =	vsel vm9, v55, v31;
	vm14 =	vle.f32 v36, $4.499999880e-01;
	vm15 =	vle.f32 v32, $4.499999880e-01  }
0x2a7: {  	v53 =	vadd.s32 v45, v51;
	v32 =	vmax.f32 v56, $0.0e+00;
	vm7 =	vmand vm14, vm15  }
0x2a8: {  	v61 =	vadd.f32 v32, v7;
	v32 =	vadd.f32 v32, v12;
	vm14 =	vgt.f32 v48, v39;
	v57 =	vpop (erf)  }
0x2a9: {  	vm7 =	vmand vm7, vm10;
	v39 =	vsel vm14, v48, v39;
	v36 =	vmul.f32 v57, v44;
	v60 =	vpop (erf)  }
0x2aa: {  	v63 =	vsub.f32 v61, v43;
	(xrf0) =	vadd.scan.msk.s32 vm7, v0;
	v44 =	vmax.f32 v62, $0.0e+00;
	v41 =	vmul.f32 v60, v41  }
0x2ab: {  	v31 =	vld [tilespmem:s21+$0xFFFFFFF0];
	v52 =	vnsel vm7, $0xFF800000, v33;
	v56 =	vmpcnt.ones.xlane vm7;
	v32 =	vsub.f32 v32, v44  }
0x2ac: {  	vm12 =	vle.f32 v36, $4.499999880e-01;
	v36 =	vmax.f32 v63, $9.999999960e-13;
	vm11 =	vle.f32 v41, $4.499999880e-01  }
0x2ad: {  	(erf) = vrcp.f32 v36;
	v50 =	vmax.f32 v32, $9.999999960e-13;
	vm8 =	vmand vm12, vm11  }
0x2ae: {  	vm15 =	vgt.f32 v52, v42;
	v32 =	vld [tilespmem:s22+$0xFFFFFFF0];
	(erf) = vrcp.f32 v50;
	vm8 =	vmand vm8, vm13  }
0x2af: {  	v35 =	vsel vm14, v49, v35;
	v55 =	vsel vm15, v42, v52;
	v49 =	vsel vm15, v52, v42;
	v41 =	vld [tilespmem:s23+$0xFFFFFFE0];
	(xrf0) =	vadd.scan.msk.s32 vm8, v0  }
0x2b0: {  	v47 =	vadd.s32 v53, v56;
	v36 =	vld [tilespmem:s21+$0x0];
	vm12 =	vgt.f32 v55, v39;
	v50 =	vmin.f32 v31, v5;
	v54, _, _ =	vpop (xrf0)  }
0x2b1: {  	v39 =	vsel vm12, v55, v39;
	v46 =	vnsel vm8, $0xFF800000, v34;
	v45 =	vadd.s32 v53, v54  }
0x2b2: {  	v54 =	vmin.f32 v31, v11;
	v57 =	vsel vm15, v40, v45;
	v40 =	vsel vm15, v45, v40  }
0x2b3: {  	v59 =	vsub.f32 v31, v32;
	v51 =	vmax.f32 v32, v6;
	v48 =	vsel vm12, v57, v35;
	v35 =	vld [tilespmem:s22+$0x0]  }
0x2b4: {  	v55 =	vmax.f32 v32, v9;
	vm14 =	vgt.f32 v41, $-9.999999930e+36;
	v50 =	vsub.f32 v50, v51  }
0x2b5: {  	v62 =	vsub.f32 v54, v55;
	v57 =	vmin.f32 v36, v5;
	v52 =	vmax.f32 v59, $0.0e+00;
	v58, _, _ =	vpop (xrf0)  }
0x2b6: {  	vm12 =	vgt.f32 v46, v49;
	v53 =	vadd.f32 v52, v7;
	v50 =	vmax.f32 v50, $0.0e+00;
	v60 =	vpop (erf)  }
0x2b7: {  	v52 =	vadd.f32 v52, v12;
	v42 =	vadd.s32 v47, v58;
	v43 =	vmul.f32 v60, v43;
	v61 =	vpop (erf)  }
0x2b8: {  	v63 =	vsub.f32 v53, v50;
	v44 =	vmul.f32 v61, v44;
	v56 =	vsub.f32 v36, v35  }
0x2b9: {  	v58 =	vmax.f32 v35, v6;
	v61 =	vmin.f32 v36, v11;
	v55 =	vsel vm12, v40, v42  }
0x2ba: {  	vm13 =	vle.f32 v43, $4.499999880e-01;
	v43 =	vmax.f32 v63, $9.999999960e-13;
	v59 =	vsub.f32 v57, v58  }
0x2bb: {  	v63 =	vsel vm12, v49, v46;
	vm15 =	vle.f32 v44, $4.499999880e-01;
	v44 =	vmax.f32 v62, $0.0e+00  }
0x2bc: {  	(erf) = vrcp.f32 v43;
	v43 =	vmax.f32 v56, $0.0e+00;
	v62 =	vmax.f32 v35, v9  }
0x2bd: {  	v56 =	vsel vm12, v46, v49;
	vm9 =	vmand vm13, vm15;
	v51 =	vsub.f32 v52, v44  }
0x2be: {  	v60 =	vadd.f32 v43, v7;
	v53 =	vsub.f32 v61, v62;
	vm9 =	vmand vm9, vm14  }
0x2bf: {  	v43 =	vadd.f32 v43, v12;
	v61 =	vmpcnt.ones.xlane vm8;
	v51 =	vmax.f32 v51, $9.999999960e-13;
	(xrf0) =	vadd.scan.msk.s32 vm9, v0  }
0x2c0: {  	v46 =	vld [tilespmem:s23+$0xFFFFFFF0];
	v53 =	vmax.f32 v53, $0.0e+00;
	(erf) = vrcp.f32 v51;
	v51 =	vmax.f32 v59, $0.0e+00  }
0x2c1: {  	vm13 =	vgt.f32 v63, v39;
	v43 =	vsub.f32 v43, v53;
	v52 =	vsub.f32 v60, v51  }
0x2c2: {  	v57 =	vsel vm12, v42, v40;
	v48 =	vsel vm13, v55, v48;
	v47 =	vadd.s32 v47, v61  }
0x2c3: {  	v40 =	vld [tilespmem:s22+$0x10];
	v55 =	vmpcnt.ones.xlane vm9;
	v59 =	vmax.f32 v43, $9.999999960e-13;
	v60 =	vmax.f32 v52, $9.999999960e-13  }
0x2c4: {  	v52 =	vsel vm13, v63, v39;
	v63 =	vnsel vm9, $0xFF800000, v41;
	v39 =	vld [tilespmem:s21+$0x10];
	(erf) = vrcp.f32 v60  }
0x2c5: {  	vm15 =	vgt.f32 v46, $-9.999999930e+36;
	vm14 =	vgt.f32 v63, v56;
	v62, _, _ =	vpop (xrf0);
	(erf) = vrcp.f32 v59  }
0x2c6: {  	v61 =	vsel vm14, v56, v63;
	v54 =	vsel vm14, v63, v56;
	v49 =	vadd.s32 v47, v62  }
0x2c7: {  	v60 =	vpop (erf);
	vm10 =	vgt.f32 v61, v52;
	v47 =	vadd.s32 v47, v55;
	v59 =	vsel vm14, v57, v49  }
0x2c8: {  	v43 =	vmul.f32 v60, v50;
	v56 =	vsel vm14, v49, v57;
	v52 =	vsel vm10, v61, v52;
	v50 =	vld [tilespmem:s23+$0x0]  }
0x2c9: {  	v48 =	vsel vm10, v59, v48;
	v62 =	vsub.f32 v39, v40;
	v59 =	vmax.f32 v40, v6;
	v58 =	vpop (erf)  }
0x2ca: {  	vm11 =	vle.f32 v43, $4.499999880e-01;
	v43 =	vld [tilespmem:s22+$0x20];
	v44 =	vmul.f32 v58, v44;
	v58 =	vmin.f32 v39, v5  }
0x2cb: {  	v60 =	vmax.f32 v62, $0.0e+00;
	v62 =	vmin.f32 v39, v11;
	v58 =	vsub.f32 v58, v59  }
0x2cc: {  	v61 =	vadd.f32 v60, v7;
	v60 =	vadd.f32 v60, v12;
	vm12 =	vle.f32 v44, $4.499999880e-01  }
0x2cd: {  	v44 =	vld [tilespmem:s21+$0x20];
	vm11 =	vmand vm11, vm12;
	v63 =	vpop (erf);
	v58 =	vmax.f32 v58, $0.0e+00;
	vm12 =	vgt.f32 v50, $-9.999999930e+36  }
0x2ce: {  	vm10 =	vmand vm11, vm15;
	v51 =	vmul.f32 v63, v51;
	v59 =	vpop (erf);
	v63 =	vmax.f32 v40, v9  }
0x2cf: {  	v1 =	vmax.f32 v43, v9;
	v53 =	vmul.f32 v59, v53;
	v59 =	vsub.f32 v62, v63  }
0x2d0: {  	v57 =	vnsel vm10, $0xFF800000, v46;
	(xrf0) =	vadd.scan.msk.s32 vm10, v0;
	vm11 =	vle.f32 v51, $4.499999880e-01;
	v51 =	vsub.f32 v61, v58  }
0x2d1: {  	v61 =	vmax.f32 v43, v6;
	vm13 =	vle.f32 v53, $4.499999880e-01;
	v59 =	vmax.f32 v59, $0.0e+00  }
0x2d2: {  	v2 =	vmin.f32 v44, v11;
	v51 =	vmax.f32 v51, $9.999999960e-13;
	v60 =	vsub.f32 v60, v59  }
0x2d3: {  	[tilespmem:v25+s2+$0x0] =	vst.idx.msk vm3, v23;
	vm11 =	vmand vm11, vm13;
	(erf) = vrcp.f32 v51;
	v51 =	vsub.f32 v44, v43  }
0x2d4: {  	[tilespmem:v30+s2+$0x0] =	vst.idx.msk vm4, v24;
	vm11 =	vmand vm11, vm12;
	vm12 =	vgt.f32 v57, v54;
	v53 =	vmax.f32 v60, $9.999999960e-13  }
0x2d5: {  	[tilespmem:v30+s9+$0x0] =	vst.idx.msk vm4, v18;
	v60 =	vmin.f32 v44, v5;
	(erf) = vrcp.f32 v53;
	v51 =	vmax.f32 v51, $0.0e+00  }
0x2d6: {  	(xrf0) =	vadd.scan.msk.s32 vm11, v0;
	v63 =	vnsel vm11, $0xFF800000, v50;
	v60 =	vsub.f32 v60, v61;
	v61, _, _ =	vpop (xrf0);
	v55 =	vadd.f32 v51, v7  }
0x2d7: {  	v23 =	vld [tilespmem:s21+$0x40];
	v53 =	vadd.s32 v47, v61;
	v61 =	vsel vm12, v54, v57;
	v54 =	vsel vm12, v57, v54  }
0x2d8: {  	[tilespmem:v30+s10+$0x0] =	vst.idx.msk vm4, v16;
	v30 =	vld [tilespmem:s23+$0x20];
	v57 =	vmpcnt.ones.xlane vm10;
	v60 =	vmax.f32 v60, $0.0e+00;
	v62 =	vsel vm12, v56, v53  }
0x2d9: {  	v56 =	vsel vm12, v53, v56;
	vm12 =	vgt.f32 v61, v52;
	v55 =	vsub.f32 v55, v60  }
0x2da: {  	v1 =	vsub.f32 v2, v1;
	vm13 =	vgt.f32 v63, v54;
	v61 =	vsel vm12, v61, v52  }
0x2db: {  	v52 =	vmax.f32 v55, $9.999999960e-13;
	v55 =	vadd.s32 v47, v57;
	v57 =	vsel vm12, v62, v48  }
0x2dc: {  	[tilespmem:v25+s9+$0x0] =	vst.idx.msk vm3, v17;
	v47, _, _ =	vpop (xrf0);
	v62 =	vsel vm13, v54, v63;
	v63 =	vsel vm13, v63, v54;
	v54 =	vld [tilespmem:s23+$0x10];
	(erf) = vrcp.f32 v52  }
0x2dd: {  	[tilespmem:v25+s10+$0x0] =	vst.idx.msk vm3, v15;
	v25 =	vmin.f32 v23, v5;
	vm15 =	vgt.f32 v30, $-9.999999930e+36;
	v52 =	vadd.s32 v55, v47;
	v47 =	vld [tilespmem:s22+$0x30];
	v48 =	vpop (erf)  }
0x2de: {  	v1 =	vmax.f32 v1, $0.0e+00;
	v51 =	vadd.f32 v51, v12;
	v58 =	vmul.f32 v48, v58;
	v48 =	vld [tilespmem:s21+$0x30];
	v4 =	vpop (erf)  }
0x2df: {  	vm12 =	vgt.f32 v62, v61;
	v3 =	vsel vm13, v56, v52;
	v4 =	vmul.f32 v4, v59  }
0x2e0: {  	v56 =	vsel vm13, v52, v56;
	v2 =	vsel vm12, v62, v61;
	v62 =	vmpcnt.ones.xlane vm11  }
0x2e1: {  	v3 =	vsel vm12, v3, v57;
	vm13 =	vle.f32 v58, $4.499999880e-01;
	vm14 =	vle.f32 v4, $4.499999880e-01  }
0x2e2: {  	v4 =	vsub.f32 v51, v1;
	vm13 =	vmand vm13, vm14;
	vm14 =	vgt.f32 v54, $-9.999999930e+36  }
0x2e3: {  	v55 =	vadd.s32 v55, v62;
	v62 =	vsub.f32 v48, v47;
	vm12 =	vmand vm13, vm14  }
0x2e4: {  	v58 =	vmin.f32 v48, v5;
	v4 =	vmax.f32 v4, $9.999999960e-13;
	v57 =	vnsel vm12, $0xFF800000, v54  }
0x2e5: {  	v51 =	vld [tilespmem:s22+$0x40];
	v61 =	vpop (erf);
	(erf) = vrcp.f32 v4;
	v4 =	vmax.f32 v62, $0.0e+00;
	vm13 =	vgt.f32 v57, v63  }
0x2e6: {  	v59 =	vmul.f32 v61, v60;
	v60 =	vmax.f32 v47, v6;
	v61 =	vmax.f32 v47, v9  }
0x2e7: {  	(xrf0) =	vadd.scan.msk.s32 vm12, v0;
	v58 =	vsub.f32 v58, v60;
	v60 =	vmin.f32 v48, v11;
	v62 =	vsel vm13, v63, v57  }
0x2e8: {  	v57 =	vsel vm13, v57, v63;
	v60 =	vsub.f32 v60, v61;
	v61 =	vadd.f32 v4, v7  }
0x2e9: {  	vm14 =	vle.f32 v59, $4.499999880e-01;
	v4 =	vadd.f32 v4, v12;
	v58 =	vmax.f32 v58, $0.0e+00  }
0x2ea: {  	v15 =	vsub.f32 v61, v58;
	v59 =	vmax.f32 v60, $0.0e+00;
	v60 =	vsub.f32 v23, v51  }
0x2eb: {  	vm3 =	vgt.f32 v62, v2;
	v61 =	vmax.f32 v51, v6;
	v4 =	vsub.f32 v4, v59  }
0x2ec: {  	v61 =	vsub.f32 v25, v61;
	v15 =	vmax.f32 v15, $9.999999960e-13;
	v60 =	vmax.f32 v60, $0.0e+00  }
0x2ed: {  	v17, _, _ =	vpop (xrf0);
	(erf) = vrcp.f32 v15;
	v4 =	vmax.f32 v4, $9.999999960e-13;
	v15 =	vadd.f32 v60, v7  }
0x2ee: {  	v25 =	vadd.s32 v55, v17;
	v63 =	vpop (erf);
	(erf) = vrcp.f32 v4;
	v4 =	vmax.f32 v61, $0.0e+00  }
0x2ef: {  	v17 =	vsel vm13, v56, v25;
	v1 =	vmul.f32 v63, v1;
	v61 =	vsub.f32 v15, v4  }
0x2f0: {  	v24 =	vsel vm13, v25, v56;
	v15 =	vmin.f32 v23, v11;
	v63 =	vmax.f32 v51, v9  }
0x2f1: {  	v16 =	vld [tilespmem:s21+$0x50];
	[tilespmem:v37+s2+$0x0] =	vst.idx.msk vm5, v27;
	v18 =	vsub.f32 v15, v63;
	vm13 =	vle.f32 v1, $4.499999880e-01;
	v1 =	vmax.f32 v61, $9.999999960e-13  }
0x2f2: {  	[tilespmem:v37+s9+$0x0] =	vst.idx.msk vm5, v20;
	v2 =	vsel vm3, v62, v2;
	v27 =	vadd.f32 v60, v12;
	v15 =	vld [tilespmem:s22+$0x50];
	(erf) = vrcp.f32 v1  }
0x2f3: {  	[tilespmem:v37+s10+$0x0] =	vst.idx.msk vm5, v19;
	v1 =	vmpcnt.ones.xlane vm12;
	v20 =	vmax.f32 v18, $0.0e+00;
	vm4 =	vmand vm14, vm13  }
0x2f4: {  	[tilespmem:v38+s2+$0x0] =	vst.idx.msk vm6, v29;
	v3 =	vsel vm3, v17, v3;
	v18 =	vsub.f32 v27, v20;
	vm3 =	vmand vm4, vm15  }
0x2f5: {  	[tilespmem:v38+s9+$0x0] =	vst.idx.msk vm6, v21;
	v17 =	vld [tilespmem:s22+$0x60];
	v1 =	vadd.s32 v55, v1;
	v19 =	vnsel vm3, $0xFF800000, v30  }
0x2f6: {  	[tilespmem:v45+s2+$0x0] =	vst.idx.msk vm7, v33;
	v55 =	vmin.f32 v16, v5;
	v60 =	vmax.f32 v18, $9.999999960e-13;
	vm4 =	vgt.f32 v19, v57  }
0x2f7: {  	[tilespmem:v45+s9+$0x0] =	vst.idx.msk vm7, v13;
	v62 =	vsub.f32 v16, v15;
	v56 =	vmax.f32 v15, v6;
	v18 =	vld [tilespmem:s21+$0x60];
	(erf) = vrcp.f32 v60  }
0x2f8: {  	v61 =	vpop (erf);
	v29 =	vsub.f32 v55, v56;
	v33 =	vsel vm4, v57, v19;
	v19 =	vsel vm4, v19, v57  }
0x2f9: {  	[tilespmem:v45+s10+$0x0] =	vst.idx.msk vm7, v10;
	v63 =	vmul.f32 v61, v58;
	v27 =	vpop (erf);
	v21 =	vmax.f32 v62, $0.0e+00;
	v58 =	vmin.f32 v16, v11  }
0x2fa: {  	v10 =	vld [tilespmem:s22+$0x70];
	v62 =	vmax.f32 v17, v6;
	v27 =	vmul.f32 v27, v59;
	v57 =	vadd.f32 v21, v7  }
0x2fb: {  	[tilespmem:v38+s10+$0x0] =	vst.idx.msk vm6, v22;
	v22 =	vmax.f32 v29, $0.0e+00;
	v59 =	vmax.f32 v15, v9;
	v21 =	vadd.f32 v21, v12  }
0x2fc: {  	vm14 =	vle.f32 v27, $4.499999880e-01;
	v27 =	vsub.f32 v57, v22;
	v61 =	vmin.f32 v18, v5  }
0x2fd: {  	vm13 =	vle.f32 v63, $4.499999880e-01;
	v60 =	vsub.f32 v18, v17;
	v13 =	vpop (erf);
	v37 =	vsub.f32 v61, v62  }
0x2fe: {  	[tilespmem:v42+s2+$0x0] =	vst.idx.msk vm8, v34;
	vm5 =	vmand vm13, vm14;
	v4 =	vmul.f32 v13, v4;
	v13 =	vsub.f32 v58, v59  }
0x2ff: {  	[tilespmem:v42+s9+$0x0] =	vst.idx.msk vm8, v8;
	v62 =	vmax.f32 v10, v9;
	vm14 =	vgt.f32 v33, v2;
	v29 =	vmax.f32 v60, $0.0e+00  }
0x300: {  	[tilespmem:v42+s10+$0x0] =	vst.idx.msk vm8, v14;
	v27 =	vmax.f32 v27, $9.999999960e-13;
	v55 =	vadd.f32 v29, v7;
	v45 =	vmax.f32 v13, $0.0e+00;
	v13 =	vld [tilespmem:s21+$0x70]  }
0x301: {  	[tilespmem:v49+s2+$0x0] =	vst.idx.msk vm9, v41;
	v59 =	vmax.f32 v10, v6;
	v56 =	vmax.f32 v37, $0.0e+00;
	v21 =	vsub.f32 v21, v45  }
0x302: {  	[tilespmem:v49+s9+$0x0] =	vst.idx.msk vm9, v28;
	(erf) = vrcp.f32 v27;
	v27 =	vmax.f32 v17, v9;
	v63 =	vpop (erf);
	v57 =	vsub.f32 v55, v56  }
0x303: {  	[tilespmem:v53+s2+$0x0] =	vst.idx.msk vm10, v46;
	vm15 =	vle.f32 v4, $4.499999880e-01;
	v8 =	vmul.f32 v63, v20;
	v14 =	vmax.f32 v21, $9.999999960e-13  }
0x304: {  	[tilespmem:v53+s9+$0x0] =	vst.idx.msk vm10, v32;
	v4 =	vmax.f32 v57, $9.999999960e-13;
	(erf) = vrcp.f32 v14;
	v14 =	vmin.f32 v18, v11  }
0x305: {  	[tilespmem:v53+s10+$0x0] =	vst.idx.msk vm10, v31;
	vm10 =	vle.f32 v8, $4.499999880e-01;
	v14 =	vsub.f32 v14, v27;
	v58 =	vsub.f32 v13, v10  }
0x306: {  	[tilespmem:v49+s10+$0x0] =	vst.idx.msk vm9, v26;
	v27 =	vld [tilespmem:s23+$0x30];
	(erf) = vrcp.f32 v4;
	v4 =	vadd.f32 v29, v12;
	v26 =	vmin.f32 v13, v5  }
0x307: {  	v26 =	vsub.f32 v26, v59;
	v14 =	vmax.f32 v14, $0.0e+00;
	v21 =	vmax.f32 v58, $0.0e+00  }
0x308: {  	(xrf0) =	vadd.scan.msk.s32 vm3, v0;
	v61 =	vmin.f32 v13, v11;
	v4 =	vsub.f32 v4, v14;
	v60 =	vadd.f32 v21, v7  }
0x309: {  	v63 =	vld [tilespmem:s23+$0x40];
	v8 =	vmpcnt.ones.xlane vm3;
	v29 =	vsub.f32 v61, v62;
	v26 =	vmax.f32 v26, $0.0e+00  }
0x30a: {  	v21 =	vadd.f32 v21, v12;
	v4 =	vmax.f32 v4, $9.999999960e-13;
	v28 =	vsub.f32 v60, v26  }
0x30b: {  	[tilespmem:v52+s2+$0x0] =	vst.idx.msk vm11, v50;
	v29 =	vmax.f32 v29, $0.0e+00;
	vm9 =	vgt.f32 v27, $-9.999999930e+36;
	(erf) = vrcp.f32 v4  }
0x30c: {  	[tilespmem:v52+s9+$0x0] =	vst.idx.msk vm11, v35;
	v35 =	vpop (erf);
	v21 =	vsub.f32 v21, v29;
	vm5 =	vmand vm5, vm9;
	v28 =	vmax.f32 v28, $9.999999960e-13  }
0x30d: {  	v2 =	vsel vm14, v33, v2;
	v22 =	vmul.f32 v35, v22;
	(xrf0) =	vadd.scan.msk.s32 vm5, v0;
	(erf) = vrcp.f32 v28  }
0x30e: {  	[tilespmem:v52+s10+$0x0] =	vst.idx.msk vm11, v36;
	v36 =	vld [tilespmem:s23+$0x50];
	vm6 =	vmand vm15, vm10;
	vm13 =	vgt.f32 v63, $-9.999999930e+36;
	v21 =	vmax.f32 v21, $9.999999960e-13;
	v4, _, _ =	vpop (xrf0)  }
0x30f: {  	vm6 =	vmand vm6, vm13;
	vm15 =	vle.f32 v22, $4.499999880e-01;
	v37 =	vpop (erf);
	(erf) = vrcp.f32 v21  }
0x310: {  	[tilespmem:v25+s2+$0x0] =	vst.idx.msk vm12, v54;
	v42 =	vnsel vm5, $0xFF800000, v27;
	v46 =	vmpcnt.ones.xlane vm5;
	v4 =	vadd.s32 v1, v4  }
0x311: {  	(xrf0) =	vadd.scan.msk.s32 vm6, v0;
	vm8 =	vgt.f32 v42, v19;
	v28 =	vmul.f32 v37, v45;
	v41 =	vpop (erf);
	v1 =	vadd.s32 v1, v8;
	v45 =	vld [tilespmem:s23+$0x60]  }
0x312: {  	v38 =	vsel vm4, v24, v4;
	v20 =	vmul.f32 v41, v56;
	v24 =	vsel vm4, v4, v24  }
0x313: {  	[tilespmem:v25+s9+$0x0] =	vst.idx.msk vm12, v40;
	v3 =	vsel vm14, v38, v3;
	vm13 =	vle.f32 v28, $4.499999880e-01;
	vm14 =	vgt.f32 v36, $-9.999999930e+36;
	v8, _, _ =	vpop (xrf0)  }
0x314: {  	[tilespmem:v25+s10+$0x0] =	vst.idx.msk vm12, v39;
	vm7 =	vmand vm15, vm13;
	vm15 =	vle.f32 v20, $4.499999880e-01;
	v8 =	vadd.s32 v1, v8;
	v25 =	vpop (erf)  }
0x315: {  	vm7 =	vmand vm7, vm14;
	[tilespmem:v4+s2+$0x0] =	vst.idx.msk vm3, v30;
	v1 =	vadd.s32 v1, v46;
	v14 =	vmul.f32 v25, v14  }
0x316: {  	(xrf0) =	vadd.scan.msk.s32 vm7, v0;
	vm12 =	vgt.f32 v45, $-9.999999930e+36;
	v53 =	vmpcnt.ones.xlane vm7;
	[tilespmem:v4+s9+$0x0] =	vst.idx.msk vm3, v43;
	v50 =	vpop (erf)  }
0x317: {  	v49, _, _ =	vpop (xrf0);
	v25 =	vsel vm8, v19, v42;
	[tilespmem:v4+s10+$0x0] =	vst.idx.msk vm3, v44;
	vm11 =	vle.f32 v14, $4.499999880e-01;
	v14 =	vld [tilespmem:s23+$0x70];
	v4 =	vmul.f32 v50, v26  }
0x318: {  	v21 =	vadd.s32 v1, v49;
	vm13 =	vgt.f32 v25, v2;
	v52 =	vpop (erf);
	vm3 =	vmand vm15, vm11  }
0x319: {  	v20 =	vmul.f32 v52, v29;
	vm14 =	vle.f32 v4, $4.499999880e-01;
	v4 =	vmpcnt.ones.xlane vm6  }
0x31a: {  	v19 =	vsel vm8, v42, v19;
	v2 =	vsel vm13, v25, v2;
	vm3 =	vmand vm3, vm12  }
0x31b: {  	v25 =	vsel vm8, v24, v8;
	[tilespmem:v8+s2+$0x0] =	vst.idx.msk vm5, v27;
	(xrf0) =	vadd.scan.msk.s32 vm3, v0;
	vm15 =	vle.f32 v20, $4.499999880e-01  }
0x31c: {  	v24 =	vsel vm8, v8, v24;
	[tilespmem:v8+s9+$0x0] =	vst.idx.msk vm5, v47;
	vm4 =	vmand vm14, vm15;
	vm10 =	vgt.f32 v14, $-9.999999930e+36  }
0x31d: {  	[tilespmem:v8+s10+$0x0] =	vst.idx.msk vm5, v48;
	v8 =	vnsel vm6, $0xFF800000, v63;
	v1 =	vadd.s32 v1, v4;
	v4, _, _ =	vpop (xrf0);
	vm4 =	vmand vm4, vm10  }
0x31e: {  	[tilespmem:v21+s2+$0x0] =	vst.idx.msk vm6, v63;
	vm11 =	vgt.f32 v8, v19;
	v4 =	vadd.s32 v1, v4;
	(xrf0) =	vadd.scan.msk.s32 vm4, v0  }
0x31f: {  	v58 =	vnsel vm7, $0xFF800000, v36;
	v3 =	vsel vm13, v25, v3;
	[tilespmem:v21+s9+$0x0] =	vst.idx.msk vm6, v51;
	v54 =	vsel vm11, v19, v8  }
0x320: {  	v8 =	vsel vm11, v8, v19;
	v55 =	vsel vm11, v24, v21;
	v56 =	vsel vm11, v21, v24  }
0x321: {  	[tilespmem:v21+s10+$0x0] =	vst.idx.msk vm6, v23;
	v24 =	vmpcnt.ones.xlane vm3;
	vm12 =	vgt.f32 v54, v2;
	v1 =	vadd.s32 v1, v53;
	v25, _, _ =	vpop (xrf0)  }
0x322: {  	vm13 =	vgt.f32 v58, v8;
	v2 =	vsel vm12, v54, v2;
	v57 =	vadd.s32 v1, v25  }
0x323: {  	v3 =	vsel vm12, v55, v3;
	v60 =	vsel vm13, v56, v4;
	[tilespmem:v4+s2+$0x0] =	vst.idx.msk vm7, v36  }
0x324: {  	v1 =	vadd.s32 v1, v24;
	[tilespmem:v4+s9+$0x0] =	vst.idx.msk vm7, v15;
	v15 =	vsel vm13, v8, v58;
	v59, _, _ =	vpop (xrf0)  }
0x325: {  	v61 =	vnsel vm3, $0xFF800000, v45;
	v8 =	vsel vm13, v58, v8;
	[tilespmem:v4+s10+$0x0] =	vst.idx.msk vm7, v16;
	v16 =	vadd.s32 v1, v59  }
0x326: {  	v4 =	vsel vm13, v4, v56;
	vm14 =	vgt.f32 v15, v2;
	vm15 =	vgt.f32 v61, v8  }
0x327: {  	[tilespmem:v57+s2+$0x0] =	vst.idx.msk vm3, v45;
	v2 =	vsel vm14, v15, v2;
	v3 =	vsel vm14, v60, v3  }
0x328: {  	s20 =	sadd.s32 $0x10, s20;
	v15 =	vsel vm15, v8, v61;
	v8 =	vsel vm15, v61, v8;
	[tilespmem:v57+s9+$0x0] =	vst.idx.msk vm3, v17  }
0x329: {  	p0 =	slt.s32 s20, s19;
	v62 =	vsel vm15, v4, v57;
	[tilespmem:v57+s10+$0x0] =	vst.idx.msk vm3, v18;
	vm3 =	vgt.f32 v15, v2  }
.Ltmp16:
0x32a: {  	v4 =	vsel vm15, v57, v4;
	v2 =	vsel vm3, v15, v2;
	[tilespmem:v16+s2+$0x0] =	vst.idx.msk vm4, v14;
	v14 =	vnsel vm4, $0xFF800000, v14;
	(pc) =	sbr.rel @p0 .LBB2_14-.Ltmp16, $4  }
0x32b: {  	v3 =	vsel vm3, v62, v3;
	[tilespmem:v16+s9+$0x0] =	vst.idx.msk vm4, v10;
	vm3 =	vgt.f32 v14, v8  }
0x32c: {  	v63 =	vmpcnt.ones.xlane vm4;
	[tilespmem:v16+s10+$0x0] =	vst.idx.msk vm4, v13;
	v10 =	vsel vm3, v8, v14;
	v15 =	vsel vm3, v4, v16  }
0x32d: {  	v13 =	vsel vm3, v14, v8;
	v14 =	vsel vm3, v16, v4;
	vm3 =	vgt.f32 v10, v2  }
0x32e: {  	s22 =	sadd.s32 $0x100, s22;
	s21 =	sadd.s32 $0x100, s21;
	s23 =	sadd.s32 $0x100, s23;
	v26 =	vadd.s32 v1, v63;
	v10 =	vsel vm3, v10, v2;
	v8 =	vsel vm3, v15, v3  }
.Ltmp17:
0x32f: {  	_ = 	snop;
	(pc) =	sbr.rel .LBB2_11-.Ltmp17, $1  }
0x330: {  	_ =	sdelay $0x3  }
.LBB2_26:
0x331: {  	s19 =	sshll.u32 s17, $0x4  }
0x332: {  	v1 =	vor.u32 s19, v56  }
.Ltmp18:
0x333: {  	_ = 	snop;
	(pc) =	sbr.rel .LBB2_47-.Ltmp18, $3  }
0x334: {  	_ =	sdelay $0x1  }
0x335: {  	v2 =	vimm.f32 $0.0e+00  }
0x336: {  	s19 =	simm.s32 $0x1;
	[tilespmem:v1+s14+$0x0] =	vst.idx.msk $0xffff, v2  }
.LBB2_38:
0x337: {  	s19 =	sand.u32 $0xF, s18  }
0x338: {  	s30 =	sshra.s32 s18, $0x1F;
	p1 =	slt.s32 s18, $0x1;
	p0 =	sne.s32 s19, $0x0  }
0x339: {  	s19 =	sshrl.u32 s30, $0x1C;
	p0 =	por !p1, !p0  }
0x33a: {  	s31 =	sadd.s32 s19, s18;
	s19 =	simm.s32 $0x1;
	p0 =	por !p0, !p0  }
0x33b: {  	s18 =	sshra.s32 s31, $0x4;
	s19 =	simm.s32 @!p0 $0x0  }
0x33c: {  	s18 =	ssub.s32 s18, s19  }
0x33d: {  	s19 =	sshrl.u32 s18, $0x1C  }
0x33e: {  	s19 =	sadd.s32 s19, s18  }
0x33f: {  	s19 =	sand.u32 $0xFFFFFFF0, s19  }
0x340: {  	p0 =	slt.s32 s19, $0x1  }
.Ltmp19:
0x341: {  	_ = 	snop;
	(pc) =	sbr.rel @p0 .LBB2_39-.Ltmp19, $3  }
0x342: {  	_ =	sdelay $0x1  }
0x343: {  	v13 =	vimm.f32 $-Inf  }
0x344: {  	[tilespmem:v8+s2+$0x0] =	vst.idx.msk $0x1, v13  }
0x345: {  	s20 =	simm.s32 $0x0;
	v19 =	vimm.s32 $0xFFFFFFFF;
	v10 =	vimm.f32 $-Inf  }
0x346: {  	v8 =	vimm.s32 $0x0;
	s21 =	simm.s32 $0x9D80;
	s22 =	simm.s32 $0x4F00;
	s23 =	simm.s32 $0x80;
	v14 =	vimm.s32 $0x0;
	v13 =	vimm.f32 $-Inf  }
.LBB2_45:
0x347: {  	v23 =	vld [tilespmem:s22+$0xFFFFFF80]  }
0x348: {  	v22 =	vld [tilespmem:s21+$0xFFFFFF80];
	_ =	sdelay $0x4  }
0x349: {  	v1 =	vsub.f32 v22, v23  }
0x34a: {  	v2 =	vmin.f32 v22, v5;
	v3 =	vmax.f32 v23, v6  }
0x34b: {  	v2 =	vsub.f32 v2, v3;
	v1 =	vmax.f32 v1, $0.0e+00  }
0x34c: {  	v1 =	vadd.f32 v1, v7  }
0x34d: {  	v2 =	vmax.f32 v2, $0.0e+00  }
0x34e: {  	v18 =	vld [tilespmem:s22+$0xFFFFFF90];
	v1 =	vsub.f32 v1, v2  }
0x34f: {  	v17 =	vld [tilespmem:s21+$0xFFFFFF90]  }
0x350: {  	v1 =	vmax.f32 v1, $9.999999960e-13  }
0x351: {  	(erf) = vrcp.f32 v1;
	_ =	sdelay $0x2  }
0x352: {  	v11 =	vld [tilespmem:s22+$0xFFFFFFA0];
	v1 =	vsub.f32 v17, v18  }
0x353: {  	v9 =	vld [tilespmem:s21+$0xFFFFFFA0];
	v4 =	vmax.f32 v18, v6;
	v3 =	vmin.f32 v17, v5  }
0x354: {  	v3 =	vsub.f32 v3, v4;
	v1 =	vmax.f32 v1, $0.0e+00  }
0x355: {  	v1 =	vadd.f32 v1, v7  }
0x356: {  	v3 =	vmax.f32 v3, $0.0e+00  }
0x357: {  	v1 =	vsub.f32 v1, v3  }
0x358: {  	v28 =	vld [tilespmem:s23+$0xFFFFFF80];
	v15 =	vmax.f32 v11, v6;
	v4 =	vsub.f32 v9, v11;
	v12 =	vpop (erf)  }
0x359: {  	v1 =	vmax.f32 v1, $9.999999960e-13;
	v2 =	vmul.f32 v12, v2;
	v12 =	vmin.f32 v9, v5  }
0x35a: {  	v4 =	vmax.f32 v4, $0.0e+00;
	(erf) = vrcp.f32 v1;
	v12 =	vsub.f32 v12, v15  }
0x35b: {  	v4 =	vadd.f32 v4, v7  }
0x35c: {  	vm3 =	vle.f32 v2, $4.499999880e-01;
	v2 =	vmax.f32 v12, $0.0e+00  }
0x35d: {  	vm4 =	vgt.f32 v28, $-9.999999930e+36;
	v1 =	vsub.f32 v4, v2  }
0x35e: {  	v25 =	vld [tilespmem:s23+$0xFFFFFF90];
	vm4 =	vmand vm4, vm3  }
0x35f: {  	v16 =	vld [tilespmem:s22+$0xFFFFFFB0];
	(xrf0) =	vadd.scan.msk.s32 vm4, v0;
	v1 =	vmax.f32 v1, $9.999999960e-13  }
0x360: {  	v24 =	vld [tilespmem:s23+$0xFFFFFFA0];
	(erf) = vrcp.f32 v1;
	_ =	sdelay $0x2  }
0x361: {  	vm5 =	vgt.f32 v25, $-9.999999930e+36;
	v15 =	vld [tilespmem:s21+$0xFFFFFFB0];
	v12 =	vpop (erf)  }
0x362: {  	v26 =	vmax.f32 v16, v6;
	v4 =	vnsel vm4, $0xFF800000, v28;
	v3 =	vmul.f32 v12, v3;
	v12 =	vld [tilespmem:s22+$0xFFFFFFC0]  }
0x363: {  	vm7 =	vgt.f32 v24, $-9.999999930e+36;
	v45 =	vmpcnt.ones.xlane vm4;
	vm3 =	vgt.f32 v4, v13;
	v1, _, _ =	vpop (xrf0)  }
0x364: {  	v31 =	vadd.s32 v19, v1;
	v1 =	vsel vm3, v13, v4;
	v4 =	vsel vm3, v4, v13;
	v13 =	vld [tilespmem:s21+$0xFFFFFFC0]  }
0x365: {  	v19 =	vadd.s32 v19, v45;
	v20 =	vsel vm3, v14, v31;
	vm6 =	vgt.f32 v1, v10  }
0x366: {  	v21 =	vsel vm3, v31, v14;
	vm3 =	vle.f32 v3, $4.499999880e-01;
	v1 =	vsel vm6, v1, v10  }
0x367: {  	vm5 =	vmand vm5, vm3;
	v10 =	vmin.f32 v15, v5;
	v29 =	vmax.f32 v12, v6;
	v3 =	vpop (erf)  }
0x368: {  	v48 =	vnsel vm5, $0xFF800000, v25;
	v2 =	vmul.f32 v3, v2;
	v3 =	vsub.f32 v15, v16  }
0x369: {  	v14 =	vld [tilespmem:s22+$0xFFFFFFD0];
	v8 =	vsel vm6, v20, v8;
	vm9 =	vgt.f32 v48, v4;
	v44 =	vsub.f32 v13, v12  }
0x36a: {  	vm3 =	vle.f32 v2, $4.499999880e-01;
	v2 =	vmax.f32 v3, $0.0e+00;
	v3 =	vsub.f32 v10, v26;
	v10 =	vld [tilespmem:s21+$0xFFFFFFD0]  }
0x36b: {  	(xrf0) =	vadd.scan.msk.s32 vm5, v0;
	v27 =	vmin.f32 v13, v5;
	v20 =	vsel vm9, v4, v48;
	v2 =	vadd.f32 v2, v7  }
0x36c: {  	v27 =	vsub.f32 v27, v29;
	v26 =	vmax.f32 v44, $0.0e+00;
	v3 =	vmax.f32 v3, $0.0e+00  }
0x36d: {  	vm10 =	vgt.f32 v20, v1;
	v26 =	vadd.f32 v26, v7;
	v2 =	vsub.f32 v2, v3  }
0x36e: {  	v33 =	vmax.f32 v14, v6;
	v1 =	vsel vm10, v20, v1;
	v27 =	vmax.f32 v27, $0.0e+00  }
0x36f: {  	v26 =	vsub.f32 v26, v27;
	v2 =	vmax.f32 v2, $9.999999960e-13;
	v30 =	vsub.f32 v10, v14  }
0x370: {  	vm3 =	vmand vm7, vm3;
	v32 =	vmin.f32 v10, v5;
	(erf) = vrcp.f32 v2  }
0x371: {  	v47, _, _ =	vpop (xrf0);
	(xrf0) =	vadd.scan.msk.s32 vm3, v0;
	v26 =	vmax.f32 v26, $9.999999960e-13;
	v46 =	vsub.f32 v32, v33;
	v2 =	vmax.f32 v30, $0.0e+00  }
0x372: {  	v20 =	vld [tilespmem:s21+$0xFFFFFFE0];
	v36 =	vadd.s32 v19, v47;
	(erf) = vrcp.f32 v26;
	v2 =	vadd.f32 v2, v7  }
0x373: {  	v29 =	vsel vm9, v21, v36;
	v34 =	vsel vm9, v36, v21;
	v21 =	vld [tilespmem:s22+$0xFFFFFFE0];
	v49 =	vmax.f32 v46, $0.0e+00  }
0x374: {  	v2 =	vsub.f32 v2, v49  }
0x375: {  	v50 =	vmpcnt.ones.xlane vm5;
	v4 =	vsel vm9, v48, v4;
	v51 =	vnsel vm3, $0xFF800000, v24;
	v33 =	vld [tilespmem:s23+$0xFFFFFFB0]  }
0x376: {  	v53 =	vmpcnt.ones.xlane vm3;
	vm11 =	vgt.f32 v51, v4;
	v32 =	vld [tilespmem:s23+$0xFFFFFFC0];
	v2 =	vmax.f32 v2, $9.999999960e-13  }
0x377: {  	v29 =	vsel vm10, v29, v8;
	(erf) = vrcp.f32 v2;
	v2 =	vadd.s32 v19, v50;
	v19, _, _ =	vpop (xrf0)  }
0x378: {  	v55 =	vsub.f32 v20, v21;
	v57 =	vmax.f32 v21, v6;
	v35 =	vadd.s32 v2, v19  }
0x379: {  	v19 =	vsel vm11, v4, v51;
	v8 =	vpop (erf);
	v37 =	vsel vm11, v34, v35;
	v52 =	vsel vm11, v35, v34;
	v34 =	vld [tilespmem:s23+$0xFFFFFFD0]  }
0x37a: {  	vm14 =	vgt.f32 v33, $-9.999999930e+36;
	vm12 =	vgt.f32 v19, v1;
	v3 =	vmul.f32 v8, v3;
	v8 =	vld [tilespmem:s22+$0xFFFFFFF0]  }
0x37b: {  	vm8 =	vgt.f32 v32, $-9.999999930e+36;
	v4 =	vsel vm11, v51, v4;
	v1 =	vsel vm12, v19, v1;
	v54 =	vpop (erf);
	v19 =	vld [tilespmem:s21+$0xFFFFFFF0]  }
0x37c: {  	v2 =	vadd.s32 v2, v53;
	vm13 =	vle.f32 v3, $4.499999880e-01;
	v3 =	vmul.f32 v54, v27  }
0x37d: {  	v29 =	vsel vm12, v37, v29;
	v27 =	vmax.f32 v55, $0.0e+00;
	vm7 =	vmand vm14, vm13  }
0x37e: {  	v27 =	vadd.f32 v27, v7;
	vm15 =	vle.f32 v3, $4.499999880e-01;
	v3 =	vmin.f32 v20, v5  }
0x37f: {  	v60 =	vnsel vm7, $0xFF800000, v33;
	vm9 =	vgt.f32 v34, $-9.999999930e+36;
	v3 =	vsub.f32 v3, v57  }
0x380: {  	v46 =	vmpcnt.ones.xlane vm7;
	v59 =	vsub.f32 v19, v8;
	v38 =	vmin.f32 v19, v5  }
0x381: {  	v39 =	vmax.f32 v8, v6;
	vm8 =	vmand vm8, vm15;
	v3 =	vmax.f32 v3, $0.0e+00  }
0x382: {  	vm10 =	vgt.f32 v60, v4;
	v38 =	vsub.f32 v38, v39;
	v27 =	vsub.f32 v27, v3  }
0x383: {  	(xrf0) =	vadd.scan.msk.s32 vm7, v0;
	v58 =	vpop (erf);
	v44 =	vsel vm10, v4, v60;
	v4 =	vsel vm10, v60, v4;
	v48 =	vnsel vm8, $0xFF800000, v32  }
0x384: {  	v26 =	vmul.f32 v58, v49;
	v37 =	vmax.f32 v59, $0.0e+00;
	v61 =	vmax.f32 v27, $9.999999960e-13  }
0x385: {  	(xrf0) =	vadd.scan.msk.s32 vm8, v0;
	vm13 =	vgt.f32 v44, v1;
	v37 =	vadd.f32 v37, v7;
	(erf) = vrcp.f32 v61  }
0x386: {  	vm14 =	vgt.f32 v48, v4;
	v42 =	vmax.f32 v38, $0.0e+00;
	v1 =	vsel vm13, v44, v1  }
0x387: {  	v39 =	vsel vm14, v4, v48;
	vm12 =	vle.f32 v26, $4.499999880e-01;
	v63 =	vsub.f32 v37, v42  }
0x388: {  	v49 =	vmpcnt.ones.xlane vm8;
	vm15 =	vgt.f32 v39, v1;
	vm6 =	vmand vm9, vm12  }
0x389: {  	v4 =	vsel vm14, v48, v4;
	v38 =	vld [tilespmem:s23+$0xFFFFFFE0];
	v62, _, _ =	vpop (xrf0);
	v1 =	vsel vm15, v39, v1;
	(xrf0) =	vadd.scan.msk.s32 vm6, v0;
	v26 =	vmax.f32 v63, $9.999999960e-13  }
0x38a: {  	v27 =	vld [tilespmem:s21+$0x0];
	v40 =	vadd.s32 v2, v62;
	v2 =	vadd.s32 v2, v46;
	(erf) = vrcp.f32 v26  }
0x38b: {  	v59 =	vmpcnt.ones.xlane vm6;
	v45 =	vsel vm10, v52, v40;
	v30 =	vsel vm10, v40, v52;
	v47, _, _ =	vpop (xrf0);
	v26 =	vld [tilespmem:s22+$0x0]  }
0x38c: {  	v29 =	vsel vm13, v45, v29;
	v41 =	vadd.s32 v2, v47;
	v2 =	vadd.s32 v2, v49  }
0x38d: {  	v45 =	vnsel vm6, $0xFF800000, v34;
	v43 =	vsel vm14, v30, v41;
	v44 =	vsel vm14, v41, v30;
	v30 =	vld [tilespmem:s22+$0x10]  }
0x38e: {  	vm13 =	vgt.f32 v38, $-9.999999930e+36;
	vm11 =	vgt.f32 v45, v4;
	v43 =	vsel vm15, v43, v29;
	v29 =	vld [tilespmem:s21+$0x10];
	v51 =	vpop (erf)  }
0x38f: {  	v46 =	vmin.f32 v27, v5;
	v54 =	vsel vm11, v4, v45;
	v50, _, _ =	vpop (xrf0);
	v3 =	vmul.f32 v51, v3  }
0x390: {  	v37 =	vld [tilespmem:s23+$0xFFFFFFF0];
	v4 =	vsel vm11, v45, v4;
	v39 =	vadd.s32 v2, v50;
	v47 =	vmax.f32 v26, v6  }
0x391: {  	v52 =	vsub.f32 v27, v26;
	v2 =	vadd.s32 v2, v59;
	v46 =	vsub.f32 v46, v47  }
0x392: {  	v55 =	vsel vm11, v44, v39;
	v58 =	vmax.f32 v30, v6;
	v44 =	vsel vm11, v39, v44  }
0x393: {  	[tilespmem:v31+s11+$0x0] =	vst.idx.msk vm4, v28;
	v48 =	vmax.f32 v52, $0.0e+00;
	v57 =	vsub.f32 v29, v30;
	vm12 =	vle.f32 v3, $4.499999880e-01;
	v3 =	vpop (erf)  }
0x394: {  	[tilespmem:v31+s12+$0x0] =	vst.idx.msk vm4, v23;
	v23 =	vld [tilespmem:s21+$0x20];
	v53 =	vadd.f32 v48, v7;
	vm10 =	vmand vm13, vm12;
	v3 =	vmul.f32 v3, v42  }
0x395: {  	v46 =	vmax.f32 v46, $0.0e+00;
	vm12 =	vgt.f32 v37, $-9.999999930e+36;
	v62 =	vnsel vm10, $0xFF800000, v38  }
0x396: {  	(xrf0) =	vadd.scan.msk.s32 vm10, v0;
	v42 =	vmax.f32 v57, $0.0e+00;
	vm9 =	vle.f32 v3, $4.499999880e-01;
	v3 =	vsub.f32 v53, v46  }
0x397: {  	v52 =	vmpcnt.ones.xlane vm10;
	vm14 =	vgt.f32 v62, v4;
	v60 =	vadd.f32 v42, v7  }
0x398: {  	v63 =	vsel vm14, v4, v62;
	v4 =	vsel vm14, v62, v4;
	v3 =	vmax.f32 v3, $9.999999960e-13  }
0x399: {  	v62 =	vmin.f32 v23, v5;
	(erf) = vrcp.f32 v3;
	v3 =	vmin.f32 v29, v5  }
0x39a: {  	v28 =	vld [tilespmem:s22+$0x20];
	[tilespmem:v31+s13+$0x0] =	vst.idx.msk vm4, v22;
	vm9 =	vmand vm12, vm9;
	vm12 =	vgt.f32 v54, v1;
	v3 =	vsub.f32 v3, v58  }
0x39b: {  	[tilespmem:v36+s11+$0x0] =	vst.idx.msk vm5, v25;
	v1 =	vsel vm12, v54, v1;
	v43 =	vsel vm12, v55, v43;
	v54 =	vnsel vm9, $0xFF800000, v37  }
0x39c: {  	v31 =	vld [tilespmem:s23+$0x0];
	[tilespmem:v36+s12+$0x0] =	vst.idx.msk vm5, v18;
	v61, _, _ =	vpop (xrf0);
	vm15 =	vgt.f32 v63, v1;
	vm11 =	vgt.f32 v54, v4;
	v3 =	vmax.f32 v3, $0.0e+00  }
0x39d: {  	(xrf0) =	vadd.scan.msk.s32 vm9, v0;
	v42 =	vadd.s32 v2, v61;
	v1 =	vsel vm15, v63, v1;
	v47 =	vsub.f32 v60, v3  }
0x39e: {  	v22 =	vld [tilespmem:s22+$0x40];
	v2 =	vadd.s32 v2, v52;
	v57 =	vsel vm11, v4, v54;
	v4 =	vsel vm11, v54, v4  }
0x39f: {  	[tilespmem:v36+s13+$0x0] =	vst.idx.msk vm5, v17;
	v48 =	vld [tilespmem:s23+$0x10];
	v61 =	vsub.f32 v23, v28;
	v63 =	vmax.f32 v28, v6;
	v47 =	vmax.f32 v47, $9.999999960e-13  }
0x3a0: {  	v25 =	vld [tilespmem:s22+$0x30];
	[tilespmem:v35+s11+$0x0] =	vst.idx.msk vm3, v24;
	v49 =	vsel vm14, v44, v42;
	v44 =	vsel vm14, v42, v44;
	(erf) = vrcp.f32 v47  }
0x3a1: {  	v18 =	vld [tilespmem:s21+$0x30];
	[tilespmem:v35+s12+$0x0] =	vst.idx.msk vm3, v11;
	vm12 =	vgt.f32 v57, v1;
	vm14 =	vgt.f32 v31, $-9.999999930e+36;
	v52 =	vsub.f32 v62, v63  }
0x3a2: {  	[tilespmem:v39+s11+$0x0] =	vst.idx.msk vm6, v34;
	v55 =	vsel vm15, v49, v43;
	v1 =	vsel vm12, v57, v1;
	v17 =	vmax.f32 v61, $0.0e+00  }
0x3a3: {  	[tilespmem:v39+s12+$0x0] =	vst.idx.msk vm6, v14;
	v49 =	vmax.f32 v22, v6;
	v60 =	vmpcnt.ones.xlane vm9;
	v17 =	vadd.f32 v17, v7;
	v53, _, _ =	vpop (xrf0)  }
0x3a4: {  	[tilespmem:v39+s13+$0x0] =	vst.idx.msk vm6, v10;
	vm15 =	vgt.f32 v48, $-9.999999930e+36;
	v36 =	vmax.f32 v52, $0.0e+00;
	v43 =	vadd.s32 v2, v53  }
0x3a5: {  	v2 =	vadd.s32 v2, v60;
	v57 =	vsub.f32 v17, v36;
	v17 =	vld [tilespmem:s21+$0x40];
	v58 =	vsel vm11, v44, v43;
	v59 =	vpop (erf)  }
0x3a6: {  	v10 =	vld [tilespmem:s22+$0x70];
	v53 =	vsel vm12, v58, v55;
	v58 =	vsub.f32 v18, v25;
	v45 =	vmul.f32 v59, v46  }
0x3a7: {  	v60 =	vmax.f32 v25, v6;
	v44 =	vsel vm11, v43, v44;
	v59 =	vmin.f32 v18, v5  }
0x3a8: {  	[tilespmem:v35+s13+$0x0] =	vst.idx.msk vm3, v9;
	v46 =	vmax.f32 v57, $9.999999960e-13;
	v9 =	vmax.f32 v58, $0.0e+00;
	vm13 =	vle.f32 v45, $4.499999880e-01  }
0x3a9: {  	[tilespmem:v40+s11+$0x0] =	vst.idx.msk vm7, v33;
	v11 =	vsub.f32 v59, v60;
	(erf) = vrcp.f32 v46;
	vm4 =	vmand vm14, vm13;
	v55 =	vpop (erf)  }
0x3aa: {  	v62 =	vsub.f32 v17, v22;
	v63 =	vmin.f32 v17, v5;
	(xrf0) =	vadd.scan.msk.s32 vm4, v0;
	v3 =	vmul.f32 v55, v3  }
0x3ab: {  	v9 =	vadd.f32 v9, v7;
	v46 =	vmax.f32 v10, v6;
	v35 =	vsub.f32 v63, v49  }
0x3ac: {  	[tilespmem:v40+s12+$0x0] =	vst.idx.msk vm7, v16;
	v33 =	vmax.f32 v62, $0.0e+00;
	vm3 =	vle.f32 v3, $4.499999880e-01;
	v3 =	vmax.f32 v11, $0.0e+00  }
0x3ad: {  	v24 =	vld [tilespmem:s21+$0x50];
	[tilespmem:v41+s11+$0x0] =	vst.idx.msk vm8, v32;
	v54 =	vnsel vm4, $0xFF800000, v31;
	v33 =	vadd.f32 v33, v7;
	v9 =	vsub.f32 v9, v3  }
0x3ae: {  	[tilespmem:v41+s12+$0x0] =	vst.idx.msk vm8, v12;
	v52 =	vmax.f32 v35, $0.0e+00;
	v12 =	vmpcnt.ones.xlane vm4;
	vm5 =	vgt.f32 v54, v4;
	v11 =	vld [tilespmem:s22+$0x50]  }
0x3af: {  	[tilespmem:v40+s13+$0x0] =	vst.idx.msk vm7, v15;
	v50 =	vsel vm5, v4, v54;
	v33 =	vsub.f32 v33, v52;
	v15 =	vmax.f32 v9, $9.999999960e-13;
	v9 =	vld [tilespmem:s22+$0x60]  }
0x3b0: {  	v4 =	vsel vm5, v54, v4;
	vm11 =	vgt.f32 v50, v1;
	v61, _, _ =	vpop (xrf0);
	(erf) = vrcp.f32 v15;
	v15 =	vld [tilespmem:s21+$0x60]  }
0x3b1: {  	v33 =	vmax.f32 v33, $9.999999960e-13;
	vm3 =	vmand vm15, vm3;
	v51 =	vadd.s32 v2, v61  }
0x3b2: {  	v2 =	vadd.s32 v2, v12;
	v12 =	vpop (erf);
	v16 =	vsel vm5, v44, v51;
	(erf) = vrcp.f32 v33  }
0x3b3: {  	[tilespmem:v41+s13+$0x0] =	vst.idx.msk vm8, v13;
	v14 =	vmul.f32 v12, v36;
	v13 =	vsel vm11, v16, v53;
	v16 =	vnsel vm3, $0xFF800000, v48  }
0x3b4: {  	v54 =	vmin.f32 v24, v5;
	v53 =	vsub.f32 v24, v11;
	vm7 =	vgt.f32 v16, v4  }
0x3b5: {  	[tilespmem:v42+s11+$0x0] =	vst.idx.msk vm10, v38;
	v33 =	vld [tilespmem:s23+$0x20];
	v55 =	vmax.f32 v11, v6;
	vm12 =	vle.f32 v14, $4.499999880e-01;
	v57 =	vsub.f32 v15, v9  }
0x3b6: {  	(xrf0) =	vadd.scan.msk.s32 vm3, v0;
	v34 =	vsub.f32 v54, v55;
	v12 =	vmax.f32 v53, $0.0e+00;
	v59 =	vmax.f32 v9, v6  }
0x3b7: {  	[tilespmem:v42+s12+$0x0] =	vst.idx.msk vm10, v21;
	v60 =	vadd.f32 v12, v7;
	v58 =	vmin.f32 v15, v5;
	v12 =	vmax.f32 v57, $0.0e+00  }
0x3b8: {  	[tilespmem:v42+s13+$0x0] =	vst.idx.msk vm10, v20;
	v34 =	vmax.f32 v34, $0.0e+00;
	v35 =	vsub.f32 v58, v59;
	v62 =	vadd.f32 v12, v7;
	v12 =	vld [tilespmem:s21+$0x70]  }
0x3b9: {  	v61 =	vsel vm7, v4, v16;
	v4 =	vsel vm7, v16, v4;
	v63 =	vsub.f32 v60, v34;
	v14 =	vpop (erf)  }
0x3ba: {  	[tilespmem:v43+s11+$0x0] =	vst.idx.msk vm9, v37;
	vm13 =	vgt.f32 v33, $-9.999999930e+36;
	v35 =	vmax.f32 v35, $0.0e+00;
	v3 =	vmul.f32 v14, v3  }
0x3bb: {  	[tilespmem:v43+s12+$0x0] =	vst.idx.msk vm9, v8;
	vm6 =	vmand vm13, vm12;
	v16 =	vmax.f32 v63, $9.999999960e-13;
	v41 =	vsub.f32 v62, v35;
	v20 =	vpop (erf)  }
0x3bc: {  	[tilespmem:v43+s13+$0x0] =	vst.idx.msk vm9, v19;
	(erf) = vrcp.f32 v16;
	v14 =	vld [tilespmem:s23+$0x30];
	v8 =	vmul.f32 v20, v52;
	v20, _, _ =	vpop (xrf0);
	vm14 =	vle.f32 v3, $4.499999880e-01  }
0x3bd: {  	(xrf0) =	vadd.scan.msk.s32 vm6, v0;
	v3 =	vmax.f32 v41, $9.999999960e-13;
	v19 =	vadd.s32 v2, v20;
	v42 =	vsub.f32 v12, v10  }
0x3be: {  	v45 =	vmin.f32 v12, v5;
	(erf) = vrcp.f32 v3;
	vm12 =	vle.f32 v8, $4.499999880e-01  }
0x3bf: {  	v16 =	vld [tilespmem:s23+$0x40];
	v8 =	vmpcnt.ones.xlane vm3;
	v3 =	vsub.f32 v45, v46;
	v20 =	vmax.f32 v42, $0.0e+00  }
0x3c0: {  	v1 =	vsel vm11, v50, v1;
	v20 =	vadd.f32 v20, v7  }
0x3c1: {  	v49 =	vsel vm5, v51, v44;
	vm15 =	vgt.f32 v14, $-9.999999930e+36;
	v3 =	vmax.f32 v3, $0.0e+00  }
0x3c2: {  	[tilespmem:v51+s11+$0x0] =	vst.idx.msk vm4, v31;
	v52 =	vnsel vm6, $0xFF800000, v33;
	vm5 =	vmand vm15, vm14;
	v20 =	vsub.f32 v20, v3  }
0x3c3: {  	v50 =	vsel vm7, v49, v19;
	v21 =	vsel vm7, v19, v49;
	v2 =	vadd.s32 v2, v8;
	(xrf0) =	vadd.scan.msk.s32 vm5, v0;
	v8, _, _ =	vpop (xrf0)  }
0x3c4: {  	[tilespmem:v51+s12+$0x0] =	vst.idx.msk vm4, v26;
	vm13 =	vgt.f32 v16, $-9.999999930e+36;
	v8 =	vadd.s32 v2, v8;
	v20 =	vmax.f32 v20, $9.999999960e-13  }
0x3c5: {  	[tilespmem:v51+s13+$0x0] =	vst.idx.msk vm4, v27;
	v51 =	vld [tilespmem:s23+$0x50];
	vm14 =	vgt.f32 v61, v1;
	v53 =	vpop (erf);
	(erf) = vrcp.f32 v20;
	v20 =	vmpcnt.ones.xlane vm6  }
0x3c6: {  	vm4 =	vmand vm13, vm12;
	vm15 =	vgt.f32 v52, v4;
	[tilespmem:v19+s11+$0x0] =	vst.idx.msk vm3, v48;
	v1 =	vsel vm14, v61, v1  }
0x3c7: {  	v13 =	vsel vm14, v50, v13;
	v55 =	vsel vm15, v4, v52;
	[tilespmem:v19+s12+$0x0] =	vst.idx.msk vm3, v30;
	(xrf0) =	vadd.scan.msk.s32 vm4, v0  }
0x3c8: {  	v4 =	vsel vm15, v52, v4;
	vm11 =	vgt.f32 v55, v1;
	[tilespmem:v19+s13+$0x0] =	vst.idx.msk vm3, v29  }
0x3c9: {  	v54 =	vmul.f32 v53, v34;
	v2 =	vadd.s32 v2, v20;
	[tilespmem:v8+s11+$0x0] =	vst.idx.msk vm6, v33;
	v20, _, _ =	vpop (xrf0)  }
0x3ca: {  	vm10 =	vgt.f32 v51, $-9.999999930e+36;
	v61 =	vld [tilespmem:s23+$0x70];
	v58 =	vsel vm15, v21, v8;
	[tilespmem:v8+s12+$0x0] =	vst.idx.msk vm6, v28;
	v19 =	vadd.s32 v2, v20  }
0x3cb: {  	v21 =	vsel vm15, v8, v21;
	vm3 =	vle.f32 v54, $4.499999880e-01;
	[tilespmem:v8+s13+$0x0] =	vst.idx.msk vm6, v23;
	v8 =	vnsel vm5, $0xFF800000, v14;
	v20 =	vld [tilespmem:s23+$0x60]  }
0x3cc: {  	v59 =	vmpcnt.ones.xlane vm5;
	v1 =	vsel vm11, v55, v1;
	v57 =	vpop (erf);
	vm3 =	vmand vm10, vm3  }
0x3cd: {  	v13 =	vsel vm11, v58, v13;
	v26 =	vmul.f32 v57, v35;
	(xrf0) =	vadd.scan.msk.s32 vm3, v0;
	v60, _, _ =	vpop (xrf0);
	vm13 =	vgt.f32 v8, v4  }
0x3ce: {  	v2 =	vadd.s32 v2, v59;
	v62 =	vsel vm13, v4, v8;
	v4 =	vsel vm13, v8, v4;
	v8 =	vpop (erf)  }
0x3cf: {  	vm11 =	vgt.f32 v61, $-9.999999930e+36;
	[tilespmem:v19+s11+$0x0] =	vst.idx.msk vm5, v14;
	v14 =	vadd.s32 v2, v60;
	v3 =	vmul.f32 v8, v3  }
0x3d0: {  	vm12 =	vle.f32 v26, $4.499999880e-01;
	v63 =	vsel vm13, v21, v19;
	vm14 =	vgt.f32 v20, $-9.999999930e+36  }
0x3d1: {  	vm15 =	vgt.f32 v62, v1;
	v8 =	vmpcnt.ones.xlane vm4;
	vm6 =	vmand vm14, vm12  }
0x3d2: {  	v21 =	vsel vm13, v19, v21;
	v1 =	vsel vm15, v62, v1;
	[tilespmem:v19+s12+$0x0] =	vst.idx.msk vm5, v25;
	(xrf0) =	vadd.scan.msk.s32 vm6, v0  }
0x3d3: {  	v13 =	vsel vm15, v63, v13;
	[tilespmem:v19+s13+$0x0] =	vst.idx.msk vm5, v18;
	v2 =	vadd.s32 v2, v8;
	vm10 =	vle.f32 v3, $4.499999880e-01;
	v3, _, _ =	vpop (xrf0)  }
0x3d4: {  	v8 =	vnsel vm4, $0xFF800000, v16;
	vm5 =	vmand vm11, vm10;
	[tilespmem:v14+s11+$0x0] =	vst.idx.msk vm4, v16;
	v3 =	vadd.s32 v2, v3  }
0x3d5: {  	vm12 =	vgt.f32 v8, v4;
	(xrf0) =	vadd.scan.msk.s32 vm5, v0;
	v16 =	vmpcnt.ones.xlane vm3;
	[tilespmem:v14+s12+$0x0] =	vst.idx.msk vm4, v22  }
0x3d6: {  	[tilespmem:v14+s13+$0x0] =	vst.idx.msk vm4, v17;
	v17 =	vsel vm12, v4, v8;
	v4 =	vsel vm12, v8, v4  }
0x3d7: {  	v2 =	vadd.s32 v2, v16;
	v8 =	vsel vm12, v21, v14;
	vm13 =	vgt.f32 v17, v1  }
0x3d8: {  	v14 =	vsel vm12, v14, v21;
	v18, _, _ =	vpop (xrf0);
	v1 =	vsel vm13, v17, v1;
	v17 =	vnsel vm3, $0xFF800000, v51  }
0x3d9: {  	v16 =	vadd.s32 v2, v18;
	v18 =	vmpcnt.ones.xlane vm6;
	[tilespmem:v3+s11+$0x0] =	vst.idx.msk vm3, v51;
	vm14 =	vgt.f32 v17, v4  }
0x3da: {  	v8 =	vsel vm13, v8, v13;
	[tilespmem:v3+s12+$0x0] =	vst.idx.msk vm3, v11;
	v11 =	vsel vm14, v4, v17  }
0x3db: {  	v13, _, _ =	vpop (xrf0);
	v2 =	vadd.s32 v2, v18;
	v4 =	vsel vm14, v17, v4;
	v17 =	vsel vm14, v14, v3  }
0x3dc: {  	[tilespmem:v3+s13+$0x0] =	vst.idx.msk vm3, v24;
	v18 =	vadd.s32 v2, v13;
	vm3 =	vgt.f32 v11, v1  }
0x3dd: {  	v3 =	vsel vm14, v3, v14;
	v13 =	vnsel vm6, $0xFF800000, v20;
	v1 =	vsel vm3, v11, v1  }
0x3de: {  	vm15 =	vgt.f32 v13, v4;
	v8 =	vsel vm3, v17, v8;
	[tilespmem:v16+s11+$0x0] =	vst.idx.msk vm6, v20  }
0x3df: {  	s20 =	sadd.s32 $0x10, s20;
	v11 =	vsel vm15, v3, v16;
	[tilespmem:v16+s12+$0x0] =	vst.idx.msk vm6, v9;
	v9 =	vsel vm15, v4, v13  }
0x3e0: {  	p0 =	slt.s32 s20, s19;
	v3 =	vsel vm15, v16, v3;
	[tilespmem:v16+s13+$0x0] =	vst.idx.msk vm6, v15;
	vm3 =	vgt.f32 v9, v1  }
.Ltmp20:
0x3e1: {  	v4 =	vsel vm15, v13, v4;
	v1 =	vsel vm3, v9, v1;
	[tilespmem:v18+s11+$0x0] =	vst.idx.msk vm5, v61;
	v9 =	vnsel vm5, $0xFF800000, v61;
	(pc) =	sbr.rel @p0 .LBB2_45-.Ltmp20, $4  }
0x3e2: {  	v8 =	vsel vm3, v11, v8;
	[tilespmem:v18+s12+$0x0] =	vst.idx.msk vm5, v10;
	vm3 =	vgt.f32 v9, v4  }
0x3e3: {  	[tilespmem:v18+s13+$0x0] =	vst.idx.msk vm5, v12;
	v10 =	vsel vm3, v4, v9;
	v11 =	vsel vm3, v3, v18;
	v12 =	vmpcnt.ones.xlane vm5  }
0x3e4: {  	v13 =	vsel vm3, v9, v4;
	v14 =	vsel vm3, v18, v3;
	vm3 =	vgt.f32 v10, v1  }
0x3e5: {  	s22 =	sadd.s32 $0x100, s22;
	s21 =	sadd.s32 $0x100, s21;
	s23 =	sadd.s32 $0x100, s23;
	v10 =	vsel vm3, v10, v1;
	v8 =	vsel vm3, v11, v8;
	v19 =	vadd.s32 v2, v12  }
.Ltmp21:
0x3e6: {  	_ = 	snop;
	(pc) =	sbr.rel .LBB2_40-.Ltmp21, $1  }
0x3e7: {  	_ =	sdelay $0x3  }
.LBB2_30:
0x3e8: {  	v14 =	vimm.s32 $0x0  }
0x3e9: {  	v26 =	vimm.s32 $0xFFFFFFFF;
	v10 =	vimm.f32 $-Inf;
	v8 =	vimm.s32 $0x0  }
.LBB2_31:
0x3ea: {  	s20 =	ssub.s32 s18, s19  }
0x3eb: {  	p0 =	slt.s32 s20, $0x1  }
.Ltmp22:
0x3ec: {  	_ = 	snop;
	(pc) =	sbr.rel @p0 .LBB2_32-.Ltmp22, $1  }
0x3ed: {  	_ =	sdelay $0x3  }
0x3ee: {  	s20 =	sshll.u32 s19, $0x6  }
0x3ef: {  	s20 =	sshra.s32 s20, $0x2  }
0x3f0: {  	v56 =	vlaneseq.u32;
	s21 =	sadd.s32 $0x4E80, s20;
	s22 =	sadd.s32 $0x9D00, s20  }
.LBB2_36:
0x3f1: {  	v1 =	vld [tilespmem:s21+$0x0]  }
0x3f2: {  	v2 =	vld [tilespmem:s22+$0x0];
	_ =	sdelay $0x4  }
0x3f3: {  	v3 =	vsub.f32 v2, v1  }
0x3f4: {  	v4 =	vmin.f32 v2, v5;
	v15 =	vmax.f32 v1, v6;
	v16 =	vmax.f32 v1, v9  }
0x3f5: {  	v4 =	vsub.f32 v4, v15;
	v15 =	vmin.f32 v2, v11;
	v3 =	vmax.f32 v3, $0.0e+00  }
0x3f6: {  	v15 =	vsub.f32 v15, v16;
	v17 =	vadd.f32 v3, v7  }
0x3f7: {  	v4 =	vmax.f32 v4, $0.0e+00;
	v3 =	vadd.f32 v3, v12  }
0x3f8: {  	v15 =	vmax.f32 v15, $0.0e+00;
	v61 =	vsub.f32 v17, v4  }
0x3f9: {  	v3 =	vsub.f32 v3, v15  }
0x3fa: {  	v16 =	vmax.f32 v61, $9.999999960e-13  }
0x3fb: {  	v3 =	vmax.f32 v3, $9.999999960e-13;
	(erf) = vrcp.f32 v16  }
0x3fc: {  	(erf) = vrcp.f32 v3;
	_ =	sdelay $0x7  }
0x3fd: {  	v62 =	vld [tilespmem:s20+$0x0];
	v3 =	vpop (erf)  }
0x3fe: {  	v63 =	vpop (erf)  }
0x3ff: {  	v3 =	vmul.f32 v3, v4;
	v4 =	vmul.f32 v63, v15;
	_ =	sdelay $0x1  }
0x400: {  	vm3 =	vle.f32 v3, $4.499999880e-01;
	vm4 =	vle.f32 v4, $4.499999880e-01  }
0x401: {  	vm5 =	vgt.f32 v62, $-9.999999930e+36;
	vm3 =	vmand vm3, vm4  }
0x402: {  	vm3 =	vmand vm3, vm5  }
0x403: {  	(xrf0) =	vadd.scan.msk.s32 vm3, v0;
	_ =	sdelay $0x5  }
0x404: {  	v3, _, _ =	vpop (xrf0)  }
0x405: {  	v3 =	vadd.s32 v26, v3;
	_ =	sdelay $0x1  }
0x406: {  	s19 =	sadd.s32 $0x1, s19  }
0x407: {  	p0 =	slt.s32 s19, s18;
	v15 =	vmpcnt.ones.xlane vm3  }
.Ltmp23:
0x408: {  	v4 =	vnsel vm3, $0xFF800000, v62;
	(pc) =	sbr.rel @p0 .LBB2_36-.Ltmp23, $4  }
0x409: {  	vm15 =	vgt.f32 v4, v13;
	v26 =	vadd.s32 v26, v15;
	[tilespmem:v3+s11+$0x0] =	vst.idx.msk vm3, v62  }
0x40a: {  	[tilespmem:v3+s12+$0x0] =	vst.idx.msk vm3, v1;
	v1 =	vsel vm15, v13, v4;
	v13 =	vsel vm15, v4, v13  }
0x40b: {  	[tilespmem:v3+s13+$0x0] =	vst.idx.msk vm3, v2;
	v2 =	vsel vm15, v14, v3;
	vm3 =	vgt.f32 v1, v10  }
0x40c: {  	s20 =	sadd.s32 $0x10, s20;
	s21 =	sadd.s32 $0x10, s21;
	s22 =	sadd.s32 $0x10, s22;
	v14 =	vsel vm15, v3, v14;
	v10 =	vsel vm3, v1, v10;
	v8 =	vsel vm3, v2, v8  }
.Ltmp24:
0x40d: {  	_ = 	snop;
	(pc) =	sbr.rel .LBB2_37-.Ltmp24, $1  }
0x40e: {  	_ =	sdelay $0x3  }
.LBB2_32:
0x40f: {  	v56 =	vlaneseq.u32  }
.LBB2_37:
0x410: {  	v1 =	vxor.u32 $0x80000000, v26  }
0x411: {  	(xrf0) =	vmax.scan.msk.u32 $0xffff, v1;
	_ =	sdelay $0x5  }
0x412: {  	v1, _, _ =	vpop (xrf0)  }
0x413: {  	(v2sf) =	vpush v1, $0xF;
	_ =	sdelay $0xe  }
0x414: {  	s18 =	spop (v2sf)  }
0x415: {  	s18 =	sadd.s32 $0x80000001, s18  }
0x416: {  	v1 =	vadd.s32 s18, v56  }
.Ltmp25:
0x417: {  	_ = 	snop;
	(pc) =	sbr.rel .LBB2_47-.Ltmp25, $3  }
0x418: {  	_ =	sdelay $0x1  }
0x419: {  	v2 =	vimm.f32 $-Inf  }
0x41a: {  	s19 =	simm.s32 $0x2;
	[tilespmem:v1+s11+$0x0] =	vst.idx.msk $0xffff, v2  }
.LBB2_18:
0x41b: {  	s19 =	sand.u32 $0xF, s18  }
0x41c: {  	s30 =	sshra.s32 s18, $0x1F;
	p1 =	slt.s32 s18, $0x1;
	p0 =	sne.s32 s19, $0x0  }
0x41d: {  	s19 =	sshrl.u32 s30, $0x1C;
	p0 =	por !p1, !p0  }
0x41e: {  	s31 =	sadd.s32 s19, s18;
	s19 =	simm.s32 $0x1;
	p0 =	por !p0, !p0  }
0x41f: {  	s18 =	sshra.s32 s31, $0x4;
	s19 =	simm.s32 @!p0 $0x0  }
0x420: {  	s18 =	ssub.s32 s18, s19  }
0x421: {  	s19 =	sshrl.u32 s18, $0x1C  }
0x422: {  	s19 =	sadd.s32 s19, s18  }
0x423: {  	s19 =	sand.u32 $0xFFFFFFF0, s19  }
0x424: {  	p0 =	slt.s32 s19, $0x1  }
.Ltmp26:
0x425: {  	_ = 	snop;
	(pc) =	sbr.rel @p0 .LBB2_19-.Ltmp26, $3  }
0x426: {  	_ =	sdelay $0x1  }
0x427: {  	v13 =	vimm.f32 $-Inf  }
0x428: {  	[tilespmem:v8+s11+$0x0] =	vst.idx.msk $0x1, v13  }
0x429: {  	s20 =	simm.s32 $0x0;
	v19 =	vimm.s32 $0xFFFFFFFF;
	v10 =	vimm.f32 $-Inf  }
0x42a: {  	v8 =	vimm.s32 $0x0;
	s21 =	simm.s32 $0x18900;
	s22 =	simm.s32 $0x13A80;
	s23 =	simm.s32 $0xEC00;
	v14 =	vimm.s32 $0x0;
	v13 =	vimm.f32 $-Inf  }
.LBB2_25:
0x42b: {  	v23 =	vld [tilespmem:s22+$0xFFFFFF80]  }
0x42c: {  	v22 =	vld [tilespmem:s21+$0xFFFFFF80];
	_ =	sdelay $0x4  }
0x42d: {  	v1 =	vsub.f32 v22, v23  }
0x42e: {  	v2 =	vmin.f32 v22, v5;
	v3 =	vmax.f32 v23, v6  }
0x42f: {  	v2 =	vsub.f32 v2, v3;
	v1 =	vmax.f32 v1, $0.0e+00  }
0x430: {  	v1 =	vadd.f32 v1, v7  }
0x431: {  	v2 =	vmax.f32 v2, $0.0e+00  }
0x432: {  	v18 =	vld [tilespmem:s22+$0xFFFFFF90];
	v1 =	vsub.f32 v1, v2  }
0x433: {  	v17 =	vld [tilespmem:s21+$0xFFFFFF90]  }
0x434: {  	v1 =	vmax.f32 v1, $9.999999960e-13  }
0x435: {  	(erf) = vrcp.f32 v1;
	_ =	sdelay $0x2  }
0x436: {  	v11 =	vld [tilespmem:s22+$0xFFFFFFA0];
	v1 =	vsub.f32 v17, v18  }
0x437: {  	v9 =	vld [tilespmem:s21+$0xFFFFFFA0];
	v4 =	vmax.f32 v18, v6;
	v3 =	vmin.f32 v17, v5  }
0x438: {  	v3 =	vsub.f32 v3, v4;
	v1 =	vmax.f32 v1, $0.0e+00  }
0x439: {  	v1 =	vadd.f32 v1, v7  }
0x43a: {  	v3 =	vmax.f32 v3, $0.0e+00  }
0x43b: {  	v1 =	vsub.f32 v1, v3  }
0x43c: {  	v28 =	vld [tilespmem:s23+$0xFFFFFF80];
	v15 =	vmax.f32 v11, v6;
	v4 =	vsub.f32 v9, v11;
	v12 =	vpop (erf)  }
0x43d: {  	v1 =	vmax.f32 v1, $9.999999960e-13;
	v2 =	vmul.f32 v12, v2;
	v12 =	vmin.f32 v9, v5  }
0x43e: {  	v4 =	vmax.f32 v4, $0.0e+00;
	(erf) = vrcp.f32 v1;
	v12 =	vsub.f32 v12, v15  }
0x43f: {  	v4 =	vadd.f32 v4, v7  }
0x440: {  	vm3 =	vle.f32 v2, $4.499999880e-01;
	v2 =	vmax.f32 v12, $0.0e+00  }
0x441: {  	vm4 =	vgt.f32 v28, $-9.999999930e+36;
	v1 =	vsub.f32 v4, v2  }
0x442: {  	v25 =	vld [tilespmem:s23+$0xFFFFFF90];
	vm4 =	vmand vm4, vm3  }
0x443: {  	v16 =	vld [tilespmem:s22+$0xFFFFFFB0];
	(xrf0) =	vadd.scan.msk.s32 vm4, v0;
	v1 =	vmax.f32 v1, $9.999999960e-13  }
0x444: {  	v24 =	vld [tilespmem:s23+$0xFFFFFFA0];
	(erf) = vrcp.f32 v1;
	_ =	sdelay $0x2  }
0x445: {  	vm5 =	vgt.f32 v25, $-9.999999930e+36;
	v15 =	vld [tilespmem:s21+$0xFFFFFFB0];
	v12 =	vpop (erf)  }
0x446: {  	v26 =	vmax.f32 v16, v6;
	v4 =	vnsel vm4, $0xFF800000, v28;
	v3 =	vmul.f32 v12, v3;
	v12 =	vld [tilespmem:s22+$0xFFFFFFC0]  }
0x447: {  	vm7 =	vgt.f32 v24, $-9.999999930e+36;
	v45 =	vmpcnt.ones.xlane vm4;
	vm3 =	vgt.f32 v4, v13;
	v1, _, _ =	vpop (xrf0)  }
0x448: {  	v31 =	vadd.s32 v19, v1;
	v1 =	vsel vm3, v13, v4;
	v4 =	vsel vm3, v4, v13;
	v13 =	vld [tilespmem:s21+$0xFFFFFFC0]  }
0x449: {  	v19 =	vadd.s32 v19, v45;
	v20 =	vsel vm3, v14, v31;
	vm6 =	vgt.f32 v1, v10  }
0x44a: {  	v21 =	vsel vm3, v31, v14;
	vm3 =	vle.f32 v3, $4.499999880e-01;
	v1 =	vsel vm6, v1, v10  }
0x44b: {  	vm5 =	vmand vm5, vm3;
	v10 =	vmin.f32 v15, v5;
	v29 =	vmax.f32 v12, v6;
	v3 =	vpop (erf)  }
0x44c: {  	v48 =	vnsel vm5, $0xFF800000, v25;
	v2 =	vmul.f32 v3, v2;
	v3 =	vsub.f32 v15, v16  }
0x44d: {  	v14 =	vld [tilespmem:s22+$0xFFFFFFD0];
	v8 =	vsel vm6, v20, v8;
	vm9 =	vgt.f32 v48, v4;
	v44 =	vsub.f32 v13, v12  }
0x44e: {  	vm3 =	vle.f32 v2, $4.499999880e-01;
	v2 =	vmax.f32 v3, $0.0e+00;
	v3 =	vsub.f32 v10, v26;
	v10 =	vld [tilespmem:s21+$0xFFFFFFD0]  }
0x44f: {  	(xrf0) =	vadd.scan.msk.s32 vm5, v0;
	v27 =	vmin.f32 v13, v5;
	v20 =	vsel vm9, v4, v48;
	v2 =	vadd.f32 v2, v7  }
0x450: {  	v27 =	vsub.f32 v27, v29;
	v26 =	vmax.f32 v44, $0.0e+00;
	v3 =	vmax.f32 v3, $0.0e+00  }
0x451: {  	vm10 =	vgt.f32 v20, v1;
	v26 =	vadd.f32 v26, v7;
	v2 =	vsub.f32 v2, v3  }
0x452: {  	v33 =	vmax.f32 v14, v6;
	v1 =	vsel vm10, v20, v1;
	v27 =	vmax.f32 v27, $0.0e+00  }
0x453: {  	v26 =	vsub.f32 v26, v27;
	v2 =	vmax.f32 v2, $9.999999960e-13;
	v30 =	vsub.f32 v10, v14  }
0x454: {  	vm3 =	vmand vm7, vm3;
	v32 =	vmin.f32 v10, v5;
	(erf) = vrcp.f32 v2  }
0x455: {  	v47, _, _ =	vpop (xrf0);
	(xrf0) =	vadd.scan.msk.s32 vm3, v0;
	v26 =	vmax.f32 v26, $9.999999960e-13;
	v46 =	vsub.f32 v32, v33;
	v2 =	vmax.f32 v30, $0.0e+00  }
0x456: {  	v20 =	vld [tilespmem:s21+$0xFFFFFFE0];
	v36 =	vadd.s32 v19, v47;
	(erf) = vrcp.f32 v26;
	v2 =	vadd.f32 v2, v7  }
0x457: {  	v29 =	vsel vm9, v21, v36;
	v34 =	vsel vm9, v36, v21;
	v21 =	vld [tilespmem:s22+$0xFFFFFFE0];
	v49 =	vmax.f32 v46, $0.0e+00  }
0x458: {  	v2 =	vsub.f32 v2, v49  }
0x459: {  	v50 =	vmpcnt.ones.xlane vm5;
	v4 =	vsel vm9, v48, v4;
	v51 =	vnsel vm3, $0xFF800000, v24;
	v33 =	vld [tilespmem:s23+$0xFFFFFFB0]  }
0x45a: {  	v53 =	vmpcnt.ones.xlane vm3;
	vm11 =	vgt.f32 v51, v4;
	v32 =	vld [tilespmem:s23+$0xFFFFFFC0];
	v2 =	vmax.f32 v2, $9.999999960e-13  }
0x45b: {  	v29 =	vsel vm10, v29, v8;
	(erf) = vrcp.f32 v2;
	v2 =	vadd.s32 v19, v50;
	v19, _, _ =	vpop (xrf0)  }
0x45c: {  	v55 =	vsub.f32 v20, v21;
	v57 =	vmax.f32 v21, v6;
	v35 =	vadd.s32 v2, v19  }
0x45d: {  	v19 =	vsel vm11, v4, v51;
	v8 =	vpop (erf);
	v37 =	vsel vm11, v34, v35;
	v52 =	vsel vm11, v35, v34;
	v34 =	vld [tilespmem:s23+$0xFFFFFFD0]  }
0x45e: {  	vm14 =	vgt.f32 v33, $-9.999999930e+36;
	vm12 =	vgt.f32 v19, v1;
	v3 =	vmul.f32 v8, v3;
	v8 =	vld [tilespmem:s22+$0xFFFFFFF0]  }
0x45f: {  	vm8 =	vgt.f32 v32, $-9.999999930e+36;
	v4 =	vsel vm11, v51, v4;
	v1 =	vsel vm12, v19, v1;
	v54 =	vpop (erf);
	v19 =	vld [tilespmem:s21+$0xFFFFFFF0]  }
0x460: {  	v2 =	vadd.s32 v2, v53;
	vm13 =	vle.f32 v3, $4.499999880e-01;
	v3 =	vmul.f32 v54, v27  }
0x461: {  	v29 =	vsel vm12, v37, v29;
	v27 =	vmax.f32 v55, $0.0e+00;
	vm7 =	vmand vm14, vm13  }
0x462: {  	v27 =	vadd.f32 v27, v7;
	vm15 =	vle.f32 v3, $4.499999880e-01;
	v3 =	vmin.f32 v20, v5  }
0x463: {  	v60 =	vnsel vm7, $0xFF800000, v33;
	vm9 =	vgt.f32 v34, $-9.999999930e+36;
	v3 =	vsub.f32 v3, v57  }
0x464: {  	v46 =	vmpcnt.ones.xlane vm7;
	v59 =	vsub.f32 v19, v8;
	v38 =	vmin.f32 v19, v5  }
0x465: {  	v39 =	vmax.f32 v8, v6;
	vm8 =	vmand vm8, vm15;
	v3 =	vmax.f32 v3, $0.0e+00  }
0x466: {  	vm10 =	vgt.f32 v60, v4;
	v38 =	vsub.f32 v38, v39;
	v27 =	vsub.f32 v27, v3  }
0x467: {  	(xrf0) =	vadd.scan.msk.s32 vm7, v0;
	v58 =	vpop (erf);
	v44 =	vsel vm10, v4, v60;
	v4 =	vsel vm10, v60, v4;
	v48 =	vnsel vm8, $0xFF800000, v32  }
0x468: {  	v26 =	vmul.f32 v58, v49;
	v37 =	vmax.f32 v59, $0.0e+00;
	v61 =	vmax.f32 v27, $9.999999960e-13  }
0x469: {  	(xrf0) =	vadd.scan.msk.s32 vm8, v0;
	vm13 =	vgt.f32 v44, v1;
	v37 =	vadd.f32 v37, v7;
	(erf) = vrcp.f32 v61  }
0x46a: {  	vm14 =	vgt.f32 v48, v4;
	v42 =	vmax.f32 v38, $0.0e+00;
	v1 =	vsel vm13, v44, v1  }
0x46b: {  	v39 =	vsel vm14, v4, v48;
	vm12 =	vle.f32 v26, $4.499999880e-01;
	v63 =	vsub.f32 v37, v42  }
0x46c: {  	v49 =	vmpcnt.ones.xlane vm8;
	vm15 =	vgt.f32 v39, v1;
	vm6 =	vmand vm9, vm12  }
0x46d: {  	v4 =	vsel vm14, v48, v4;
	v38 =	vld [tilespmem:s23+$0xFFFFFFE0];
	v62, _, _ =	vpop (xrf0);
	v1 =	vsel vm15, v39, v1;
	(xrf0) =	vadd.scan.msk.s32 vm6, v0;
	v26 =	vmax.f32 v63, $9.999999960e-13  }
0x46e: {  	v27 =	vld [tilespmem:s21+$0x0];
	v40 =	vadd.s32 v2, v62;
	v2 =	vadd.s32 v2, v46;
	(erf) = vrcp.f32 v26  }
0x46f: {  	v59 =	vmpcnt.ones.xlane vm6;
	v45 =	vsel vm10, v52, v40;
	v30 =	vsel vm10, v40, v52;
	v47, _, _ =	vpop (xrf0);
	v26 =	vld [tilespmem:s22+$0x0]  }
0x470: {  	v29 =	vsel vm13, v45, v29;
	v41 =	vadd.s32 v2, v47;
	v2 =	vadd.s32 v2, v49  }
0x471: {  	v45 =	vnsel vm6, $0xFF800000, v34;
	v43 =	vsel vm14, v30, v41;
	v44 =	vsel vm14, v41, v30;
	v30 =	vld [tilespmem:s22+$0x10]  }
0x472: {  	vm13 =	vgt.f32 v38, $-9.999999930e+36;
	vm11 =	vgt.f32 v45, v4;
	v43 =	vsel vm15, v43, v29;
	v29 =	vld [tilespmem:s21+$0x10];
	v51 =	vpop (erf)  }
0x473: {  	v46 =	vmin.f32 v27, v5;
	v54 =	vsel vm11, v4, v45;
	v50, _, _ =	vpop (xrf0);
	v3 =	vmul.f32 v51, v3  }
0x474: {  	v37 =	vld [tilespmem:s23+$0xFFFFFFF0];
	v4 =	vsel vm11, v45, v4;
	v39 =	vadd.s32 v2, v50;
	v47 =	vmax.f32 v26, v6  }
0x475: {  	v52 =	vsub.f32 v27, v26;
	v2 =	vadd.s32 v2, v59;
	v46 =	vsub.f32 v46, v47  }
0x476: {  	v55 =	vsel vm11, v44, v39;
	v58 =	vmax.f32 v30, v6;
	v44 =	vsel vm11, v39, v44  }
0x477: {  	[tilespmem:v31+s2+$0x0] =	vst.idx.msk vm4, v28;
	v48 =	vmax.f32 v52, $0.0e+00;
	v57 =	vsub.f32 v29, v30;
	vm12 =	vle.f32 v3, $4.499999880e-01;
	v3 =	vpop (erf)  }
0x478: {  	[tilespmem:v31+s9+$0x0] =	vst.idx.msk vm4, v23;
	v23 =	vld [tilespmem:s21+$0x20];
	v53 =	vadd.f32 v48, v7;
	vm10 =	vmand vm13, vm12;
	v3 =	vmul.f32 v3, v42  }
0x479: {  	v46 =	vmax.f32 v46, $0.0e+00;
	vm12 =	vgt.f32 v37, $-9.999999930e+36;
	v62 =	vnsel vm10, $0xFF800000, v38  }
0x47a: {  	(xrf0) =	vadd.scan.msk.s32 vm10, v0;
	v42 =	vmax.f32 v57, $0.0e+00;
	vm9 =	vle.f32 v3, $4.499999880e-01;
	v3 =	vsub.f32 v53, v46  }
0x47b: {  	v52 =	vmpcnt.ones.xlane vm10;
	vm14 =	vgt.f32 v62, v4;
	v60 =	vadd.f32 v42, v7  }
0x47c: {  	v63 =	vsel vm14, v4, v62;
	v4 =	vsel vm14, v62, v4;
	v3 =	vmax.f32 v3, $9.999999960e-13  }
0x47d: {  	v62 =	vmin.f32 v23, v5;
	(erf) = vrcp.f32 v3;
	v3 =	vmin.f32 v29, v5  }
0x47e: {  	v28 =	vld [tilespmem:s22+$0x20];
	[tilespmem:v31+s10+$0x0] =	vst.idx.msk vm4, v22;
	vm9 =	vmand vm12, vm9;
	vm12 =	vgt.f32 v54, v1;
	v3 =	vsub.f32 v3, v58  }
0x47f: {  	[tilespmem:v36+s2+$0x0] =	vst.idx.msk vm5, v25;
	v1 =	vsel vm12, v54, v1;
	v43 =	vsel vm12, v55, v43;
	v54 =	vnsel vm9, $0xFF800000, v37  }
0x480: {  	v31 =	vld [tilespmem:s23+$0x0];
	[tilespmem:v36+s9+$0x0] =	vst.idx.msk vm5, v18;
	v61, _, _ =	vpop (xrf0);
	vm15 =	vgt.f32 v63, v1;
	vm11 =	vgt.f32 v54, v4;
	v3 =	vmax.f32 v3, $0.0e+00  }
0x481: {  	(xrf0) =	vadd.scan.msk.s32 vm9, v0;
	v42 =	vadd.s32 v2, v61;
	v1 =	vsel vm15, v63, v1;
	v47 =	vsub.f32 v60, v3  }
0x482: {  	v22 =	vld [tilespmem:s22+$0x40];
	v2 =	vadd.s32 v2, v52;
	v57 =	vsel vm11, v4, v54;
	v4 =	vsel vm11, v54, v4  }
0x483: {  	[tilespmem:v36+s10+$0x0] =	vst.idx.msk vm5, v17;
	v48 =	vld [tilespmem:s23+$0x10];
	v61 =	vsub.f32 v23, v28;
	v63 =	vmax.f32 v28, v6;
	v47 =	vmax.f32 v47, $9.999999960e-13  }
0x484: {  	v25 =	vld [tilespmem:s22+$0x30];
	[tilespmem:v35+s2+$0x0] =	vst.idx.msk vm3, v24;
	v49 =	vsel vm14, v44, v42;
	v44 =	vsel vm14, v42, v44;
	(erf) = vrcp.f32 v47  }
0x485: {  	v18 =	vld [tilespmem:s21+$0x30];
	[tilespmem:v35+s9+$0x0] =	vst.idx.msk vm3, v11;
	vm12 =	vgt.f32 v57, v1;
	vm14 =	vgt.f32 v31, $-9.999999930e+36;
	v52 =	vsub.f32 v62, v63  }
0x486: {  	[tilespmem:v39+s2+$0x0] =	vst.idx.msk vm6, v34;
	v55 =	vsel vm15, v49, v43;
	v1 =	vsel vm12, v57, v1;
	v17 =	vmax.f32 v61, $0.0e+00  }
0x487: {  	[tilespmem:v39+s9+$0x0] =	vst.idx.msk vm6, v14;
	v49 =	vmax.f32 v22, v6;
	v60 =	vmpcnt.ones.xlane vm9;
	v17 =	vadd.f32 v17, v7;
	v53, _, _ =	vpop (xrf0)  }
0x488: {  	[tilespmem:v39+s10+$0x0] =	vst.idx.msk vm6, v10;
	vm15 =	vgt.f32 v48, $-9.999999930e+36;
	v36 =	vmax.f32 v52, $0.0e+00;
	v43 =	vadd.s32 v2, v53  }
0x489: {  	v2 =	vadd.s32 v2, v60;
	v57 =	vsub.f32 v17, v36;
	v17 =	vld [tilespmem:s21+$0x40];
	v58 =	vsel vm11, v44, v43;
	v59 =	vpop (erf)  }
0x48a: {  	v10 =	vld [tilespmem:s22+$0x70];
	v53 =	vsel vm12, v58, v55;
	v58 =	vsub.f32 v18, v25;
	v45 =	vmul.f32 v59, v46  }
0x48b: {  	v60 =	vmax.f32 v25, v6;
	v44 =	vsel vm11, v43, v44;
	v59 =	vmin.f32 v18, v5  }
0x48c: {  	[tilespmem:v35+s10+$0x0] =	vst.idx.msk vm3, v9;
	v46 =	vmax.f32 v57, $9.999999960e-13;
	v9 =	vmax.f32 v58, $0.0e+00;
	vm13 =	vle.f32 v45, $4.499999880e-01  }
0x48d: {  	[tilespmem:v40+s2+$0x0] =	vst.idx.msk vm7, v33;
	v11 =	vsub.f32 v59, v60;
	(erf) = vrcp.f32 v46;
	vm4 =	vmand vm14, vm13;
	v55 =	vpop (erf)  }
0x48e: {  	v62 =	vsub.f32 v17, v22;
	v63 =	vmin.f32 v17, v5;
	(xrf0) =	vadd.scan.msk.s32 vm4, v0;
	v3 =	vmul.f32 v55, v3  }
0x48f: {  	v9 =	vadd.f32 v9, v7;
	v46 =	vmax.f32 v10, v6;
	v35 =	vsub.f32 v63, v49  }
0x490: {  	[tilespmem:v40+s9+$0x0] =	vst.idx.msk vm7, v16;
	v33 =	vmax.f32 v62, $0.0e+00;
	vm3 =	vle.f32 v3, $4.499999880e-01;
	v3 =	vmax.f32 v11, $0.0e+00  }
0x491: {  	v24 =	vld [tilespmem:s21+$0x50];
	[tilespmem:v41+s2+$0x0] =	vst.idx.msk vm8, v32;
	v54 =	vnsel vm4, $0xFF800000, v31;
	v33 =	vadd.f32 v33, v7;
	v9 =	vsub.f32 v9, v3  }
0x492: {  	[tilespmem:v41+s9+$0x0] =	vst.idx.msk vm8, v12;
	v52 =	vmax.f32 v35, $0.0e+00;
	v12 =	vmpcnt.ones.xlane vm4;
	vm5 =	vgt.f32 v54, v4;
	v11 =	vld [tilespmem:s22+$0x50]  }
0x493: {  	[tilespmem:v40+s10+$0x0] =	vst.idx.msk vm7, v15;
	v50 =	vsel vm5, v4, v54;
	v33 =	vsub.f32 v33, v52;
	v15 =	vmax.f32 v9, $9.999999960e-13;
	v9 =	vld [tilespmem:s22+$0x60]  }
0x494: {  	v4 =	vsel vm5, v54, v4;
	vm11 =	vgt.f32 v50, v1;
	v61, _, _ =	vpop (xrf0);
	(erf) = vrcp.f32 v15;
	v15 =	vld [tilespmem:s21+$0x60]  }
0x495: {  	v33 =	vmax.f32 v33, $9.999999960e-13;
	vm3 =	vmand vm15, vm3;
	v51 =	vadd.s32 v2, v61  }
0x496: {  	v2 =	vadd.s32 v2, v12;
	v12 =	vpop (erf);
	v16 =	vsel vm5, v44, v51;
	(erf) = vrcp.f32 v33  }
0x497: {  	[tilespmem:v41+s10+$0x0] =	vst.idx.msk vm8, v13;
	v14 =	vmul.f32 v12, v36;
	v13 =	vsel vm11, v16, v53;
	v16 =	vnsel vm3, $0xFF800000, v48  }
0x498: {  	v54 =	vmin.f32 v24, v5;
	v53 =	vsub.f32 v24, v11;
	vm7 =	vgt.f32 v16, v4  }
0x499: {  	[tilespmem:v42+s2+$0x0] =	vst.idx.msk vm10, v38;
	v33 =	vld [tilespmem:s23+$0x20];
	v55 =	vmax.f32 v11, v6;
	vm12 =	vle.f32 v14, $4.499999880e-01;
	v57 =	vsub.f32 v15, v9  }
0x49a: {  	(xrf0) =	vadd.scan.msk.s32 vm3, v0;
	v34 =	vsub.f32 v54, v55;
	v12 =	vmax.f32 v53, $0.0e+00;
	v59 =	vmax.f32 v9, v6  }
0x49b: {  	[tilespmem:v42+s9+$0x0] =	vst.idx.msk vm10, v21;
	v60 =	vadd.f32 v12, v7;
	v58 =	vmin.f32 v15, v5;
	v12 =	vmax.f32 v57, $0.0e+00  }
0x49c: {  	[tilespmem:v42+s10+$0x0] =	vst.idx.msk vm10, v20;
	v34 =	vmax.f32 v34, $0.0e+00;
	v35 =	vsub.f32 v58, v59;
	v62 =	vadd.f32 v12, v7;
	v12 =	vld [tilespmem:s21+$0x70]  }
0x49d: {  	v61 =	vsel vm7, v4, v16;
	v4 =	vsel vm7, v16, v4;
	v63 =	vsub.f32 v60, v34;
	v14 =	vpop (erf)  }
0x49e: {  	[tilespmem:v43+s2+$0x0] =	vst.idx.msk vm9, v37;
	vm13 =	vgt.f32 v33, $-9.999999930e+36;
	v35 =	vmax.f32 v35, $0.0e+00;
	v3 =	vmul.f32 v14, v3  }
0x49f: {  	[tilespmem:v43+s9+$0x0] =	vst.idx.msk vm9, v8;
	vm6 =	vmand vm13, vm12;
	v16 =	vmax.f32 v63, $9.999999960e-13;
	v41 =	vsub.f32 v62, v35;
	v20 =	vpop (erf)  }
0x4a0: {  	[tilespmem:v43+s10+$0x0] =	vst.idx.msk vm9, v19;
	(erf) = vrcp.f32 v16;
	v14 =	vld [tilespmem:s23+$0x30];
	v8 =	vmul.f32 v20, v52;
	v20, _, _ =	vpop (xrf0);
	vm14 =	vle.f32 v3, $4.499999880e-01  }
0x4a1: {  	(xrf0) =	vadd.scan.msk.s32 vm6, v0;
	v3 =	vmax.f32 v41, $9.999999960e-13;
	v19 =	vadd.s32 v2, v20;
	v42 =	vsub.f32 v12, v10  }
0x4a2: {  	v45 =	vmin.f32 v12, v5;
	(erf) = vrcp.f32 v3;
	vm12 =	vle.f32 v8, $4.499999880e-01  }
0x4a3: {  	v16 =	vld [tilespmem:s23+$0x40];
	v8 =	vmpcnt.ones.xlane vm3;
	v3 =	vsub.f32 v45, v46;
	v20 =	vmax.f32 v42, $0.0e+00  }
0x4a4: {  	v1 =	vsel vm11, v50, v1;
	v20 =	vadd.f32 v20, v7  }
0x4a5: {  	v49 =	vsel vm5, v51, v44;
	vm15 =	vgt.f32 v14, $-9.999999930e+36;
	v3 =	vmax.f32 v3, $0.0e+00  }
0x4a6: {  	[tilespmem:v51+s2+$0x0] =	vst.idx.msk vm4, v31;
	v52 =	vnsel vm6, $0xFF800000, v33;
	vm5 =	vmand vm15, vm14;
	v20 =	vsub.f32 v20, v3  }
0x4a7: {  	v50 =	vsel vm7, v49, v19;
	v21 =	vsel vm7, v19, v49;
	v2 =	vadd.s32 v2, v8;
	(xrf0) =	vadd.scan.msk.s32 vm5, v0;
	v8, _, _ =	vpop (xrf0)  }
0x4a8: {  	[tilespmem:v51+s9+$0x0] =	vst.idx.msk vm4, v26;
	vm13 =	vgt.f32 v16, $-9.999999930e+36;
	v8 =	vadd.s32 v2, v8;
	v20 =	vmax.f32 v20, $9.999999960e-13  }
0x4a9: {  	[tilespmem:v51+s10+$0x0] =	vst.idx.msk vm4, v27;
	v51 =	vld [tilespmem:s23+$0x50];
	vm14 =	vgt.f32 v61, v1;
	v53 =	vpop (erf);
	(erf) = vrcp.f32 v20;
	v20 =	vmpcnt.ones.xlane vm6  }
0x4aa: {  	vm4 =	vmand vm13, vm12;
	vm15 =	vgt.f32 v52, v4;
	[tilespmem:v19+s2+$0x0] =	vst.idx.msk vm3, v48;
	v1 =	vsel vm14, v61, v1  }
0x4ab: {  	v13 =	vsel vm14, v50, v13;
	v55 =	vsel vm15, v4, v52;
	[tilespmem:v19+s9+$0x0] =	vst.idx.msk vm3, v30;
	(xrf0) =	vadd.scan.msk.s32 vm4, v0  }
0x4ac: {  	v4 =	vsel vm15, v52, v4;
	vm11 =	vgt.f32 v55, v1;
	[tilespmem:v19+s10+$0x0] =	vst.idx.msk vm3, v29  }
0x4ad: {  	v54 =	vmul.f32 v53, v34;
	v2 =	vadd.s32 v2, v20;
	[tilespmem:v8+s2+$0x0] =	vst.idx.msk vm6, v33;
	v20, _, _ =	vpop (xrf0)  }
0x4ae: {  	vm10 =	vgt.f32 v51, $-9.999999930e+36;
	v61 =	vld [tilespmem:s23+$0x70];
	v58 =	vsel vm15, v21, v8;
	[tilespmem:v8+s9+$0x0] =	vst.idx.msk vm6, v28;
	v19 =	vadd.s32 v2, v20  }
0x4af: {  	v21 =	vsel vm15, v8, v21;
	vm3 =	vle.f32 v54, $4.499999880e-01;
	[tilespmem:v8+s10+$0x0] =	vst.idx.msk vm6, v23;
	v8 =	vnsel vm5, $0xFF800000, v14;
	v20 =	vld [tilespmem:s23+$0x60]  }
0x4b0: {  	v59 =	vmpcnt.ones.xlane vm5;
	v1 =	vsel vm11, v55, v1;
	v57 =	vpop (erf);
	vm3 =	vmand vm10, vm3  }
0x4b1: {  	v13 =	vsel vm11, v58, v13;
	v26 =	vmul.f32 v57, v35;
	(xrf0) =	vadd.scan.msk.s32 vm3, v0;
	v60, _, _ =	vpop (xrf0);
	vm13 =	vgt.f32 v8, v4  }
0x4b2: {  	v2 =	vadd.s32 v2, v59;
	v62 =	vsel vm13, v4, v8;
	v4 =	vsel vm13, v8, v4;
	v8 =	vpop (erf)  }
0x4b3: {  	vm11 =	vgt.f32 v61, $-9.999999930e+36;
	[tilespmem:v19+s2+$0x0] =	vst.idx.msk vm5, v14;
	v14 =	vadd.s32 v2, v60;
	v3 =	vmul.f32 v8, v3  }
0x4b4: {  	vm12 =	vle.f32 v26, $4.499999880e-01;
	v63 =	vsel vm13, v21, v19;
	vm14 =	vgt.f32 v20, $-9.999999930e+36  }
0x4b5: {  	vm15 =	vgt.f32 v62, v1;
	v8 =	vmpcnt.ones.xlane vm4;
	vm6 =	vmand vm14, vm12  }
0x4b6: {  	v21 =	vsel vm13, v19, v21;
	v1 =	vsel vm15, v62, v1;
	[tilespmem:v19+s9+$0x0] =	vst.idx.msk vm5, v25;
	(xrf0) =	vadd.scan.msk.s32 vm6, v0  }
0x4b7: {  	v13 =	vsel vm15, v63, v13;
	[tilespmem:v19+s10+$0x0] =	vst.idx.msk vm5, v18;
	v2 =	vadd.s32 v2, v8;
	vm10 =	vle.f32 v3, $4.499999880e-01;
	v3, _, _ =	vpop (xrf0)  }
0x4b8: {  	v8 =	vnsel vm4, $0xFF800000, v16;
	vm5 =	vmand vm11, vm10;
	[tilespmem:v14+s2+$0x0] =	vst.idx.msk vm4, v16;
	v3 =	vadd.s32 v2, v3  }
0x4b9: {  	vm12 =	vgt.f32 v8, v4;
	(xrf0) =	vadd.scan.msk.s32 vm5, v0;
	v16 =	vmpcnt.ones.xlane vm3;
	[tilespmem:v14+s9+$0x0] =	vst.idx.msk vm4, v22  }
0x4ba: {  	[tilespmem:v14+s10+$0x0] =	vst.idx.msk vm4, v17;
	v17 =	vsel vm12, v4, v8;
	v4 =	vsel vm12, v8, v4  }
0x4bb: {  	v2 =	vadd.s32 v2, v16;
	v8 =	vsel vm12, v21, v14;
	vm13 =	vgt.f32 v17, v1  }
0x4bc: {  	v14 =	vsel vm12, v14, v21;
	v18, _, _ =	vpop (xrf0);
	v1 =	vsel vm13, v17, v1;
	v17 =	vnsel vm3, $0xFF800000, v51  }
0x4bd: {  	v16 =	vadd.s32 v2, v18;
	v18 =	vmpcnt.ones.xlane vm6;
	[tilespmem:v3+s2+$0x0] =	vst.idx.msk vm3, v51;
	vm14 =	vgt.f32 v17, v4  }
0x4be: {  	v8 =	vsel vm13, v8, v13;
	[tilespmem:v3+s9+$0x0] =	vst.idx.msk vm3, v11;
	v11 =	vsel vm14, v4, v17  }
0x4bf: {  	v13, _, _ =	vpop (xrf0);
	v2 =	vadd.s32 v2, v18;
	v4 =	vsel vm14, v17, v4;
	v17 =	vsel vm14, v14, v3  }
0x4c0: {  	[tilespmem:v3+s10+$0x0] =	vst.idx.msk vm3, v24;
	v18 =	vadd.s32 v2, v13;
	vm3 =	vgt.f32 v11, v1  }
0x4c1: {  	v3 =	vsel vm14, v3, v14;
	v13 =	vnsel vm6, $0xFF800000, v20;
	v1 =	vsel vm3, v11, v1  }
0x4c2: {  	vm15 =	vgt.f32 v13, v4;
	v8 =	vsel vm3, v17, v8;
	[tilespmem:v16+s2+$0x0] =	vst.idx.msk vm6, v20  }
0x4c3: {  	s20 =	sadd.s32 $0x10, s20;
	v11 =	vsel vm15, v3, v16;
	[tilespmem:v16+s9+$0x0] =	vst.idx.msk vm6, v9;
	v9 =	vsel vm15, v4, v13  }
0x4c4: {  	p0 =	slt.s32 s20, s19;
	v3 =	vsel vm15, v16, v3;
	[tilespmem:v16+s10+$0x0] =	vst.idx.msk vm6, v15;
	vm3 =	vgt.f32 v9, v1  }
.Ltmp27:
0x4c5: {  	v4 =	vsel vm15, v13, v4;
	v1 =	vsel vm3, v9, v1;
	[tilespmem:v18+s2+$0x0] =	vst.idx.msk vm5, v61;
	v9 =	vnsel vm5, $0xFF800000, v61;
	(pc) =	sbr.rel @p0 .LBB2_25-.Ltmp27, $4  }
0x4c6: {  	v8 =	vsel vm3, v11, v8;
	[tilespmem:v18+s9+$0x0] =	vst.idx.msk vm5, v10;
	vm3 =	vgt.f32 v9, v4  }
0x4c7: {  	[tilespmem:v18+s10+$0x0] =	vst.idx.msk vm5, v12;
	v10 =	vsel vm3, v4, v9;
	v11 =	vsel vm3, v3, v18;
	v12 =	vmpcnt.ones.xlane vm5  }
0x4c8: {  	v13 =	vsel vm3, v9, v4;
	v14 =	vsel vm3, v18, v3;
	vm3 =	vgt.f32 v10, v1  }
0x4c9: {  	s22 =	sadd.s32 $0x100, s22;
	s21 =	sadd.s32 $0x100, s21;
	s23 =	sadd.s32 $0x100, s23;
	v10 =	vsel vm3, v10, v1;
	v8 =	vsel vm3, v11, v8;
	v19 =	vadd.s32 v2, v12  }
.Ltmp28:
0x4ca: {  	_ = 	snop;
	(pc) =	sbr.rel .LBB2_20-.Ltmp28, $1  }
0x4cb: {  	_ =	sdelay $0x3  }
.LBB2_10:
0x4cc: {  	v14 =	vimm.s32 $0x0  }
0x4cd: {  	v26 =	vimm.s32 $0xFFFFFFFF;
	v10 =	vimm.f32 $-Inf;
	v8 =	vimm.s32 $0x0  }
.LBB2_11:
0x4ce: {  	s20 =	ssub.s32 s18, s19  }
0x4cf: {  	p0 =	slt.s32 s20, $0x1  }
.Ltmp29:
0x4d0: {  	_ = 	snop;
	(pc) =	sbr.rel @p0 .LBB2_12-.Ltmp29, $1  }
0x4d1: {  	_ =	sdelay $0x3  }
0x4d2: {  	s20 =	sshll.u32 s19, $0x6  }
0x4d3: {  	s22 =	sshra.s32 s20, $0x2  }
0x4d4: {  	v56 =	vlaneseq.u32;
	s20 =	sadd.s32 $0xEB80, s22;
	s21 =	sadd.s32 $0x13A00, s22;
	s22 =	sadd.s32 $0x18880, s22  }
.LBB2_16:
0x4d5: {  	v1 =	vld [tilespmem:s21+$0x0]  }
0x4d6: {  	v2 =	vld [tilespmem:s22+$0x0];
	_ =	sdelay $0x4  }
0x4d7: {  	v3 =	vsub.f32 v2, v1  }
0x4d8: {  	v4 =	vmin.f32 v2, v5;
	v15 =	vmax.f32 v1, v6;
	v16 =	vmax.f32 v1, v9  }
0x4d9: {  	v4 =	vsub.f32 v4, v15;
	v15 =	vmin.f32 v2, v11;
	v3 =	vmax.f32 v3, $0.0e+00  }
0x4da: {  	v15 =	vsub.f32 v15, v16;
	v17 =	vadd.f32 v3, v7  }
0x4db: {  	v4 =	vmax.f32 v4, $0.0e+00;
	v3 =	vadd.f32 v3, v12  }
0x4dc: {  	v15 =	vmax.f32 v15, $0.0e+00;
	v61 =	vsub.f32 v17, v4  }
0x4dd: {  	v3 =	vsub.f32 v3, v15  }
0x4de: {  	v16 =	vmax.f32 v61, $9.999999960e-13  }
0x4df: {  	v3 =	vmax.f32 v3, $9.999999960e-13;
	(erf) = vrcp.f32 v16  }
0x4e0: {  	(erf) = vrcp.f32 v3;
	_ =	sdelay $0x7  }
0x4e1: {  	v62 =	vld [tilespmem:s20+$0x0];
	v3 =	vpop (erf)  }
0x4e2: {  	v63 =	vpop (erf)  }
0x4e3: {  	v3 =	vmul.f32 v3, v4;
	v4 =	vmul.f32 v63, v15;
	_ =	sdelay $0x1  }
0x4e4: {  	vm3 =	vle.f32 v3, $4.499999880e-01;
	vm4 =	vle.f32 v4, $4.499999880e-01  }
0x4e5: {  	vm5 =	vgt.f32 v62, $-9.999999930e+36;
	vm3 =	vmand vm3, vm4  }
0x4e6: {  	vm3 =	vmand vm3, vm5  }
0x4e7: {  	(xrf0) =	vadd.scan.msk.s32 vm3, v0;
	_ =	sdelay $0x5  }
0x4e8: {  	v3, _, _ =	vpop (xrf0)  }
0x4e9: {  	v3 =	vadd.s32 v26, v3;
	_ =	sdelay $0x1  }
0x4ea: {  	s19 =	sadd.s32 $0x1, s19  }
0x4eb: {  	p0 =	slt.s32 s19, s18;
	v15 =	vmpcnt.ones.xlane vm3  }
.Ltmp30:
0x4ec: {  	v4 =	vnsel vm3, $0xFF800000, v62;
	(pc) =	sbr.rel @p0 .LBB2_16-.Ltmp30, $4  }
0x4ed: {  	vm15 =	vgt.f32 v4, v13;
	v26 =	vadd.s32 v26, v15;
	[tilespmem:v3+s2+$0x0] =	vst.idx.msk vm3, v62  }
0x4ee: {  	[tilespmem:v3+s9+$0x0] =	vst.idx.msk vm3, v1;
	v1 =	vsel vm15, v13, v4;
	v13 =	vsel vm15, v4, v13  }
0x4ef: {  	[tilespmem:v3+s10+$0x0] =	vst.idx.msk vm3, v2;
	v2 =	vsel vm15, v14, v3;
	vm3 =	vgt.f32 v1, v10  }
0x4f0: {  	s20 =	sadd.s32 $0x10, s20;
	s21 =	sadd.s32 $0x10, s21;
	s22 =	sadd.s32 $0x10, s22;
	v14 =	vsel vm15, v3, v14;
	v10 =	vsel vm3, v1, v10;
	v8 =	vsel vm3, v2, v8  }
.Ltmp31:
0x4f1: {  	_ = 	snop;
	(pc) =	sbr.rel .LBB2_17-.Ltmp31, $1  }
0x4f2: {  	_ =	sdelay $0x3  }
.LBB2_12:
0x4f3: {  	v56 =	vlaneseq.u32  }
.LBB2_17:
0x4f4: {  	v1 =	vxor.u32 $0x80000000, v26  }
0x4f5: {  	(xrf0) =	vmax.scan.msk.u32 $0xffff, v1;
	_ =	sdelay $0x5  }
0x4f6: {  	v1, _, _ =	vpop (xrf0)  }
0x4f7: {  	(v2sf) =	vpush v1, $0xF;
	_ =	sdelay $0xe  }
0x4f8: {  	s18 =	spop (v2sf)  }
0x4f9: {  	s18 =	sadd.s32 $0x80000001, s18  }
0x4fa: {  	v1 =	vadd.s32 s18, v56  }
.Ltmp32:
0x4fb: {  	_ = 	snop;
	(pc) =	sbr.rel .LBB2_47-.Ltmp32, $3  }
0x4fc: {  	_ =	sdelay $0x1  }
0x4fd: {  	v2 =	vimm.f32 $-Inf  }
0x4fe: {  	s19 =	simm.s32 $0x2;
	[tilespmem:v1+s2+$0x0] =	vst.idx.msk $0xffff, v2  }
.LBB2_39:
0x4ff: {  	v14 =	vimm.s32 $0x0  }
0x500: {  	v19 =	vimm.s32 $0xFFFFFFFF;
	v10 =	vimm.f32 $-Inf;
	v8 =	vimm.s32 $0x0  }
.LBB2_40:
0x501: {  	s20 =	ssub.s32 s18, s19  }
0x502: {  	p0 =	slt.s32 s20, $0x1  }
.Ltmp33:
0x503: {  	_ = 	snop;
	(pc) =	sbr.rel @p0 .LBB2_43-.Ltmp33, $1  }
0x504: {  	_ =	sdelay $0x3  }
0x505: {  	s20 =	sshll.u32 s19, $0x6  }
0x506: {  	s20 =	sshra.s32 s20, $0x2  }
0x507: {  	s21 =	sadd.s32 $0x4E80, s20;
	s22 =	sadd.s32 $0x9D00, s20  }
.LBB2_42:
0x508: {  	v1 =	vld [tilespmem:s21+$0x0]  }
0x509: {  	v2 =	vld [tilespmem:s22+$0x0];
	_ =	sdelay $0x4  }
0x50a: {  	v3 =	vsub.f32 v2, v1  }
0x50b: {  	v4 =	vmin.f32 v2, v5;
	v9 =	vmax.f32 v1, v6  }
0x50c: {  	v4 =	vsub.f32 v4, v9;
	v3 =	vmax.f32 v3, $0.0e+00  }
0x50d: {  	v3 =	vadd.f32 v3, v7  }
0x50e: {  	v4 =	vmax.f32 v4, $0.0e+00  }
0x50f: {  	v3 =	vsub.f32 v3, v4;
	_ =	sdelay $0x1  }
0x510: {  	v3 =	vmax.f32 v3, $9.999999960e-13  }
0x511: {  	(erf) = vrcp.f32 v3;
	_ =	sdelay $0x6  }
0x512: {  	v3 =	vld [tilespmem:s20+$0x0];
	_ =	sdelay $0x1  }
0x513: {  	v9 =	vpop (erf)  }
0x514: {  	v4 =	vmul.f32 v9, v4;
	_ =	sdelay $0x1  }
0x515: {  	vm4 =	vgt.f32 v3, $-9.999999930e+36;
	vm3 =	vle.f32 v4, $4.499999880e-01  }
0x516: {  	vm3 =	vmand vm4, vm3  }
0x517: {  	(xrf0) =	vadd.scan.msk.s32 vm3, v0;
	_ =	sdelay $0x5  }
0x518: {  	v4, _, _ =	vpop (xrf0)  }
0x519: {  	v4 =	vadd.s32 v19, v4;
	_ =	sdelay $0x2  }
0x51a: {  	s19 =	sadd.s32 $0x1, s19  }
0x51b: {  	p0 =	slt.s32 s19, s18  }
.Ltmp34:
0x51c: {  	v9 =	vmpcnt.ones.xlane vm3;
	[tilespmem:v4+s11+$0x0] =	vst.idx.msk vm3, v3;
	v3 =	vnsel vm3, $0xFF800000, v3;
	(pc) =	sbr.rel @p0 .LBB2_42-.Ltmp34, $4  }
0x51d: {  	[tilespmem:v4+s12+$0x0] =	vst.idx.msk vm3, v1;
	vm15 =	vgt.f32 v3, v13  }
0x51e: {  	v19 =	vadd.s32 v19, v9;
	[tilespmem:v4+s13+$0x0] =	vst.idx.msk vm3, v2;
	v1 =	vsel vm15, v13, v3  }
0x51f: {  	v2 =	vsel vm15, v14, v4;
	v13 =	vsel vm15, v3, v13;
	vm3 =	vgt.f32 v1, v10  }
0x520: {  	s21 =	sadd.s32 $0x10, s21;
	s22 =	sadd.s32 $0x10, s22;
	s20 =	sadd.s32 $0x10, s20;
	v14 =	vsel vm15, v4, v14;
	v10 =	vsel vm3, v1, v10;
	v8 =	vsel vm3, v2, v8  }
.LBB2_43:
0x521: {  	v1 =	vxor.u32 $0x80000000, v19  }
0x522: {  	(xrf0) =	vmax.scan.msk.u32 $0xffff, v1;
	_ =	sdelay $0x5  }
0x523: {  	v1, _, _ =	vpop (xrf0)  }
0x524: {  	(v2sf) =	vpush v1, $0xF;
	_ =	sdelay $0xe  }
0x525: {  	s18 =	spop (v2sf)  }
0x526: {  	s18 =	sadd.s32 $0x80000001, s18  }
0x527: {  	v1 =	vadd.s32 s18, v56  }
.Ltmp35:
0x528: {  	_ = 	snop;
	(pc) =	sbr.rel .LBB2_47-.Ltmp35, $3  }
0x529: {  	_ =	sdelay $0x1  }
0x52a: {  	v2 =	vimm.f32 $-Inf  }
0x52b: {  	s19 =	simm.s32 $0x1;
	[tilespmem:v1+s11+$0x0] =	vst.idx.msk $0xffff, v2  }
.LBB2_19:
0x52c: {  	v14 =	vimm.s32 $0x0  }
0x52d: {  	v19 =	vimm.s32 $0xFFFFFFFF;
	v10 =	vimm.f32 $-Inf;
	v8 =	vimm.s32 $0x0  }
.LBB2_20:
0x52e: {  	s20 =	ssub.s32 s18, s19  }
0x52f: {  	p0 =	slt.s32 s20, $0x1  }
.Ltmp36:
0x530: {  	_ = 	snop;
	(pc) =	sbr.rel @p0 .LBB2_23-.Ltmp36, $1  }
0x531: {  	_ =	sdelay $0x3  }
0x532: {  	s20 =	sshll.u32 s19, $0x6  }
0x533: {  	s22 =	sshra.s32 s20, $0x2  }
0x534: {  	s20 =	sadd.s32 $0xEB80, s22;
	s21 =	sadd.s32 $0x13A00, s22;
	s22 =	sadd.s32 $0x18880, s22  }
.LBB2_22:
0x535: {  	v1 =	vld [tilespmem:s21+$0x0]  }
0x536: {  	v2 =	vld [tilespmem:s22+$0x0];
	_ =	sdelay $0x4  }
0x537: {  	v3 =	vsub.f32 v2, v1  }
0x538: {  	v4 =	vmin.f32 v2, v5;
	v9 =	vmax.f32 v1, v6  }
0x539: {  	v4 =	vsub.f32 v4, v9;
	v3 =	vmax.f32 v3, $0.0e+00  }
0x53a: {  	v3 =	vadd.f32 v3, v7  }
0x53b: {  	v4 =	vmax.f32 v4, $0.0e+00  }
0x53c: {  	v3 =	vsub.f32 v3, v4;
	_ =	sdelay $0x1  }
0x53d: {  	v3 =	vmax.f32 v3, $9.999999960e-13  }
0x53e: {  	(erf) = vrcp.f32 v3;
	_ =	sdelay $0x6  }
0x53f: {  	v3 =	vld [tilespmem:s20+$0x0];
	_ =	sdelay $0x1  }
0x540: {  	v9 =	vpop (erf)  }
0x541: {  	v4 =	vmul.f32 v9, v4;
	_ =	sdelay $0x1  }
0x542: {  	vm4 =	vgt.f32 v3, $-9.999999930e+36;
	vm3 =	vle.f32 v4, $4.499999880e-01  }
0x543: {  	vm3 =	vmand vm4, vm3  }
0x544: {  	(xrf0) =	vadd.scan.msk.s32 vm3, v0;
	_ =	sdelay $0x5  }
0x545: {  	v4, _, _ =	vpop (xrf0)  }
0x546: {  	v4 =	vadd.s32 v19, v4;
	_ =	sdelay $0x2  }
0x547: {  	s19 =	sadd.s32 $0x1, s19  }
0x548: {  	p0 =	slt.s32 s19, s18  }
.Ltmp37:
0x549: {  	v9 =	vmpcnt.ones.xlane vm3;
	[tilespmem:v4+s2+$0x0] =	vst.idx.msk vm3, v3;
	v3 =	vnsel vm3, $0xFF800000, v3;
	(pc) =	sbr.rel @p0 .LBB2_22-.Ltmp37, $4  }
0x54a: {  	[tilespmem:v4+s9+$0x0] =	vst.idx.msk vm3, v1;
	vm15 =	vgt.f32 v3, v13  }
0x54b: {  	v19 =	vadd.s32 v19, v9;
	[tilespmem:v4+s10+$0x0] =	vst.idx.msk vm3, v2;
	v1 =	vsel vm15, v13, v3  }
0x54c: {  	v2 =	vsel vm15, v14, v4;
	v13 =	vsel vm15, v3, v13;
	vm3 =	vgt.f32 v1, v10  }
0x54d: {  	s21 =	sadd.s32 $0x10, s21;
	s22 =	sadd.s32 $0x10, s22;
	s20 =	sadd.s32 $0x10, s20;
	v14 =	vsel vm15, v4, v14;
	v10 =	vsel vm3, v1, v10;
	v8 =	vsel vm3, v2, v8  }
.LBB2_23:
0x54e: {  	v1 =	vxor.u32 $0x80000000, v19  }
0x54f: {  	(xrf0) =	vmax.scan.msk.u32 $0xffff, v1;
	_ =	sdelay $0x5  }
0x550: {  	v1, _, _ =	vpop (xrf0)  }
0x551: {  	(v2sf) =	vpush v1, $0xF;
	_ =	sdelay $0xe  }
0x552: {  	s18 =	spop (v2sf)  }
0x553: {  	s18 =	sadd.s32 $0x80000001, s18  }
0x554: {  	v1 =	vadd.s32 s18, v56  }
.Ltmp38:
0x555: {  	_ = 	snop;
	(pc) =	sbr.rel .LBB2_47-.Ltmp38, $3  }
0x556: {  	_ =	sdelay $0x1  }
0x557: {  	v2 =	vimm.f32 $-Inf  }
0x558: {  	s19 =	simm.s32 $0x1;
	[tilespmem:v1+s2+$0x0] =	vst.idx.msk $0xffff, v2  }
.LBB2_49:
0x559: {  	_ =	sfence.sel $0x180000  }
0x55a: {  	[bflag:$0x0] =	sbarrier.arrive $0xFFFF  }
0x55b: {  	p0 =	sne.s32 s1, $0x0;
	_ =	strace $0x90000047  }
0x55c: {  	s0 =	sadd.s32 @!p0 $0x100000, s0;
	[bflag:$0x2] =	sbarrier.arrive $0xFFFF  }
0x55d: {  	[sflag:s0] =	ssyncadd.tile.s32 @!p0 $0x1;
	_ =	shalt  }
.Lfunc_end2:
_tile_overlayer_lowered:
.L_overlay_start_2:
0x55e: {  	(tag) =	ssettag $0x2  }
0x55f: {  	s0 =	rddreg [dreg:$0x0];
	s2 =	stileid.u32  }
0x560: {  	s1 =	rddreg [dreg:$0x1];
	p0 =	sne.s32 s2, $0x0  }
0x561: {  	s3 =	rddreg [dreg:$0x2];
	[bflag:$0x3] =	sbarrier.arrive $0xFFFF;
	s2 =	simm.s32 @!p0 $0x1C01  }
0x562: {  	[timem:s3], [sflag:s2] =	dma.local @!p0 [hbm:s0], s1  }
0x563: {  	s0 =	simm.s32 @!p0 $0x1  }
0x564: {  	_ =	swait.ge @!p0 [sflag:s0], s1  }
0x565: {  	s1 =	ssub.s32 @!p0 $0x0, s1;
	[sflag:s0] =	ssyncset.done @!p0 $0x0  }
0x566: {  	[sflag:s0] =	ssyncadd.s32 @!p0 s1  }
0x567: {  	[bflag:$0x3] =	sbarrier.arrive $0xFFFF  }
0x568: {  	_ =	shalt  }

</sc_bundles>
